<compile_context>
chip_gen: v7x
topology: tpu7x:2x2x1
jax: 0.10.2.dev20260603
libtpu: 0.0.44.dev20260713+nightly
codegen_flags: <defaults>
</compile_context>

<pallas_src>
import functools

import jax
import jax.numpy as jnp
from jax import lax
from jax.experimental import pallas as pl
from jax.experimental.pallas import tpu as pltpu
from jax.experimental.pallas import tpu_sc as plsc

N = 16384
D = 256
M = 512
S = 1024

NUM_CORES = 2
NUM_SUBCORES = 16
NUM_WORKERS = NUM_CORES * NUM_SUBCORES
SEGS_PER_WORKER = S // NUM_WORKERS
CHUNK = 128
LANES = 16
D_VECS = D // LANES


def _lower_bound_vec(seg_v, targets):
    pos = jnp.zeros((LANES,), jnp.int32)
    sz = N // 2
    while sz >= 1:
        probe = plsc.load_gather(seg_v, [pos + (sz - 1)])
        pos = jnp.where(probe < targets, pos + sz, pos)
        sz //= 2
    probe = plsc.load_gather(seg_v, [pos])
    return jnp.where(probe < targets, pos + 1, pos)


def _sc_body(data1_hbm, seg_hbm, agg_out, cnt_out,
             seg_v, buf_v, buf2_v, buf3_v, acc_v, cnt_v, b_sm,
             sem0, sem1, sem2, sem_seg):
    c = lax.axis_index("c")
    s = lax.axis_index("s")
    wid = c * NUM_SUBCORES + s
    s_lo = wid * SEGS_PER_WORKER

    seg_copy = pltpu.make_async_copy(seg_hbm, seg_v.at[pl.ds(0, N)], sem_seg)
    pltpu.async_copy(seg_hbm, seg_v.at[pl.ds(0, N)], sem_seg)

    zero = jnp.zeros((LANES,), jnp.float32)

    def zero_body(j, carry):
        for k in range(D_VECS):
            acc_v[j, pl.ds(k * LANES, LANES)] = zero
        return carry

    lax.fori_loop(0, SEGS_PER_WORKER, zero_body, 0, unroll=False)
    seg_copy.wait()

    lane = lax.iota(jnp.int32, LANES)
    lb0 = _lower_bound_vec(seg_v, s_lo + lane)
    lb1 = _lower_bound_vec(seg_v, s_lo + LANES + lane)
    ub0 = _lower_bound_vec(seg_v, s_lo + 1 + lane)
    ub1 = _lower_bound_vec(seg_v, s_lo + LANES + 1 + lane)

    r_lo = lb0[0]
    r_hi = ub1[LANES - 1]
    c_lo = lax.shift_right_logical(r_lo, 7)
    c_hi = lax.shift_right_logical(r_hi + (CHUNK - 1), 7)

    def process_chunk(ci, buf, carry):
        row0 = ci * CHUNK

        def seg_body(j, carry, _buf=buf, _row0=row0):
            lo = jnp.maximum(b_sm[j], _row0)
            hi = jnp.minimum(b_sm[j + 1], _row0 + CHUNK)

            def row_body(r, accs):
                rr = r - _row0
                return tuple(
                    accs[k] + _buf[rr, pl.ds(k * LANES, LANES)]
                    for k in range(D_VECS)
                )

            accs = lax.fori_loop(lo, hi, row_body, (zero,) * D_VECS,
                                 unroll=False)

            @pl.when(hi > lo)
            def _():
                for k in range(D_VECS):
                    plsc.addupdate(acc_v.at[j, pl.ds(k * LANES, LANES)],
                                   accs[k])

            return carry

        return lax.fori_loop(0, SEGS_PER_WORKER, seg_body, carry,
                             unroll=False)

    def issue(ci, buf, sem):
        pltpu.async_copy(data1_hbm.at[pl.ds(ci * CHUNK, CHUNK)], buf, sem)

    def drain(buf, sem):
        pltpu.make_async_copy(data1_hbm.at[pl.ds(0, CHUNK)], buf, sem).wait()

    rings = ((buf_v, sem0), (buf2_v, sem1), (buf3_v, sem2))
    for i, (buf, sem) in enumerate(rings):
        @pl.when(c_lo + i < c_hi)
        def _(i=i, buf=buf, sem=sem):
            issue(c_lo + i, buf, sem)

    for i in range(LANES):
        b_sm[i] = lb0[i]
        b_sm[LANES + i] = lb1[i]
    b_sm[SEGS_PER_WORKER] = ub1[LANES - 1]
    cnt_v[pl.ds(0, LANES)] = (ub0 - lb0).astype(jnp.float32)
    cnt_v[pl.ds(LANES, LANES)] = (ub1 - lb1).astype(jnp.float32)
    pltpu.sync_copy(cnt_v, cnt_out.at[pl.ds(s_lo, SEGS_PER_WORKER)])

    def trio_body(p, carry):
        c0 = c_lo + 3 * p
        for i, (buf, sem) in enumerate(rings):
            ci = c0 + i

            @pl.when(ci < c_hi)
            def _(buf=buf, sem=sem):
                drain(buf, sem)

            carry = process_chunk(ci, buf, carry)

            @pl.when(ci + 3 < c_hi)
            def _(ci=ci, buf=buf, sem=sem):
                issue(ci + 3, buf, sem)
        return carry

    ntrios = (c_hi - c_lo + 2) // 3
    lax.fori_loop(0, ntrios, trio_body, jnp.int32(0), unroll=False)

    pltpu.sync_copy(acc_v, agg_out.at[pl.ds(s_lo, SEGS_PER_WORKER)])


@functools.cache
def _sc_segment_sum():
    return pl.kernel(
        _sc_body,
        out_type=(
            jax.ShapeDtypeStruct((S, D), jnp.float32),
            jax.ShapeDtypeStruct((S,), jnp.float32),
        ),
        mesh=plsc.VectorSubcoreMesh(core_axis_name="c", subcore_axis_name="s",
                                    num_cores=NUM_CORES,
                                    num_subcores=NUM_SUBCORES),
        compiler_params=pltpu.CompilerParams(needs_layout_passes=False),
        scratch_types=[
            pltpu.VMEM((N + LANES,), jnp.int32),
            pltpu.VMEM((CHUNK, D), jnp.float32),
            pltpu.VMEM((CHUNK, D), jnp.float32),
            pltpu.VMEM((CHUNK, D), jnp.float32),
            pltpu.VMEM((SEGS_PER_WORKER, D), jnp.float32),
            pltpu.VMEM((SEGS_PER_WORKER,), jnp.float32),
            pltpu.SMEM((SEGS_PER_WORKER + 1,), jnp.int32),
            pltpu.SemaphoreType.DMA,
            pltpu.SemaphoreType.DMA,
            pltpu.SemaphoreType.DMA,
            pltpu.SemaphoreType.DMA,
        ],
    )


M_BLK = 128


def _tc_body(agg_ref, cnt_ref, d2_ref, out_ref):
    mat = lax.dot_general(agg_ref[...], d2_ref[...],
                          dimension_numbers=(((1,), (1,)), ((), ())),
                          preferred_element_type=jnp.float32)
    out_ref[...] = mat / jnp.maximum(cnt_ref[...], 1.0)


_tc_matmul = pl.pallas_call(
    _tc_body,
    out_shape=jax.ShapeDtypeStruct((S, M), jnp.float32),
)


@jax.jit
def kernel(data1, data2, segment_ids):
    seg = segment_ids.astype(jnp.int32)
    agg, cnt = _sc_segment_sum()(data1, seg)
    return _tc_matmul(agg, cnt.reshape(S, 1), data2)

# --- scband reference (transcript-rebuilt; emitter-appended) ---
"""Pipeline reference for scband-torch-aggregate-kernel-13400297963821 (READ-ONLY COPY).

The authoritative reference and input builder live on the scoring server;
editing this copy changes nothing except your own understanding.
"""

import jax, jax.numpy as jnp
import numpy as np

N = 16384
D = 256
M = 512
S = 1024

def setup_inputs(seed: int = 0) -> dict:
    key = jax.random.key(seed)
    k1, k2, k3 = jax.random.split(key, 3)
    data1 = jax.random.normal(k1, (N, D), dtype=jnp.float32)
    data2 = jax.random.normal(k2, (M, D), dtype=jnp.float32)
    segment_ids = jnp.sort(jax.random.randint(k3, (N,), 0, S))
    return {"data1": data1, "data2": data2, "segment_ids": segment_ids}

def reference(data1, data2, segment_ids):
    # compute_kernel: linear kernel between atomic-environment features (tensor1)
    # and pseudo points (tensor2): K[n, m] = <data1[n], data2[m]>
    K = data1 @ data2.T  # [N, M]
    # aggregate_kernel with aggregate_type='mean', are_pseudo_points=(False, True):
    # mean_over_samples along the sample axis grouped by structure id
    sums = jax.ops.segment_sum(K, segment_ids, num_segments=S)  # [S, M]
    counts = jax.ops.segment_sum(jnp.ones((N,), dtype=jnp.float32), segment_ids, num_segments=S)
    out = sums / jnp.maximum(counts, 1.0)[:, None]
    return out

if __name__ == "__main__":
    import jax
    _d = setup_inputs()
    print(jax.jit(kernel)(*tuple(_d.values())))

</pallas_src>

<mosaic_0001>
#map = affine_map<(d0, d1) -> (0, 0)>
#map1 = affine_map<(d0, d1) -> (0)>
module attributes {stable_mosaic.version = 14 : i64} {
  func.func @_sc_body(%arg0: i32, %arg1: i32, %arg2: memref<16384x256xf32, #tpu.memory_space<hbm>>, %arg3: memref<16384xi32, #tpu.memory_space<hbm>>, %arg4: memref<1024x256xf32, #tpu.memory_space<hbm>>, %arg5: memref<1024xf32, #tpu.memory_space<hbm>>, %arg6: memref<16400xi32, #tpu.memory_space<vmem>>, %arg7: memref<128x256xf32, #tpu.memory_space<vmem>>, %arg8: memref<128x256xf32, #tpu.memory_space<vmem>>, %arg9: memref<128x256xf32, #tpu.memory_space<vmem>>, %arg10: memref<32x256xf32, #tpu.memory_space<vmem>>, %arg11: memref<32xf32, #tpu.memory_space<vmem>>, %arg12: memref<33xi32, #tpu.memory_space<smem>>, %arg13: memref<!tpu.dma_semaphore, #tpu.memory_space<semaphore_mem>>, %arg14: memref<!tpu.dma_semaphore, #tpu.memory_space<semaphore_mem>>, %arg15: memref<!tpu.dma_semaphore, #tpu.memory_space<semaphore_mem>>, %arg16: memref<!tpu.dma_semaphore, #tpu.memory_space<semaphore_mem>>) attributes {dimension_semantics = [#tpu.dimension_semantics<core_parallel>, #tpu.dimension_semantics<subcore_parallel>], iteration_bounds = array<i64: 2, 16>, scalar_prefetch = 0 : i64, scratch_operands = 11 : i64, tpu.core_type = #tpu.core_type<sc_vector_subcore>, window_params = [{transform_indices = #map}, {transform_indices = #map1}, {transform_indices = #map}, {transform_indices = #map1}]} {
    %mul3A = arith.constant 16 : i32
    %mul3A_0 = arith.muli %arg0, %mul3A : i32
    %add3A = arith.addi %mul3A_0, %arg1 : i32
    %mul3A_1 = arith.constant 32 : i32
    %mul3A_2 = arith.muli %add3A, %mul3A_1 : i32
    %dma_start3A = arith.constant 0 : i32
    %dma_start3A_3 = tpu.memref_slice %arg6[%dma_start3A] : memref<16400xi32, #tpu.memory_space<vmem>> -> memref<16384xi32, #tpu.memory_space<vmem>>
    %dma_start3A_4 = arith.constant 0 : i32
    %dma_start3A_5 = tpu.memref_slice %arg6[%dma_start3A_4] : memref<16400xi32, #tpu.memory_space<vmem>> -> memref<16384xi32, #tpu.memory_space<vmem>>
    tpu.enqueue_dma source(%arg3 : memref<16384xi32, #tpu.memory_space<hbm>>) target(%dma_start3A_5 : memref<16384xi32, #tpu.memory_space<vmem>>) target_semaphore(%arg16 : memref<!tpu.dma_semaphore, #tpu.memory_space<semaphore_mem>>)
    %broadcast_in_dim3A = arith.constant 0.000000e+00 : f32
    %broadcast_in_dim3A_6 = vector.broadcast %broadcast_in_dim3A : f32 to vector<16xf32>
    %scan3A = arith.constant 0 : i32
    %scan3A_7 = arith.constant 0 : i32
    %scan3A_8 = arith.constant 32 : i32
    %scan3A_9 = arith.addi %scan3A_7, %scan3A_8 : i32
    %scan3A_10 = arith.constant 1 : i32
    scf.for %scan3A_788 = %scan3A_7 to %scan3A_9 step %scan3A_10  : i32 {
      %swap3A_789 = arith.index_cast %scan3A_788 : i32 to index
      %swap3A_790 = arith.constant 0 : index
      %swap3A_791 = tpu.vector_load %arg10[%swap3A_789, %swap3A_790] {strides = array<i32>} : memref<32x256xf32, #tpu.memory_space<vmem>>, vector<16xf32>,
      tpu.vector_store %arg10[%swap3A_789, %swap3A_790], %broadcast_in_dim3A_6 {strides = array<i32>} : memref<32x256xf32, #tpu.memory_space<vmem>>, vector<16xf32>,
      %swap3A_792 = arith.index_cast %scan3A_788 : i32 to index
      %swap3A_793 = arith.constant 16 : index
      %swap3A_794 = tpu.vector_load %arg10[%swap3A_792, %swap3A_793] {strides = array<i32>} : memref<32x256xf32, #tpu.memory_space<vmem>>, vector<16xf32>,
      tpu.vector_store %arg10[%swap3A_792, %swap3A_793], %broadcast_in_dim3A_6 {strides = array<i32>} : memref<32x256xf32, #tpu.memory_space<vmem>>, vector<16xf32>,
      %swap3A_795 = arith.index_cast %scan3A_788 : i32 to index
      %swap3A_796 = arith.constant 32 : index
      %swap3A_797 = tpu.vector_load %arg10[%swap3A_795, %swap3A_796] {strides = array<i32>} : memref<32x256xf32, #tpu.memory_space<vmem>>, vector<16xf32>,
      tpu.vector_store %arg10[%swap3A_795, %swap3A_796], %broadcast_in_dim3A_6 {strides = array<i32>} : memref<32x256xf32, #tpu.memory_space<vmem>>, vector<16xf32>,
      %swap3A_798 = arith.index_cast %scan3A_788 : i32 to index
      %swap3A_799 = arith.constant 48 : index
      %swap3A_800 = tpu.vector_load %arg10[%swap3A_798, %swap3A_799] {strides = array<i32>} : memref<32x256xf32, #tpu.memory_space<vmem>>, vector<16xf32>,
      tpu.vector_store %arg10[%swap3A_798, %swap3A_799], %broadcast_in_dim3A_6 {strides = array<i32>} : memref<32x256xf32, #tpu.memory_space<vmem>>, vector<16xf32>,
      %swap3A_801 = arith.index_cast %scan3A_788 : i32 to index
      %swap3A_802 = arith.constant 64 : index
      %swap3A_803 = tpu.vector_load %arg10[%swap3A_801, %swap3A_802] {strides = array<i32>} : memref<32x256xf32, #tpu.memory_space<vmem>>, vector<16xf32>,
      tpu.vector_store %arg10[%swap3A_801, %swap3A_802], %broadcast_in_dim3A_6 {strides = array<i32>} : memref<32x256xf32, #tpu.memory_space<vmem>>, vector<16xf32>,
      %swap3A_804 = arith.index_cast %scan3A_788 : i32 to index
      %swap3A_805 = arith.constant 80 : index
      %swap3A_806 = tpu.vector_load %arg10[%swap3A_804, %swap3A_805] {strides = array<i32>} : memref<32x256xf32, #tpu.memory_space<vmem>>, vector<16xf32>,
      tpu.vector_store %arg10[%swap3A_804, %swap3A_805], %broadcast_in_dim3A_6 {strides = array<i32>} : memref<32x256xf32, #tpu.memory_space<vmem>>, vector<16xf32>,
      %swap3A_807 = arith.index_cast %scan3A_788 : i32 to index
      %swap3A_808 = arith.constant 96 : index
      %swap3A_809 = tpu.vector_load %arg10[%swap3A_807, %swap3A_808] {strides = array<i32>} : memref<32x256xf32, #tpu.memory_space<vmem>>, vector<16xf32>,
      tpu.vector_store %arg10[%swap3A_807, %swap3A_808], %broadcast_in_dim3A_6 {strides = array<i32>} : memref<32x256xf32, #tpu.memory_space<vmem>>, vector<16xf32>,
      %swap3A_810 = arith.index_cast %scan3A_788 : i32 to index
      %swap3A_811 = arith.constant 112 : index
      %swap3A_812 = tpu.vector_load %arg10[%swap3A_810, %swap3A_811] {strides = array<i32>} : memref<32x256xf32, #tpu.memory_space<vmem>>, vector<16xf32>,
      tpu.vector_store %arg10[%swap3A_810, %swap3A_811], %broadcast_in_dim3A_6 {strides = array<i32>} : memref<32x256xf32, #tpu.memory_space<vmem>>, vector<16xf32>,
      %swap3A_813 = arith.index_cast %scan3A_788 : i32 to index
      %swap3A_814 = arith.constant 128 : index
      %swap3A_815 = tpu.vector_load %arg10[%swap3A_813, %swap3A_814] {strides = array<i32>} : memref<32x256xf32, #tpu.memory_space<vmem>>, vector<16xf32>,
      tpu.vector_store %arg10[%swap3A_813, %swap3A_814], %broadcast_in_dim3A_6 {strides = array<i32>} : memref<32x256xf32, #tpu.memory_space<vmem>>, vector<16xf32>,
      %swap3A_816 = arith.index_cast %scan3A_788 : i32 to index
      %swap3A_817 = arith.constant 144 : index
      %swap3A_818 = tpu.vector_load %arg10[%swap3A_816, %swap3A_817] {strides = array<i32>} : memref<32x256xf32, #tpu.memory_space<vmem>>, vector<16xf32>,
      tpu.vector_store %arg10[%swap3A_816, %swap3A_817], %broadcast_in_dim3A_6 {strides = array<i32>} : memref<32x256xf32, #tpu.memory_space<vmem>>, vector<16xf32>,
      %swap3A_819 = arith.index_cast %scan3A_788 : i32 to index
      %swap3A_820 = arith.constant 160 : index
      %swap3A_821 = tpu.vector_load %arg10[%swap3A_819, %swap3A_820] {strides = array<i32>} : memref<32x256xf32, #tpu.memory_space<vmem>>, vector<16xf32>,
      tpu.vector_store %arg10[%swap3A_819, %swap3A_820], %broadcast_in_dim3A_6 {strides = array<i32>} : memref<32x256xf32, #tpu.memory_space<vmem>>, vector<16xf32>,
      %swap3A_822 = arith.index_cast %scan3A_788 : i32 to index
      %swap3A_823 = arith.constant 176 : index
      %swap3A_824 = tpu.vector_load %arg10[%swap3A_822, %swap3A_823] {strides = array<i32>} : memref<32x256xf32, #tpu.memory_space<vmem>>, vector<16xf32>,
      tpu.vector_store %arg10[%swap3A_822, %swap3A_823], %broadcast_in_dim3A_6 {strides = array<i32>} : memref<32x256xf32, #tpu.memory_space<vmem>>, vector<16xf32>,
      %swap3A_825 = arith.index_cast %scan3A_788 : i32 to index
      %swap3A_826 = arith.constant 192 : index
      %swap3A_827 = tpu.vector_load %arg10[%swap3A_825, %swap3A_826] {strides = array<i32>} : memref<32x256xf32, #tpu.memory_space<vmem>>, vector<16xf32>,
      tpu.vector_store %arg10[%swap3A_825, %swap3A_826], %broadcast_in_dim3A_6 {strides = array<i32>} : memref<32x256xf32, #tpu.memory_space<vmem>>, vector<16xf32>,
      %swap3A_828 = arith.index_cast %scan3A_788 : i32 to index
      %swap3A_829 = arith.constant 208 : index
      %swap3A_830 = tpu.vector_load %arg10[%swap3A_828, %swap3A_829] {strides = array<i32>} : memref<32x256xf32, #tpu.memory_space<vmem>>, vector<16xf32>,
      tpu.vector_store %arg10[%swap3A_828, %swap3A_829], %broadcast_in_dim3A_6 {strides = array<i32>} : memref<32x256xf32, #tpu.memory_space<vmem>>, vector<16xf32>,
      %swap3A_831 = arith.index_cast %scan3A_788 : i32 to index
      %swap3A_832 = arith.constant 224 : index
      %swap3A_833 = tpu.vector_load %arg10[%swap3A_831, %swap3A_832] {strides = array<i32>} : memref<32x256xf32, #tpu.memory_space<vmem>>, vector<16xf32>,
      tpu.vector_store %arg10[%swap3A_831, %swap3A_832], %broadcast_in_dim3A_6 {strides = array<i32>} : memref<32x256xf32, #tpu.memory_space<vmem>>, vector<16xf32>,
      %swap3A_834 = arith.index_cast %scan3A_788 : i32 to index
      %swap3A_835 = arith.constant 240 : index
      %swap3A_836 = tpu.vector_load %arg10[%swap3A_834, %swap3A_835] {strides = array<i32>} : memref<32x256xf32, #tpu.memory_space<vmem>>, vector<16xf32>,
      tpu.vector_store %arg10[%swap3A_834, %swap3A_835], %broadcast_in_dim3A_6 {strides = array<i32>} : memref<32x256xf32, #tpu.memory_space<vmem>>, vector<16xf32>,
    }
    %scan3A_11 = arith.constant 32 : i32
    %dma_wait3A = arith.constant 0 : i32
    %dma_wait3A_12 = tpu.memref_slice %arg6[%dma_wait3A] : memref<16400xi32, #tpu.memory_space<vmem>> -> memref<16384xi32, #tpu.memory_space<vmem>>
    %dma_wait3A_13 = arith.constant 0 : i32
    %dma_wait3A_14 = tpu.memref_slice %arg6[%dma_wait3A_13] : memref<16400xi32, #tpu.memory_space<vmem>> -> memref<16384xi32, #tpu.memory_space<vmem>>
    tpu.wait_dma2 semaphore(%arg16 : memref<!tpu.dma_semaphore, #tpu.memory_space<semaphore_mem>>) src(%arg3 : memref<16384xi32, #tpu.memory_space<hbm>>) dst(%dma_wait3A_14 : memref<16384xi32, #tpu.memory_space<vmem>>)
    %iota3A = tpu.iota {dimensions = array<i32: 0>} : vector<16xi32>
    %add3A_15 = vector.broadcast %mul3A_2 : i32 to vector<16xi32>
    %add3A_16 = arith.addi %add3A_15, %iota3A : vector<16xi32>
    %broadcast_in_dim3A_17 = arith.constant 0 : i32
    %broadcast_in_dim3A_18 = vector.broadcast %broadcast_in_dim3A_17 : i32 to vector<16xi32>
    %add3A_19 = arith.constant 8191 : i32
    %add3A_20 = vector.broadcast %add3A_19 : i32 to vector<16xi32>
    %add3A_21 = arith.addi %broadcast_in_dim3A_18, %add3A_20 : vector<16xi32>
    %gather3A = tpu.vector_load_idx %arg6[%add3A_21] : memref<16400xi32, #tpu.memory_space<vmem>>[vector<16xi32>], vector<16xi32>,
    %lt3A = arith.cmpi slt, %gather3A, %add3A_16 : vector<16xi32>
    %add3A_22 = arith.constant 8192 : i32
    %add3A_23 = vector.broadcast %add3A_22 : i32 to vector<16xi32>
    %add3A_24 = arith.addi %broadcast_in_dim3A_18, %add3A_23 : vector<16xi32>
    %select_n3A = arith.select %lt3A, %add3A_24, %broadcast_in_dim3A_18 : vector<16xi1>, vector<16xi32>
    %add3A_25 = arith.constant 4095 : i32
    %add3A_26 = vector.broadcast %add3A_25 : i32 to vector<16xi32>
    %add3A_27 = arith.addi %select_n3A, %add3A_26 : vector<16xi32>
    %gather3A_28 = tpu.vector_load_idx %arg6[%add3A_27] : memref<16400xi32, #tpu.memory_space<vmem>>[vector<16xi32>], vector<16xi32>,
    %lt3A_29 = arith.cmpi slt, %gather3A_28, %add3A_16 : vector<16xi32>
    %add3A_30 = arith.constant 4096 : i32
    %add3A_31 = vector.broadcast %add3A_30 : i32 to vector<16xi32>
    %add3A_32 = arith.addi %select_n3A, %add3A_31 : vector<16xi32>
    %select_n3A_33 = arith.select %lt3A_29, %add3A_32, %select_n3A : vector<16xi1>, vector<16xi32>
    %add3A_34 = arith.constant 2047 : i32
    %add3A_35 = vector.broadcast %add3A_34 : i32 to vector<16xi32>
    %add3A_36 = arith.addi %select_n3A_33, %add3A_35 : vector<16xi32>
    %gather3A_37 = tpu.vector_load_idx %arg6[%add3A_36] : memref<16400xi32, #tpu.memory_space<vmem>>[vector<16xi32>], vector<16xi32>,
    %lt3A_38 = arith.cmpi slt, %gather3A_37, %add3A_16 : vector<16xi32>
    %add3A_39 = arith.constant 2048 : i32
    %add3A_40 = vector.broadcast %add3A_39 : i32 to vector<16xi32>
    %add3A_41 = arith.addi %select_n3A_33, %add3A_40 : vector<16xi32>
    %select_n3A_42 = arith.select %lt3A_38, %add3A_41, %select_n3A_33 : vector<16xi1>, vector<16xi32>
    %add3A_43 = arith.constant 1023 : i32
    %add3A_44 = vector.broadcast %add3A_43 : i32 to vector<16xi32>
    %add3A_45 = arith.addi %select_n3A_42, %add3A_44 : vector<16xi32>
    %gather3A_46 = tpu.vector_load_idx %arg6[%add3A_45] : memref<16400xi32, #tpu.memory_space<vmem>>[vector<16xi32>], vector<16xi32>,
    %lt3A_47 = arith.cmpi slt, %gather3A_46, %add3A_16 : vector<16xi32>
    %add3A_48 = arith.constant 1024 : i32
    %add3A_49 = vector.broadcast %add3A_48 : i32 to vector<16xi32>
    %add3A_50 = arith.addi %select_n3A_42, %add3A_49 : vector<16xi32>
    %select_n3A_51 = arith.select %lt3A_47, %add3A_50, %select_n3A_42 : vector<16xi1>, vector<16xi32>
    %add3A_52 = arith.constant 511 : i32
    %add3A_53 = vector.broadcast %add3A_52 : i32 to vector<16xi32>
    %add3A_54 = arith.addi %select_n3A_51, %add3A_53 : vector<16xi32>
    %gather3A_55 = tpu.vector_load_idx %arg6[%add3A_54] : memref<16400xi32, #tpu.memory_space<vmem>>[vector<16xi32>], vector<16xi32>,
    %lt3A_56 = arith.cmpi slt, %gather3A_55, %add3A_16 : vector<16xi32>
    %add3A_57 = arith.constant 512 : i32
    %add3A_58 = vector.broadcast %add3A_57 : i32 to vector<16xi32>
    %add3A_59 = arith.addi %select_n3A_51, %add3A_58 : vector<16xi32>
    %select_n3A_60 = arith.select %lt3A_56, %add3A_59, %select_n3A_51 : vector<16xi1>, vector<16xi32>
    %add3A_61 = arith.constant 255 : i32
    %add3A_62 = vector.broadcast %add3A_61 : i32 to vector<16xi32>
    %add3A_63 = arith.addi %select_n3A_60, %add3A_62 : vector<16xi32>
    %gather3A_64 = tpu.vector_load_idx %arg6[%add3A_63] : memref<16400xi32, #tpu.memory_space<vmem>>[vector<16xi32>], vector<16xi32>,
    %lt3A_65 = arith.cmpi slt, %gather3A_64, %add3A_16 : vector<16xi32>
    %add3A_66 = arith.constant 256 : i32
    %add3A_67 = vector.broadcast %add3A_66 : i32 to vector<16xi32>
    %add3A_68 = arith.addi %select_n3A_60, %add3A_67 : vector<16xi32>
    %select_n3A_69 = arith.select %lt3A_65, %add3A_68, %select_n3A_60 : vector<16xi1>, vector<16xi32>
    %add3A_70 = arith.constant 127 : i32
    %add3A_71 = vector.broadcast %add3A_70 : i32 to vector<16xi32>
    %add3A_72 = arith.addi %select_n3A_69, %add3A_71 : vector<16xi32>
    %gather3A_73 = tpu.vector_load_idx %arg6[%add3A_72] : memref<16400xi32, #tpu.memory_space<vmem>>[vector<16xi32>], vector<16xi32>,
    %lt3A_74 = arith.cmpi slt, %gather3A_73, %add3A_16 : vector<16xi32>
    %add3A_75 = arith.constant 128 : i32
    %add3A_76 = vector.broadcast %add3A_75 : i32 to vector<16xi32>
    %add3A_77 = arith.addi %select_n3A_69, %add3A_76 : vector<16xi32>
    %select_n3A_78 = arith.select %lt3A_74, %add3A_77, %select_n3A_69 : vector<16xi1>, vector<16xi32>
    %add3A_79 = arith.constant 63 : i32
    %add3A_80 = vector.broadcast %add3A_79 : i32 to vector<16xi32>
    %add3A_81 = arith.addi %select_n3A_78, %add3A_80 : vector<16xi32>
    %gather3A_82 = tpu.vector_load_idx %arg6[%add3A_81] : memref<16400xi32, #tpu.memory_space<vmem>>[vector<16xi32>], vector<16xi32>,
    %lt3A_83 = arith.cmpi slt, %gather3A_82, %add3A_16 : vector<16xi32>
    %add3A_84 = arith.constant 64 : i32
    %add3A_85 = vector.broadcast %add3A_84 : i32 to vector<16xi32>
    %add3A_86 = arith.addi %select_n3A_78, %add3A_85 : vector<16xi32>
    %select_n3A_87 = arith.select %lt3A_83, %add3A_86, %select_n3A_78 : vector<16xi1>, vector<16xi32>
    %add3A_88 = arith.constant 31 : i32
    %add3A_89 = vector.broadcast %add3A_88 : i32 to vector<16xi32>
    %add3A_90 = arith.addi %select_n3A_87, %add3A_89 : vector<16xi32>
    %gather3A_91 = tpu.vector_load_idx %arg6[%add3A_90] : memref<16400xi32, #tpu.memory_space<vmem>>[vector<16xi32>], vector<16xi32>,
    %lt3A_92 = arith.cmpi slt, %gather3A_91, %add3A_16 : vector<16xi32>
    %add3A_93 = arith.constant 32 : i32
    %add3A_94 = vector.broadcast %add3A_93 : i32 to vector<16xi32>
    %add3A_95 = arith.addi %select_n3A_87, %add3A_94 : vector<16xi32>
    %select_n3A_96 = arith.select %lt3A_92, %add3A_95, %select_n3A_87 : vector<16xi1>, vector<16xi32>
    %add3A_97 = arith.constant 15 : i32
    %add3A_98 = vector.broadcast %add3A_97 : i32 to vector<16xi32>
    %add3A_99 = arith.addi %select_n3A_96, %add3A_98 : vector<16xi32>
    %gather3A_100 = tpu.vector_load_idx %arg6[%add3A_99] : memref<16400xi32, #tpu.memory_space<vmem>>[vector<16xi32>], vector<16xi32>,
    %lt3A_101 = arith.cmpi slt, %gather3A_100, %add3A_16 : vector<16xi32>
    %add3A_102 = arith.constant 16 : i32
    %add3A_103 = vector.broadcast %add3A_102 : i32 to vector<16xi32>
    %add3A_104 = arith.addi %select_n3A_96, %add3A_103 : vector<16xi32>
    %select_n3A_105 = arith.select %lt3A_101, %add3A_104, %select_n3A_96 : vector<16xi1>, vector<16xi32>
    %add3A_106 = arith.constant 7 : i32
    %add3A_107 = vector.broadcast %add3A_106 : i32 to vector<16xi32>
    %add3A_108 = arith.addi %select_n3A_105, %add3A_107 : vector<16xi32>
    %gather3A_109 = tpu.vector_load_idx %arg6[%add3A_108] : memref<16400xi32, #tpu.memory_space<vmem>>[vector<16xi32>], vector<16xi32>,
    %lt3A_110 = arith.cmpi slt, %gather3A_109, %add3A_16 : vector<16xi32>
    %add3A_111 = arith.constant 8 : i32
    %add3A_112 = vector.broadcast %add3A_111 : i32 to vector<16xi32>
    %add3A_113 = arith.addi %select_n3A_105, %add3A_112 : vector<16xi32>
    %select_n3A_114 = arith.select %lt3A_110, %add3A_113, %select_n3A_105 : vector<16xi1>, vector<16xi32>
    %add3A_115 = arith.constant 3 : i32
    %add3A_116 = vector.broadcast %add3A_115 : i32 to vector<16xi32>
    %add3A_117 = arith.addi %select_n3A_114, %add3A_116 : vector<16xi32>
    %gather3A_118 = tpu.vector_load_idx %arg6[%add3A_117] : memref<16400xi32, #tpu.memory_space<vmem>>[vector<16xi32>], vector<16xi32>,
    %lt3A_119 = arith.cmpi slt, %gather3A_118, %add3A_16 : vector<16xi32>
    %add3A_120 = arith.constant 4 : i32
    %add3A_121 = vector.broadcast %add3A_120 : i32 to vector<16xi32>
    %add3A_122 = arith.addi %select_n3A_114, %add3A_121 : vector<16xi32>
    %select_n3A_123 = arith.select %lt3A_119, %add3A_122, %select_n3A_114 : vector<16xi1>, vector<16xi32>
    %add3A_124 = arith.constant 1 : i32
    %add3A_125 = vector.broadcast %add3A_124 : i32 to vector<16xi32>
    %add3A_126 = arith.addi %select_n3A_123, %add3A_125 : vector<16xi32>
    %gather3A_127 = tpu.vector_load_idx %arg6[%add3A_126] : memref<16400xi32, #tpu.memory_space<vmem>>[vector<16xi32>], vector<16xi32>,
    %lt3A_128 = arith.cmpi slt, %gather3A_127, %add3A_16 : vector<16xi32>
    %add3A_129 = arith.constant 2 : i32
    %add3A_130 = vector.broadcast %add3A_129 : i32 to vector<16xi32>
    %add3A_131 = arith.addi %select_n3A_123, %add3A_130 : vector<16xi32>
    %select_n3A_132 = arith.select %lt3A_128, %add3A_131, %select_n3A_123 : vector<16xi1>, vector<16xi32>
    %add3A_133 = arith.constant 0 : i32
    %add3A_134 = vector.broadcast %add3A_133 : i32 to vector<16xi32>
    %add3A_135 = arith.addi %select_n3A_132, %add3A_134 : vector<16xi32>
    %gather3A_136 = tpu.vector_load_idx %arg6[%add3A_135] : memref<16400xi32, #tpu.memory_space<vmem>>[vector<16xi32>], vector<16xi32>,
    %lt3A_137 = arith.cmpi slt, %gather3A_136, %add3A_16 : vector<16xi32>
    %add3A_138 = arith.constant 1 : i32
    %add3A_139 = vector.broadcast %add3A_138 : i32 to vector<16xi32>
    %add3A_140 = arith.addi %select_n3A_132, %add3A_139 : vector<16xi32>
    %select_n3A_141 = arith.select %lt3A_137, %add3A_140, %select_n3A_132 : vector<16xi1>, vector<16xi32>
    %gather3A_142 = tpu.vector_load_idx %arg6[%select_n3A_141] : memref<16400xi32, #tpu.memory_space<vmem>>[vector<16xi32>], vector<16xi32>,
    %lt3A_143 = arith.cmpi slt, %gather3A_142, %add3A_16 : vector<16xi32>
    %add3A_144 = arith.constant 1 : i32
    %add3A_145 = vector.broadcast %add3A_144 : i32 to vector<16xi32>
    %add3A_146 = arith.addi %select_n3A_141, %add3A_145 : vector<16xi32>
    %select_n3A_147 = arith.select %lt3A_143, %add3A_146, %select_n3A_141 : vector<16xi1>, vector<16xi32>
    %add3A_148 = arith.constant 16 : i32
    %add3A_149 = arith.addi %mul3A_2, %add3A_148 : i32
    %add3A_150 = vector.broadcast %add3A_149 : i32 to vector<16xi32>
    %add3A_151 = arith.addi %add3A_150, %iota3A : vector<16xi32>
    %broadcast_in_dim3A_152 = arith.constant 0 : i32
    %broadcast_in_dim3A_153 = vector.broadcast %broadcast_in_dim3A_152 : i32 to vector<16xi32>
    %add3A_154 = arith.constant 8191 : i32
    %add3A_155 = vector.broadcast %add3A_154 : i32 to vector<16xi32>
    %add3A_156 = arith.addi %broadcast_in_dim3A_153, %add3A_155 : vector<16xi32>
    %gather3A_157 = tpu.vector_load_idx %arg6[%add3A_156] : memref<16400xi32, #tpu.memory_space<vmem>>[vector<16xi32>], vector<16xi32>,
    %lt3A_158 = arith.cmpi slt, %gather3A_157, %add3A_151 : vector<16xi32>
    %add3A_159 = arith.constant 8192 : i32
    %add3A_160 = vector.broadcast %add3A_159 : i32 to vector<16xi32>
    %add3A_161 = arith.addi %broadcast_in_dim3A_153, %add3A_160 : vector<16xi32>
    %select_n3A_162 = arith.select %lt3A_158, %add3A_161, %broadcast_in_dim3A_153 : vector<16xi1>, vector<16xi32>
    %add3A_163 = arith.constant 4095 : i32
    %add3A_164 = vector.broadcast %add3A_163 : i32 to vector<16xi32>
    %add3A_165 = arith.addi %select_n3A_162, %add3A_164 : vector<16xi32>
    %gather3A_166 = tpu.vector_load_idx %arg6[%add3A_165] : memref<16400xi32, #tpu.memory_space<vmem>>[vector<16xi32>], vector<16xi32>,
    %lt3A_167 = arith.cmpi slt, %gather3A_166, %add3A_151 : vector<16xi32>
    %add3A_168 = arith.constant 4096 : i32
    %add3A_169 = vector.broadcast %add3A_168 : i32 to vector<16xi32>
    %add3A_170 = arith.addi %select_n3A_162, %add3A_169 : vector<16xi32>
    %select_n3A_171 = arith.select %lt3A_167, %add3A_170, %select_n3A_162 : vector<16xi1>, vector<16xi32>
    %add3A_172 = arith.constant 2047 : i32
    %add3A_173 = vector.broadcast %add3A_172 : i32 to vector<16xi32>
    %add3A_174 = arith.addi %select_n3A_171, %add3A_173 : vector<16xi32>
    %gather3A_175 = tpu.vector_load_idx %arg6[%add3A_174] : memref<16400xi32, #tpu.memory_space<vmem>>[vector<16xi32>], vector<16xi32>,
    %lt3A_176 = arith.cmpi slt, %gather3A_175, %add3A_151 : vector<16xi32>
    %add3A_177 = arith.constant 2048 : i32
    %add3A_178 = vector.broadcast %add3A_177 : i32 to vector<16xi32>
    %add3A_179 = arith.addi %select_n3A_171, %add3A_178 : vector<16xi32>
    %select_n3A_180 = arith.select %lt3A_176, %add3A_179, %select_n3A_171 : vector<16xi1>, vector<16xi32>
    %add3A_181 = arith.constant 1023 : i32
    %add3A_182 = vector.broadcast %add3A_181 : i32 to vector<16xi32>
    %add3A_183 = arith.addi %select_n3A_180, %add3A_182 : vector<16xi32>
    %gather3A_184 = tpu.vector_load_idx %arg6[%add3A_183] : memref<16400xi32, #tpu.memory_space<vmem>>[vector<16xi32>], vector<16xi32>,
    %lt3A_185 = arith.cmpi slt, %gather3A_184, %add3A_151 : vector<16xi32>
    %add3A_186 = arith.constant 1024 : i32
    %add3A_187 = vector.broadcast %add3A_186 : i32 to vector<16xi32>
    %add3A_188 = arith.addi %select_n3A_180, %add3A_187 : vector<16xi32>
    %select_n3A_189 = arith.select %lt3A_185, %add3A_188, %select_n3A_180 : vector<16xi1>, vector<16xi32>
    %add3A_190 = arith.constant 511 : i32
    %add3A_191 = vector.broadcast %add3A_190 : i32 to vector<16xi32>
    %add3A_192 = arith.addi %select_n3A_189, %add3A_191 : vector<16xi32>
    %gather3A_193 = tpu.vector_load_idx %arg6[%add3A_192] : memref<16400xi32, #tpu.memory_space<vmem>>[vector<16xi32>], vector<16xi32>,
    %lt3A_194 = arith.cmpi slt, %gather3A_193, %add3A_151 : vector<16xi32>
    %add3A_195 = arith.constant 512 : i32
    %add3A_196 = vector.broadcast %add3A_195 : i32 to vector<16xi32>
    %add3A_197 = arith.addi %select_n3A_189, %add3A_196 : vector<16xi32>
    %select_n3A_198 = arith.select %lt3A_194, %add3A_197, %select_n3A_189 : vector<16xi1>, vector<16xi32>
    %add3A_199 = arith.constant 255 : i32
    %add3A_200 = vector.broadcast %add3A_199 : i32 to vector<16xi32>
    %add3A_201 = arith.addi %select_n3A_198, %add3A_200 : vector<16xi32>
    %gather3A_202 = tpu.vector_load_idx %arg6[%add3A_201] : memref<16400xi32, #tpu.memory_space<vmem>>[vector<16xi32>], vector<16xi32>,
    %lt3A_203 = arith.cmpi slt, %gather3A_202, %add3A_151 : vector<16xi32>
    %add3A_204 = arith.constant 256 : i32
    %add3A_205 = vector.broadcast %add3A_204 : i32 to vector<16xi32>
    %add3A_206 = arith.addi %select_n3A_198, %add3A_205 : vector<16xi32>
    %select_n3A_207 = arith.select %lt3A_203, %add3A_206, %select_n3A_198 : vector<16xi1>, vector<16xi32>
    %add3A_208 = arith.constant 127 : i32
    %add3A_209 = vector.broadcast %add3A_208 : i32 to vector<16xi32>
    %add3A_210 = arith.addi %select_n3A_207, %add3A_209 : vector<16xi32>
    %gather3A_211 = tpu.vector_load_idx %arg6[%add3A_210] : memref<16400xi32, #tpu.memory_space<vmem>>[vector<16xi32>], vector<16xi32>,
    %lt3A_212 = arith.cmpi slt, %gather3A_211, %add3A_151 : vector<16xi32>
    %add3A_213 = arith.constant 128 : i32
    %add3A_214 = vector.broadcast %add3A_213 : i32 to vector<16xi32>
    %add3A_215 = arith.addi %select_n3A_207, %add3A_214 : vector<16xi32>
    %select_n3A_216 = arith.select %lt3A_212, %add3A_215, %select_n3A_207 : vector<16xi1>, vector<16xi32>
    %add3A_217 = arith.constant 63 : i32
    %add3A_218 = vector.broadcast %add3A_217 : i32 to vector<16xi32>
    %add3A_219 = arith.addi %select_n3A_216, %add3A_218 : vector<16xi32>
    %gather3A_220 = tpu.vector_load_idx %arg6[%add3A_219] : memref<16400xi32, #tpu.memory_space<vmem>>[vector<16xi32>], vector<16xi32>,
    %lt3A_221 = arith.cmpi slt, %gather3A_220, %add3A_151 : vector<16xi32>
    %add3A_222 = arith.constant 64 : i32
    %add3A_223 = vector.broadcast %add3A_222 : i32 to vector<16xi32>
    %add3A_224 = arith.addi %select_n3A_216, %add3A_223 : vector<16xi32>
    %select_n3A_225 = arith.select %lt3A_221, %add3A_224, %select_n3A_216 : vector<16xi1>, vector<16xi32>
    %add3A_226 = arith.constant 31 : i32
    %add3A_227 = vector.broadcast %add3A_226 : i32 to vector<16xi32>
    %add3A_228 = arith.addi %select_n3A_225, %add3A_227 : vector<16xi32>
    %gather3A_229 = tpu.vector_load_idx %arg6[%add3A_228] : memref<16400xi32, #tpu.memory_space<vmem>>[vector<16xi32>], vector<16xi32>,
    %lt3A_230 = arith.cmpi slt, %gather3A_229, %add3A_151 : vector<16xi32>
    %add3A_231 = arith.constant 32 : i32
    %add3A_232 = vector.broadcast %add3A_231 : i32 to vector<16xi32>
    %add3A_233 = arith.addi %select_n3A_225, %add3A_232 : vector<16xi32>
    %select_n3A_234 = arith.select %lt3A_230, %add3A_233, %select_n3A_225 : vector<16xi1>, vector<16xi32>
    %add3A_235 = arith.constant 15 : i32
    %add3A_236 = vector.broadcast %add3A_235 : i32 to vector<16xi32>
    %add3A_237 = arith.addi %select_n3A_234, %add3A_236 : vector<16xi32>
    %gather3A_238 = tpu.vector_load_idx %arg6[%add3A_237] : memref<16400xi32, #tpu.memory_space<vmem>>[vector<16xi32>], vector<16xi32>,
    %lt3A_239 = arith.cmpi slt, %gather3A_238, %add3A_151 : vector<16xi32>
    %add3A_240 = arith.constant 16 : i32
    %add3A_241 = vector.broadcast %add3A_240 : i32 to vector<16xi32>
    %add3A_242 = arith.addi %select_n3A_234, %add3A_241 : vector<16xi32>
    %select_n3A_243 = arith.select %lt3A_239, %add3A_242, %select_n3A_234 : vector<16xi1>, vector<16xi32>
    %add3A_244 = arith.constant 7 : i32
    %add3A_245 = vector.broadcast %add3A_244 : i32 to vector<16xi32>
    %add3A_246 = arith.addi %select_n3A_243, %add3A_245 : vector<16xi32>
    %gather3A_247 = tpu.vector_load_idx %arg6[%add3A_246] : memref<16400xi32, #tpu.memory_space<vmem>>[vector<16xi32>], vector<16xi32>,
    %lt3A_248 = arith.cmpi slt, %gather3A_247, %add3A_151 : vector<16xi32>
    %add3A_249 = arith.constant 8 : i32
    %add3A_250 = vector.broadcast %add3A_249 : i32 to vector<16xi32>
    %add3A_251 = arith.addi %select_n3A_243, %add3A_250 : vector<16xi32>
    %select_n3A_252 = arith.select %lt3A_248, %add3A_251, %select_n3A_243 : vector<16xi1>, vector<16xi32>
    %add3A_253 = arith.constant 3 : i32
    %add3A_254 = vector.broadcast %add3A_253 : i32 to vector<16xi32>
    %add3A_255 = arith.addi %select_n3A_252, %add3A_254 : vector<16xi32>
    %gather3A_256 = tpu.vector_load_idx %arg6[%add3A_255] : memref<16400xi32, #tpu.memory_space<vmem>>[vector<16xi32>], vector<16xi32>,
    %lt3A_257 = arith.cmpi slt, %gather3A_256, %add3A_151 : vector<16xi32>
    %add3A_258 = arith.constant 4 : i32
    %add3A_259 = vector.broadcast %add3A_258 : i32 to vector<16xi32>
    %add3A_260 = arith.addi %select_n3A_252, %add3A_259 : vector<16xi32>
    %select_n3A_261 = arith.select %lt3A_257, %add3A_260, %select_n3A_252 : vector<16xi1>, vector<16xi32>
    %add3A_262 = arith.constant 1 : i32
    %add3A_263 = vector.broadcast %add3A_262 : i32 to vector<16xi32>
    %add3A_264 = arith.addi %select_n3A_261, %add3A_263 : vector<16xi32>
    %gather3A_265 = tpu.vector_load_idx %arg6[%add3A_264] : memref<16400xi32, #tpu.memory_space<vmem>>[vector<16xi32>], vector<16xi32>,
    %lt3A_266 = arith.cmpi slt, %gather3A_265, %add3A_151 : vector<16xi32>
    %add3A_267 = arith.constant 2 : i32
    %add3A_268 = vector.broadcast %add3A_267 : i32 to vector<16xi32>
    %add3A_269 = arith.addi %select_n3A_261, %add3A_268 : vector<16xi32>
    %select_n3A_270 = arith.select %lt3A_266, %add3A_269, %select_n3A_261 : vector<16xi1>, vector<16xi32>
    %add3A_271 = arith.constant 0 : i32
    %add3A_272 = vector.broadcast %add3A_271 : i32 to vector<16xi32>
    %add3A_273 = arith.addi %select_n3A_270, %add3A_272 : vector<16xi32>
    %gather3A_274 = tpu.vector_load_idx %arg6[%add3A_273] : memref<16400xi32, #tpu.memory_space<vmem>>[vector<16xi32>], vector<16xi32>,
    %lt3A_275 = arith.cmpi slt, %gather3A_274, %add3A_151 : vector<16xi32>
    %add3A_276 = arith.constant 1 : i32
    %add3A_277 = vector.broadcast %add3A_276 : i32 to vector<16xi32>
    %add3A_278 = arith.addi %select_n3A_270, %add3A_277 : vector<16xi32>
    %select_n3A_279 = arith.select %lt3A_275, %add3A_278, %select_n3A_270 : vector<16xi1>, vector<16xi32>
    %gather3A_280 = tpu.vector_load_idx %arg6[%select_n3A_279] : memref<16400xi32, #tpu.memory_space<vmem>>[vector<16xi32>], vector<16xi32>,
    %lt3A_281 = arith.cmpi slt, %gather3A_280, %add3A_151 : vector<16xi32>
    %add3A_282 = arith.constant 1 : i32
    %add3A_283 = vector.broadcast %add3A_282 : i32 to vector<16xi32>
    %add3A_284 = arith.addi %select_n3A_279, %add3A_283 : vector<16xi32>
    %select_n3A_285 = arith.select %lt3A_281, %add3A_284, %select_n3A_279 : vector<16xi1>, vector<16xi32>
    %add3A_286 = arith.constant 1 : i32
    %add3A_287 = arith.addi %mul3A_2, %add3A_286 : i32
    %add3A_288 = vector.broadcast %add3A_287 : i32 to vector<16xi32>
    %add3A_289 = arith.addi %add3A_288, %iota3A : vector<16xi32>
    %broadcast_in_dim3A_290 = arith.constant 0 : i32
    %broadcast_in_dim3A_291 = vector.broadcast %broadcast_in_dim3A_290 : i32 to vector<16xi32>
    %add3A_292 = arith.constant 8191 : i32
    %add3A_293 = vector.broadcast %add3A_292 : i32 to vector<16xi32>
    %add3A_294 = arith.addi %broadcast_in_dim3A_291, %add3A_293 : vector<16xi32>
    %gather3A_295 = tpu.vector_load_idx %arg6[%add3A_294] : memref<16400xi32, #tpu.memory_space<vmem>>[vector<16xi32>], vector<16xi32>,
    %lt3A_296 = arith.cmpi slt, %gather3A_295, %add3A_289 : vector<16xi32>
    %add3A_297 = arith.constant 8192 : i32
    %add3A_298 = vector.broadcast %add3A_297 : i32 to vector<16xi32>
    %add3A_299 = arith.addi %broadcast_in_dim3A_291, %add3A_298 : vector<16xi32>
    %select_n3A_300 = arith.select %lt3A_296, %add3A_299, %broadcast_in_dim3A_291 : vector<16xi1>, vector<16xi32>
    %add3A_301 = arith.constant 4095 : i32
    %add3A_302 = vector.broadcast %add3A_301 : i32 to vector<16xi32>
    %add3A_303 = arith.addi %select_n3A_300, %add3A_302 : vector<16xi32>
    %gather3A_304 = tpu.vector_load_idx %arg6[%add3A_303] : memref<16400xi32, #tpu.memory_space<vmem>>[vector<16xi32>], vector<16xi32>,
    %lt3A_305 = arith.cmpi slt, %gather3A_304, %add3A_289 : vector<16xi32>
    %add3A_306 = arith.constant 4096 : i32
    %add3A_307 = vector.broadcast %add3A_306 : i32 to vector<16xi32>
    %add3A_308 = arith.addi %select_n3A_300, %add3A_307 : vector<16xi32>
    %select_n3A_309 = arith.select %lt3A_305, %add3A_308, %select_n3A_300 : vector<16xi1>, vector<16xi32>
    %add3A_310 = arith.constant 2047 : i32
    %add3A_311 = vector.broadcast %add3A_310 : i32 to vector<16xi32>
    %add3A_312 = arith.addi %select_n3A_309, %add3A_311 : vector<16xi32>
    %gather3A_313 = tpu.vector_load_idx %arg6[%add3A_312] : memref<16400xi32, #tpu.memory_space<vmem>>[vector<16xi32>], vector<16xi32>,
    %lt3A_314 = arith.cmpi slt, %gather3A_313, %add3A_289 : vector<16xi32>
    %add3A_315 = arith.constant 2048 : i32
    %add3A_316 = vector.broadcast %add3A_315 : i32 to vector<16xi32>
    %add3A_317 = arith.addi %select_n3A_309, %add3A_316 : vector<16xi32>
    %select_n3A_318 = arith.select %lt3A_314, %add3A_317, %select_n3A_309 : vector<16xi1>, vector<16xi32>
    %add3A_319 = arith.constant 1023 : i32
    %add3A_320 = vector.broadcast %add3A_319 : i32 to vector<16xi32>
    %add3A_321 = arith.addi %select_n3A_318, %add3A_320 : vector<16xi32>
    %gather3A_322 = tpu.vector_load_idx %arg6[%add3A_321] : memref<16400xi32, #tpu.memory_space<vmem>>[vector<16xi32>], vector<16xi32>,
    %lt3A_323 = arith.cmpi slt, %gather3A_322, %add3A_289 : vector<16xi32>
    %add3A_324 = arith.constant 1024 : i32
    %add3A_325 = vector.broadcast %add3A_324 : i32 to vector<16xi32>
    %add3A_326 = arith.addi %select_n3A_318, %add3A_325 : vector<16xi32>
    %select_n3A_327 = arith.select %lt3A_323, %add3A_326, %select_n3A_318 : vector<16xi1>, vector<16xi32>
    %add3A_328 = arith.constant 511 : i32
    %add3A_329 = vector.broadcast %add3A_328 : i32 to vector<16xi32>
    %add3A_330 = arith.addi %select_n3A_327, %add3A_329 : vector<16xi32>
    %gather3A_331 = tpu.vector_load_idx %arg6[%add3A_330] : memref<16400xi32, #tpu.memory_space<vmem>>[vector<16xi32>], vector<16xi32>,
    %lt3A_332 = arith.cmpi slt, %gather3A_331, %add3A_289 : vector<16xi32>
    %add3A_333 = arith.constant 512 : i32
    %add3A_334 = vector.broadcast %add3A_333 : i32 to vector<16xi32>
    %add3A_335 = arith.addi %select_n3A_327, %add3A_334 : vector<16xi32>
    %select_n3A_336 = arith.select %lt3A_332, %add3A_335, %select_n3A_327 : vector<16xi1>, vector<16xi32>
    %add3A_337 = arith.constant 255 : i32
    %add3A_338 = vector.broadcast %add3A_337 : i32 to vector<16xi32>
    %add3A_339 = arith.addi %select_n3A_336, %add3A_338 : vector<16xi32>
    %gather3A_340 = tpu.vector_load_idx %arg6[%add3A_339] : memref<16400xi32, #tpu.memory_space<vmem>>[vector<16xi32>], vector<16xi32>,
    %lt3A_341 = arith.cmpi slt, %gather3A_340, %add3A_289 : vector<16xi32>
    %add3A_342 = arith.constant 256 : i32
    %add3A_343 = vector.broadcast %add3A_342 : i32 to vector<16xi32>
    %add3A_344 = arith.addi %select_n3A_336, %add3A_343 : vector<16xi32>
    %select_n3A_345 = arith.select %lt3A_341, %add3A_344, %select_n3A_336 : vector<16xi1>, vector<16xi32>
    %add3A_346 = arith.constant 127 : i32
    %add3A_347 = vector.broadcast %add3A_346 : i32 to vector<16xi32>
    %add3A_348 = arith.addi %select_n3A_345, %add3A_347 : vector<16xi32>
    %gather3A_349 = tpu.vector_load_idx %arg6[%add3A_348] : memref<16400xi32, #tpu.memory_space<vmem>>[vector<16xi32>], vector<16xi32>,
    %lt3A_350 = arith.cmpi slt, %gather3A_349, %add3A_289 : vector<16xi32>
    %add3A_351 = arith.constant 128 : i32
    %add3A_352 = vector.broadcast %add3A_351 : i32 to vector<16xi32>
    %add3A_353 = arith.addi %select_n3A_345, %add3A_352 : vector<16xi32>
    %select_n3A_354 = arith.select %lt3A_350, %add3A_353, %select_n3A_345 : vector<16xi1>, vector<16xi32>
    %add3A_355 = arith.constant 63 : i32
    %add3A_356 = vector.broadcast %add3A_355 : i32 to vector<16xi32>
    %add3A_357 = arith.addi %select_n3A_354, %add3A_356 : vector<16xi32>
    %gather3A_358 = tpu.vector_load_idx %arg6[%add3A_357] : memref<16400xi32, #tpu.memory_space<vmem>>[vector<16xi32>], vector<16xi32>,
    %lt3A_359 = arith.cmpi slt, %gather3A_358, %add3A_289 : vector<16xi32>
    %add3A_360 = arith.constant 64 : i32
    %add3A_361 = vector.broadcast %add3A_360 : i32 to vector<16xi32>
    %add3A_362 = arith.addi %select_n3A_354, %add3A_361 : vector<16xi32>
    %select_n3A_363 = arith.select %lt3A_359, %add3A_362, %select_n3A_354 : vector<16xi1>, vector<16xi32>
    %add3A_364 = arith.constant 31 : i32
    %add3A_365 = vector.broadcast %add3A_364 : i32 to vector<16xi32>
    %add3A_366 = arith.addi %select_n3A_363, %add3A_365 : vector<16xi32>
    %gather3A_367 = tpu.vector_load_idx %arg6[%add3A_366] : memref<16400xi32, #tpu.memory_space<vmem>>[vector<16xi32>], vector<16xi32>,
    %lt3A_368 = arith.cmpi slt, %gather3A_367, %add3A_289 : vector<16xi32>
    %add3A_369 = arith.constant 32 : i32
    %add3A_370 = vector.broadcast %add3A_369 : i32 to vector<16xi32>
    %add3A_371 = arith.addi %select_n3A_363, %add3A_370 : vector<16xi32>
    %select_n3A_372 = arith.select %lt3A_368, %add3A_371, %select_n3A_363 : vector<16xi1>, vector<16xi32>
    %add3A_373 = arith.constant 15 : i32
    %add3A_374 = vector.broadcast %add3A_373 : i32 to vector<16xi32>
    %add3A_375 = arith.addi %select_n3A_372, %add3A_374 : vector<16xi32>
    %gather3A_376 = tpu.vector_load_idx %arg6[%add3A_375] : memref<16400xi32, #tpu.memory_space<vmem>>[vector<16xi32>], vector<16xi32>,
    %lt3A_377 = arith.cmpi slt, %gather3A_376, %add3A_289 : vector<16xi32>
    %add3A_378 = arith.constant 16 : i32
    %add3A_379 = vector.broadcast %add3A_378 : i32 to vector<16xi32>
    %add3A_380 = arith.addi %select_n3A_372, %add3A_379 : vector<16xi32>
    %select_n3A_381 = arith.select %lt3A_377, %add3A_380, %select_n3A_372 : vector<16xi1>, vector<16xi32>
    %add3A_382 = arith.constant 7 : i32
    %add3A_383 = vector.broadcast %add3A_382 : i32 to vector<16xi32>
    %add3A_384 = arith.addi %select_n3A_381, %add3A_383 : vector<16xi32>
    %gather3A_385 = tpu.vector_load_idx %arg6[%add3A_384] : memref<16400xi32, #tpu.memory_space<vmem>>[vector<16xi32>], vector<16xi32>,
    %lt3A_386 = arith.cmpi slt, %gather3A_385, %add3A_289 : vector<16xi32>
    %add3A_387 = arith.constant 8 : i32
    %add3A_388 = vector.broadcast %add3A_387 : i32 to vector<16xi32>
    %add3A_389 = arith.addi %select_n3A_381, %add3A_388 : vector<16xi32>
    %select_n3A_390 = arith.select %lt3A_386, %add3A_389, %select_n3A_381 : vector<16xi1>, vector<16xi32>
    %add3A_391 = arith.constant 3 : i32
    %add3A_392 = vector.broadcast %add3A_391 : i32 to vector<16xi32>
    %add3A_393 = arith.addi %select_n3A_390, %add3A_392 : vector<16xi32>
    %gather3A_394 = tpu.vector_load_idx %arg6[%add3A_393] : memref<16400xi32, #tpu.memory_space<vmem>>[vector<16xi32>], vector<16xi32>,
    %lt3A_395 = arith.cmpi slt, %gather3A_394, %add3A_289 : vector<16xi32>
    %add3A_396 = arith.constant 4 : i32
    %add3A_397 = vector.broadcast %add3A_396 : i32 to vector<16xi32>
    %add3A_398 = arith.addi %select_n3A_390, %add3A_397 : vector<16xi32>
    %select_n3A_399 = arith.select %lt3A_395, %add3A_398, %select_n3A_390 : vector<16xi1>, vector<16xi32>
    %add3A_400 = arith.constant 1 : i32
    %add3A_401 = vector.broadcast %add3A_400 : i32 to vector<16xi32>
    %add3A_402 = arith.addi %select_n3A_399, %add3A_401 : vector<16xi32>
    %gather3A_403 = tpu.vector_load_idx %arg6[%add3A_402] : memref<16400xi32, #tpu.memory_space<vmem>>[vector<16xi32>], vector<16xi32>,
    %lt3A_404 = arith.cmpi slt, %gather3A_403, %add3A_289 : vector<16xi32>
    %add3A_405 = arith.constant 2 : i32
    %add3A_406 = vector.broadcast %add3A_405 : i32 to vector<16xi32>
    %add3A_407 = arith.addi %select_n3A_399, %add3A_406 : vector<16xi32>
    %select_n3A_408 = arith.select %lt3A_404, %add3A_407, %select_n3A_399 : vector<16xi1>, vector<16xi32>
    %add3A_409 = arith.constant 0 : i32
    %add3A_410 = vector.broadcast %add3A_409 : i32 to vector<16xi32>
    %add3A_411 = arith.addi %select_n3A_408, %add3A_410 : vector<16xi32>
    %gather3A_412 = tpu.vector_load_idx %arg6[%add3A_411] : memref<16400xi32, #tpu.memory_space<vmem>>[vector<16xi32>], vector<16xi32>,
    %lt3A_413 = arith.cmpi slt, %gather3A_412, %add3A_289 : vector<16xi32>
    %add3A_414 = arith.constant 1 : i32
    %add3A_415 = vector.broadcast %add3A_414 : i32 to vector<16xi32>
    %add3A_416 = arith.addi %select_n3A_408, %add3A_415 : vector<16xi32>
    %select_n3A_417 = arith.select %lt3A_413, %add3A_416, %select_n3A_408 : vector<16xi1>, vector<16xi32>
    %gather3A_418 = tpu.vector_load_idx %arg6[%select_n3A_417] : memref<16400xi32, #tpu.memory_space<vmem>>[vector<16xi32>], vector<16xi32>,
    %lt3A_419 = arith.cmpi slt, %gather3A_418, %add3A_289 : vector<16xi32>
    %add3A_420 = arith.constant 1 : i32
    %add3A_421 = vector.broadcast %add3A_420 : i32 to vector<16xi32>
    %add3A_422 = arith.addi %select_n3A_417, %add3A_421 : vector<16xi32>
    %select_n3A_423 = arith.select %lt3A_419, %add3A_422, %select_n3A_417 : vector<16xi1>, vector<16xi32>
    %add3A_424 = arith.constant 16 : i32
    %add3A_425 = arith.addi %mul3A_2, %add3A_424 : i32
    %add3A_426 = arith.constant 1 : i32
    %add3A_427 = arith.addi %add3A_425, %add3A_426 : i32
    %add3A_428 = vector.broadcast %add3A_427 : i32 to vector<16xi32>
    %add3A_429 = arith.addi %add3A_428, %iota3A : vector<16xi32>
    %broadcast_in_dim3A_430 = arith.constant 0 : i32
    %broadcast_in_dim3A_431 = vector.broadcast %broadcast_in_dim3A_430 : i32 to vector<16xi32>
    %add3A_432 = arith.constant 8191 : i32
    %add3A_433 = vector.broadcast %add3A_432 : i32 to vector<16xi32>
    %add3A_434 = arith.addi %broadcast_in_dim3A_431, %add3A_433 : vector<16xi32>
    %gather3A_435 = tpu.vector_load_idx %arg6[%add3A_434] : memref<16400xi32, #tpu.memory_space<vmem>>[vector<16xi32>], vector<16xi32>,
    %lt3A_436 = arith.cmpi slt, %gather3A_435, %add3A_429 : vector<16xi32>
    %add3A_437 = arith.constant 8192 : i32
    %add3A_438 = vector.broadcast %add3A_437 : i32 to vector<16xi32>
    %add3A_439 = arith.addi %broadcast_in_dim3A_431, %add3A_438 : vector<16xi32>
    %select_n3A_440 = arith.select %lt3A_436, %add3A_439, %broadcast_in_dim3A_431 : vector<16xi1>, vector<16xi32>
    %add3A_441 = arith.constant 4095 : i32
    %add3A_442 = vector.broadcast %add3A_441 : i32 to vector<16xi32>
    %add3A_443 = arith.addi %select_n3A_440, %add3A_442 : vector<16xi32>
    %gather3A_444 = tpu.vector_load_idx %arg6[%add3A_443] : memref<16400xi32, #tpu.memory_space<vmem>>[vector<16xi32>], vector<16xi32>,
    %lt3A_445 = arith.cmpi slt, %gather3A_444, %add3A_429 : vector<16xi32>
    %add3A_446 = arith.constant 4096 : i32
    %add3A_447 = vector.broadcast %add3A_446 : i32 to vector<16xi32>
    %add3A_448 = arith.addi %select_n3A_440, %add3A_447 : vector<16xi32>
    %select_n3A_449 = arith.select %lt3A_445, %add3A_448, %select_n3A_440 : vector<16xi1>, vector<16xi32>
    %add3A_450 = arith.constant 2047 : i32
    %add3A_451 = vector.broadcast %add3A_450 : i32 to vector<16xi32>
    %add3A_452 = arith.addi %select_n3A_449, %add3A_451 : vector<16xi32>
    %gather3A_453 = tpu.vector_load_idx %arg6[%add3A_452] : memref<16400xi32, #tpu.memory_space<vmem>>[vector<16xi32>], vector<16xi32>,
    %lt3A_454 = arith.cmpi slt, %gather3A_453, %add3A_429 : vector<16xi32>
    %add3A_455 = arith.constant 2048 : i32
    %add3A_456 = vector.broadcast %add3A_455 : i32 to vector<16xi32>
    %add3A_457 = arith.addi %select_n3A_449, %add3A_456 : vector<16xi32>
    %select_n3A_458 = arith.select %lt3A_454, %add3A_457, %select_n3A_449 : vector<16xi1>, vector<16xi32>
    %add3A_459 = arith.constant 1023 : i32
    %add3A_460 = vector.broadcast %add3A_459 : i32 to vector<16xi32>
    %add3A_461 = arith.addi %select_n3A_458, %add3A_460 : vector<16xi32>
    %gather3A_462 = tpu.vector_load_idx %arg6[%add3A_461] : memref<16400xi32, #tpu.memory_space<vmem>>[vector<16xi32>], vector<16xi32>,
    %lt3A_463 = arith.cmpi slt, %gather3A_462, %add3A_429 : vector<16xi32>
    %add3A_464 = arith.constant 1024 : i32
    %add3A_465 = vector.broadcast %add3A_464 : i32 to vector<16xi32>
    %add3A_466 = arith.addi %select_n3A_458, %add3A_465 : vector<16xi32>
    %select_n3A_467 = arith.select %lt3A_463, %add3A_466, %select_n3A_458 : vector<16xi1>, vector<16xi32>
    %add3A_468 = arith.constant 511 : i32
    %add3A_469 = vector.broadcast %add3A_468 : i32 to vector<16xi32>
    %add3A_470 = arith.addi %select_n3A_467, %add3A_469 : vector<16xi32>
    %gather3A_471 = tpu.vector_load_idx %arg6[%add3A_470] : memref<16400xi32, #tpu.memory_space<vmem>>[vector<16xi32>], vector<16xi32>,
    %lt3A_472 = arith.cmpi slt, %gather3A_471, %add3A_429 : vector<16xi32>
    %add3A_473 = arith.constant 512 : i32
    %add3A_474 = vector.broadcast %add3A_473 : i32 to vector<16xi32>
    %add3A_475 = arith.addi %select_n3A_467, %add3A_474 : vector<16xi32>
    %select_n3A_476 = arith.select %lt3A_472, %add3A_475, %select_n3A_467 : vector<16xi1>, vector<16xi32>
    %add3A_477 = arith.constant 255 : i32
    %add3A_478 = vector.broadcast %add3A_477 : i32 to vector<16xi32>
    %add3A_479 = arith.addi %select_n3A_476, %add3A_478 : vector<16xi32>
    %gather3A_480 = tpu.vector_load_idx %arg6[%add3A_479] : memref<16400xi32, #tpu.memory_space<vmem>>[vector<16xi32>], vector<16xi32>,
    %lt3A_481 = arith.cmpi slt, %gather3A_480, %add3A_429 : vector<16xi32>
    %add3A_482 = arith.constant 256 : i32
    %add3A_483 = vector.broadcast %add3A_482 : i32 to vector<16xi32>
    %add3A_484 = arith.addi %select_n3A_476, %add3A_483 : vector<16xi32>
    %select_n3A_485 = arith.select %lt3A_481, %add3A_484, %select_n3A_476 : vector<16xi1>, vector<16xi32>
    %add3A_486 = arith.constant 127 : i32
    %add3A_487 = vector.broadcast %add3A_486 : i32 to vector<16xi32>
    %add3A_488 = arith.addi %select_n3A_485, %add3A_487 : vector<16xi32>
    %gather3A_489 = tpu.vector_load_idx %arg6[%add3A_488] : memref<16400xi32, #tpu.memory_space<vmem>>[vector<16xi32>], vector<16xi32>,
    %lt3A_490 = arith.cmpi slt, %gather3A_489, %add3A_429 : vector<16xi32>
    %add3A_491 = arith.constant 128 : i32
    %add3A_492 = vector.broadcast %add3A_491 : i32 to vector<16xi32>
    %add3A_493 = arith.addi %select_n3A_485, %add3A_492 : vector<16xi32>
    %select_n3A_494 = arith.select %lt3A_490, %add3A_493, %select_n3A_485 : vector<16xi1>, vector<16xi32>
    %add3A_495 = arith.constant 63 : i32
    %add3A_496 = vector.broadcast %add3A_495 : i32 to vector<16xi32>
    %add3A_497 = arith.addi %select_n3A_494, %add3A_496 : vector<16xi32>
    %gather3A_498 = tpu.vector_load_idx %arg6[%add3A_497] : memref<16400xi32, #tpu.memory_space<vmem>>[vector<16xi32>], vector<16xi32>,
    %lt3A_499 = arith.cmpi slt, %gather3A_498, %add3A_429 : vector<16xi32>
    %add3A_500 = arith.constant 64 : i32
    %add3A_501 = vector.broadcast %add3A_500 : i32 to vector<16xi32>
    %add3A_502 = arith.addi %select_n3A_494, %add3A_501 : vector<16xi32>
    %select_n3A_503 = arith.select %lt3A_499, %add3A_502, %select_n3A_494 : vector<16xi1>, vector<16xi32>
    %add3A_504 = arith.constant 31 : i32
    %add3A_505 = vector.broadcast %add3A_504 : i32 to vector<16xi32>
    %add3A_506 = arith.addi %select_n3A_503, %add3A_505 : vector<16xi32>
    %gather3A_507 = tpu.vector_load_idx %arg6[%add3A_506] : memref<16400xi32, #tpu.memory_space<vmem>>[vector<16xi32>], vector<16xi32>,
    %lt3A_508 = arith.cmpi slt, %gather3A_507, %add3A_429 : vector<16xi32>
    %add3A_509 = arith.constant 32 : i32
    %add3A_510 = vector.broadcast %add3A_509 : i32 to vector<16xi32>
    %add3A_511 = arith.addi %select_n3A_503, %add3A_510 : vector<16xi32>
    %select_n3A_512 = arith.select %lt3A_508, %add3A_511, %select_n3A_503 : vector<16xi1>, vector<16xi32>
    %add3A_513 = arith.constant 15 : i32
    %add3A_514 = vector.broadcast %add3A_513 : i32 to vector<16xi32>
    %add3A_515 = arith.addi %select_n3A_512, %add3A_514 : vector<16xi32>
    %gather3A_516 = tpu.vector_load_idx %arg6[%add3A_515] : memref<16400xi32, #tpu.memory_space<vmem>>[vector<16xi32>], vector<16xi32>,
    %lt3A_517 = arith.cmpi slt, %gather3A_516, %add3A_429 : vector<16xi32>
    %add3A_518 = arith.constant 16 : i32
    %add3A_519 = vector.broadcast %add3A_518 : i32 to vector<16xi32>
    %add3A_520 = arith.addi %select_n3A_512, %add3A_519 : vector<16xi32>
    %select_n3A_521 = arith.select %lt3A_517, %add3A_520, %select_n3A_512 : vector<16xi1>, vector<16xi32>
    %add3A_522 = arith.constant 7 : i32
    %add3A_523 = vector.broadcast %add3A_522 : i32 to vector<16xi32>
    %add3A_524 = arith.addi %select_n3A_521, %add3A_523 : vector<16xi32>
    %gather3A_525 = tpu.vector_load_idx %arg6[%add3A_524] : memref<16400xi32, #tpu.memory_space<vmem>>[vector<16xi32>], vector<16xi32>,
    %lt3A_526 = arith.cmpi slt, %gather3A_525, %add3A_429 : vector<16xi32>
    %add3A_527 = arith.constant 8 : i32
    %add3A_528 = vector.broadcast %add3A_527 : i32 to vector<16xi32>
    %add3A_529 = arith.addi %select_n3A_521, %add3A_528 : vector<16xi32>
    %select_n3A_530 = arith.select %lt3A_526, %add3A_529, %select_n3A_521 : vector<16xi1>, vector<16xi32>
    %add3A_531 = arith.constant 3 : i32
    %add3A_532 = vector.broadcast %add3A_531 : i32 to vector<16xi32>
    %add3A_533 = arith.addi %select_n3A_530, %add3A_532 : vector<16xi32>
    %gather3A_534 = tpu.vector_load_idx %arg6[%add3A_533] : memref<16400xi32, #tpu.memory_space<vmem>>[vector<16xi32>], vector<16xi32>,
    %lt3A_535 = arith.cmpi slt, %gather3A_534, %add3A_429 : vector<16xi32>
    %add3A_536 = arith.constant 4 : i32
    %add3A_537 = vector.broadcast %add3A_536 : i32 to vector<16xi32>
    %add3A_538 = arith.addi %select_n3A_530, %add3A_537 : vector<16xi32>
    %select_n3A_539 = arith.select %lt3A_535, %add3A_538, %select_n3A_530 : vector<16xi1>, vector<16xi32>
    %add3A_540 = arith.constant 1 : i32
    %add3A_541 = vector.broadcast %add3A_540 : i32 to vector<16xi32>
    %add3A_542 = arith.addi %select_n3A_539, %add3A_541 : vector<16xi32>
    %gather3A_543 = tpu.vector_load_idx %arg6[%add3A_542] : memref<16400xi32, #tpu.memory_space<vmem>>[vector<16xi32>], vector<16xi32>,
    %lt3A_544 = arith.cmpi slt, %gather3A_543, %add3A_429 : vector<16xi32>
    %add3A_545 = arith.constant 2 : i32
    %add3A_546 = vector.broadcast %add3A_545 : i32 to vector<16xi32>
    %add3A_547 = arith.addi %select_n3A_539, %add3A_546 : vector<16xi32>
    %select_n3A_548 = arith.select %lt3A_544, %add3A_547, %select_n3A_539 : vector<16xi1>, vector<16xi32>
    %add3A_549 = arith.constant 0 : i32
    %add3A_550 = vector.broadcast %add3A_549 : i32 to vector<16xi32>
    %add3A_551 = arith.addi %select_n3A_548, %add3A_550 : vector<16xi32>
    %gather3A_552 = tpu.vector_load_idx %arg6[%add3A_551] : memref<16400xi32, #tpu.memory_space<vmem>>[vector<16xi32>], vector<16xi32>,
    %lt3A_553 = arith.cmpi slt, %gather3A_552, %add3A_429 : vector<16xi32>
    %add3A_554 = arith.constant 1 : i32
    %add3A_555 = vector.broadcast %add3A_554 : i32 to vector<16xi32>
    %add3A_556 = arith.addi %select_n3A_548, %add3A_555 : vector<16xi32>
    %select_n3A_557 = arith.select %lt3A_553, %add3A_556, %select_n3A_548 : vector<16xi1>, vector<16xi32>
    %gather3A_558 = tpu.vector_load_idx %arg6[%select_n3A_557] : memref<16400xi32, #tpu.memory_space<vmem>>[vector<16xi32>], vector<16xi32>,
    %lt3A_559 = arith.cmpi slt, %gather3A_558, %add3A_429 : vector<16xi32>
    %add3A_560 = arith.constant 1 : i32
    %add3A_561 = vector.broadcast %add3A_560 : i32 to vector<16xi32>
    %add3A_562 = arith.addi %select_n3A_557, %add3A_561 : vector<16xi32>
    %select_n3A_563 = arith.select %lt3A_559, %add3A_562, %select_n3A_557 : vector<16xi1>, vector<16xi32>
    %slice3A = vector.extract_strided_slice %select_n3A_147 {offsets = [0], sizes = [1], strides = [1]} : vector<16xi32> to vector<1xi32>
    %squeeze3A = vector.extract %slice3A[0] : i32 from vector<1xi32>
    %slice3A_564 = vector.extract_strided_slice %select_n3A_563 {offsets = [15], sizes = [1], strides = [1]} : vector<16xi32> to vector<1xi32>
    %squeeze3A_565 = vector.extract %slice3A_564[0] : i32 from vector<1xi32>
    %shift_right_logical3A = arith.constant 7 : i32
    %shift_right_logical3A_566 = arith.shrui %squeeze3A, %shift_right_logical3A : i32
    %add3A_567 = arith.constant 127 : i32
    %add3A_568 = arith.addi %squeeze3A_565, %add3A_567 : i32
    %shift_right_logical3A_569 = arith.constant 7 : i32
    %shift_right_logical3A_570 = arith.shrui %add3A_568, %shift_right_logical3A_569 : i32
    %add3A_571 = arith.constant 0 : i32
    %add3A_572 = arith.addi %shift_right_logical3A_566, %add3A_571 : i32
    %lt3A_573 = arith.cmpi slt, %add3A_572, %shift_right_logical3A_570 : i32
    %convert_element_type3A = arith.extui %lt3A_573 : i1 to i32
    %cond3A = arith.constant 0 : i32
    %cond3A_574 = arith.cmpi ne, %convert_element_type3A, %cond3A : i32
    scf.if %cond3A_574 {
      %add3A_788 = arith.constant 0 : i32
      %add3A_789 = arith.addi %shift_right_logical3A_566, %add3A_788 : i32
      %mul3A_790 = arith.constant 128 : i32
      %mul3A_791 = arith.muli %add3A_789, %mul3A_790 : i32
      %dma_start3A_792 = arith.constant 0 : i32
      %dma_start3A_793 = tpu.memref_slice %arg2[%mul3A_791, %dma_start3A_792] : memref<16384x256xf32, #tpu.memory_space<hbm>> -> memref<128x256xf32, #tpu.memory_space<hbm>>
      %dma_start3A_794 = arith.constant 0 : i32
      %dma_start3A_795 = tpu.memref_slice %arg2[%mul3A_791, %dma_start3A_794] : memref<16384x256xf32, #tpu.memory_space<hbm>> -> memref<128x256xf32, #tpu.memory_space<hbm>>
      tpu.enqueue_dma source(%dma_start3A_795 : memref<128x256xf32, #tpu.memory_space<hbm>>) target(%arg7 : memref<128x256xf32, #tpu.memory_space<vmem>>) target_semaphore(%arg13 : memref<!tpu.dma_semaphore, #tpu.memory_space<semaphore_mem>>)
    } else {
    }
    %add3A_575 = arith.constant 1 : i32
    %add3A_576 = arith.addi %shift_right_logical3A_566, %add3A_575 : i32
    %lt3A_577 = arith.cmpi slt, %add3A_576, %shift_right_logical3A_570 : i32
    %convert_element_type3A_578 = arith.extui %lt3A_577 : i1 to i32
    %cond3A_579 = arith.constant 0 : i32
    %cond3A_580 = arith.cmpi ne, %convert_element_type3A_578, %cond3A_579 : i32
    scf.if %cond3A_580 {
      %add3A_788 = arith.constant 1 : i32
      %add3A_789 = arith.addi %shift_right_logical3A_566, %add3A_788 : i32
      %mul3A_790 = arith.constant 128 : i32
      %mul3A_791 = arith.muli %add3A_789, %mul3A_790 : i32
      %dma_start3A_792 = arith.constant 0 : i32
      %dma_start3A_793 = tpu.memref_slice %arg2[%mul3A_791, %dma_start3A_792] : memref<16384x256xf32, #tpu.memory_space<hbm>> -> memref<128x256xf32, #tpu.memory_space<hbm>>
      %dma_start3A_794 = arith.constant 0 : i32
      %dma_start3A_795 = tpu.memref_slice %arg2[%mul3A_791, %dma_start3A_794] : memref<16384x256xf32, #tpu.memory_space<hbm>> -> memref<128x256xf32, #tpu.memory_space<hbm>>
      tpu.enqueue_dma source(%dma_start3A_795 : memref<128x256xf32, #tpu.memory_space<hbm>>) target(%arg8 : memref<128x256xf32, #tpu.memory_space<vmem>>) target_semaphore(%arg14 : memref<!tpu.dma_semaphore, #tpu.memory_space<semaphore_mem>>)
    } else {
    }
    %add3A_581 = arith.constant 2 : i32
    %add3A_582 = arith.addi %shift_right_logical3A_566, %add3A_581 : i32
    %lt3A_583 = arith.cmpi slt, %add3A_582, %shift_right_logical3A_570 : i32
    %convert_element_type3A_584 = arith.extui %lt3A_583 : i1 to i32
    %cond3A_585 = arith.constant 0 : i32
    %cond3A_586 = arith.cmpi ne, %convert_element_type3A_584, %cond3A_585 : i32
    scf.if %cond3A_586 {
      %add3A_788 = arith.constant 2 : i32
      %add3A_789 = arith.addi %shift_right_logical3A_566, %add3A_788 : i32
      %mul3A_790 = arith.constant 128 : i32
      %mul3A_791 = arith.muli %add3A_789, %mul3A_790 : i32
      %dma_start3A_792 = arith.constant 0 : i32
      %dma_start3A_793 = tpu.memref_slice %arg2[%mul3A_791, %dma_start3A_792] : memref<16384x256xf32, #tpu.memory_space<hbm>> -> memref<128x256xf32, #tpu.memory_space<hbm>>
      %dma_start3A_794 = arith.constant 0 : i32
      %dma_start3A_795 = tpu.memref_slice %arg2[%mul3A_791, %dma_start3A_794] : memref<16384x256xf32, #tpu.memory_space<hbm>> -> memref<128x256xf32, #tpu.memory_space<hbm>>
      tpu.enqueue_dma source(%dma_start3A_795 : memref<128x256xf32, #tpu.memory_space<hbm>>) target(%arg9 : memref<128x256xf32, #tpu.memory_space<vmem>>) target_semaphore(%arg15 : memref<!tpu.dma_semaphore, #tpu.memory_space<semaphore_mem>>)
    } else {
    }
    %slice3A_587 = vector.extract_strided_slice %select_n3A_147 {offsets = [0], sizes = [1], strides = [1]} : vector<16xi32> to vector<1xi32>
    %squeeze3A_588 = vector.extract %slice3A_587[0] : i32 from vector<1xi32>
    %swap3A = arith.constant 0 : i32
    %swap3A_589 = arith.index_cast %swap3A : i32 to index
    %swap3A_590 = memref.load %arg12[%swap3A_589] : memref<33xi32, #tpu.memory_space<smem>>
    memref.store %squeeze3A_588, %arg12[%swap3A_589] : memref<33xi32, #tpu.memory_space<smem>>
    %slice3A_591 = vector.extract_strided_slice %select_n3A_285 {offsets = [0], sizes = [1], strides = [1]} : vector<16xi32> to vector<1xi32>
    %squeeze3A_592 = vector.extract %slice3A_591[0] : i32 from vector<1xi32>
    %swap3A_593 = arith.constant 16 : i32
    %swap3A_594 = arith.index_cast %swap3A_593 : i32 to index
    %swap3A_595 = memref.load %arg12[%swap3A_594] : memref<33xi32, #tpu.memory_space<smem>>
    memref.store %squeeze3A_592, %arg12[%swap3A_594] : memref<33xi32, #tpu.memory_space<smem>>
    %slice3A_596 = vector.extract_strided_slice %select_n3A_147 {offsets = [1], sizes = [1], strides = [1]} : vector<16xi32> to vector<1xi32>
    %squeeze3A_597 = vector.extract %slice3A_596[0] : i32 from vector<1xi32>
    %swap3A_598 = arith.constant 1 : i32
    %swap3A_599 = arith.index_cast %swap3A_598 : i32 to index
    %swap3A_600 = memref.load %arg12[%swap3A_599] : memref<33xi32, #tpu.memory_space<smem>>
    memref.store %squeeze3A_597, %arg12[%swap3A_599] : memref<33xi32, #tpu.memory_space<smem>>
    %slice3A_601 = vector.extract_strided_slice %select_n3A_285 {offsets = [1], sizes = [1], strides = [1]} : vector<16xi32> to vector<1xi32>
    %squeeze3A_602 = vector.extract %slice3A_601[0] : i32 from vector<1xi32>
    %swap3A_603 = arith.constant 17 : i32
    %swap3A_604 = arith.index_cast %swap3A_603 : i32 to index
    %swap3A_605 = memref.load %arg12[%swap3A_604] : memref<33xi32, #tpu.memory_space<smem>>
    memref.store %squeeze3A_602, %arg12[%swap3A_604] : memref<33xi32, #tpu.memory_space<smem>>
    %slice3A_606 = vector.extract_strided_slice %select_n3A_147 {offsets = [2], sizes = [1], strides = [1]} : vector<16xi32> to vector<1xi32>
    %squeeze3A_607 = vector.extract %slice3A_606[0] : i32 from vector<1xi32>
    %swap3A_608 = arith.constant 2 : i32
    %swap3A_609 = arith.index_cast %swap3A_608 : i32 to index
    %swap3A_610 = memref.load %arg12[%swap3A_609] : memref<33xi32, #tpu.memory_space<smem>>
    memref.store %squeeze3A_607, %arg12[%swap3A_609] : memref<33xi32, #tpu.memory_space<smem>>
    %slice3A_611 = vector.extract_strided_slice %select_n3A_285 {offsets = [2], sizes = [1], strides = [1]} : vector<16xi32> to vector<1xi32>
    %squeeze3A_612 = vector.extract %slice3A_611[0] : i32 from vector<1xi32>
    %swap3A_613 = arith.constant 18 : i32
    %swap3A_614 = arith.index_cast %swap3A_613 : i32 to index
    %swap3A_615 = memref.load %arg12[%swap3A_614] : memref<33xi32, #tpu.memory_space<smem>>
    memref.store %squeeze3A_612, %arg12[%swap3A_614] : memref<33xi32, #tpu.memory_space<smem>>
    %slice3A_616 = vector.extract_strided_slice %select_n3A_147 {offsets = [3], sizes = [1], strides = [1]} : vector<16xi32> to vector<1xi32>
    %squeeze3A_617 = vector.extract %slice3A_616[0] : i32 from vector<1xi32>
    %swap3A_618 = arith.constant 3 : i32
    %swap3A_619 = arith.index_cast %swap3A_618 : i32 to index
    %swap3A_620 = memref.load %arg12[%swap3A_619] : memref<33xi32, #tpu.memory_space<smem>>
    memref.store %squeeze3A_617, %arg12[%swap3A_619] : memref<33xi32, #tpu.memory_space<smem>>
    %slice3A_621 = vector.extract_strided_slice %select_n3A_285 {offsets = [3], sizes = [1], strides = [1]} : vector<16xi32> to vector<1xi32>
    %squeeze3A_622 = vector.extract %slice3A_621[0] : i32 from vector<1xi32>
    %swap3A_623 = arith.constant 19 : i32
    %swap3A_624 = arith.index_cast %swap3A_623 : i32 to index
    %swap3A_625 = memref.load %arg12[%swap3A_624] : memref<33xi32, #tpu.memory_space<smem>>
    memref.store %squeeze3A_622, %arg12[%swap3A_624] : memref<33xi32, #tpu.memory_space<smem>>
    %slice3A_626 = vector.extract_strided_slice %select_n3A_147 {offsets = [4], sizes = [1], strides = [1]} : vector<16xi32> to vector<1xi32>
    %squeeze3A_627 = vector.extract %slice3A_626[0] : i32 from vector<1xi32>
    %swap3A_628 = arith.constant 4 : i32
    %swap3A_629 = arith.index_cast %swap3A_628 : i32 to index
    %swap3A_630 = memref.load %arg12[%swap3A_629] : memref<33xi32, #tpu.memory_space<smem>>
    memref.store %squeeze3A_627, %arg12[%swap3A_629] : memref<33xi32, #tpu.memory_space<smem>>
    %slice3A_631 = vector.extract_strided_slice %select_n3A_285 {offsets = [4], sizes = [1], strides = [1]} : vector<16xi32> to vector<1xi32>
    %squeeze3A_632 = vector.extract %slice3A_631[0] : i32 from vector<1xi32>
    %swap3A_633 = arith.constant 20 : i32
    %swap3A_634 = arith.index_cast %swap3A_633 : i32 to index
    %swap3A_635 = memref.load %arg12[%swap3A_634] : memref<33xi32, #tpu.memory_space<smem>>
    memref.store %squeeze3A_632, %arg12[%swap3A_634] : memref<33xi32, #tpu.memory_space<smem>>
    %slice3A_636 = vector.extract_strided_slice %select_n3A_147 {offsets = [5], sizes = [1], strides = [1]} : vector<16xi32> to vector<1xi32>
    %squeeze3A_637 = vector.extract %slice3A_636[0] : i32 from vector<1xi32>
    %swap3A_638 = arith.constant 5 : i32
    %swap3A_639 = arith.index_cast %swap3A_638 : i32 to index
    %swap3A_640 = memref.load %arg12[%swap3A_639] : memref<33xi32, #tpu.memory_space<smem>>
    memref.store %squeeze3A_637, %arg12[%swap3A_639] : memref<33xi32, #tpu.memory_space<smem>>
    %slice3A_641 = vector.extract_strided_slice %select_n3A_285 {offsets = [5], sizes = [1], strides = [1]} : vector<16xi32> to vector<1xi32>
    %squeeze3A_642 = vector.extract %slice3A_641[0] : i32 from vector<1xi32>
    %swap3A_643 = arith.constant 21 : i32
    %swap3A_644 = arith.index_cast %swap3A_643 : i32 to index
    %swap3A_645 = memref.load %arg12[%swap3A_644] : memref<33xi32, #tpu.memory_space<smem>>
    memref.store %squeeze3A_642, %arg12[%swap3A_644] : memref<33xi32, #tpu.memory_space<smem>>
    %slice3A_646 = vector.extract_strided_slice %select_n3A_147 {offsets = [6], sizes = [1], strides = [1]} : vector<16xi32> to vector<1xi32>
    %squeeze3A_647 = vector.extract %slice3A_646[0] : i32 from vector<1xi32>
    %swap3A_648 = arith.constant 6 : i32
    %swap3A_649 = arith.index_cast %swap3A_648 : i32 to index
    %swap3A_650 = memref.load %arg12[%swap3A_649] : memref<33xi32, #tpu.memory_space<smem>>
    memref.store %squeeze3A_647, %arg12[%swap3A_649] : memref<33xi32, #tpu.memory_space<smem>>
    %slice3A_651 = vector.extract_strided_slice %select_n3A_285 {offsets = [6], sizes = [1], strides = [1]} : vector<16xi32> to vector<1xi32>
    %squeeze3A_652 = vector.extract %slice3A_651[0] : i32 from vector<1xi32>
    %swap3A_653 = arith.constant 22 : i32
    %swap3A_654 = arith.index_cast %swap3A_653 : i32 to index
    %swap3A_655 = memref.load %arg12[%swap3A_654] : memref<33xi32, #tpu.memory_space<smem>>
    memref.store %squeeze3A_652, %arg12[%swap3A_654] : memref<33xi32, #tpu.memory_space<smem>>
    %slice3A_656 = vector.extract_strided_slice %select_n3A_147 {offsets = [7], sizes = [1], strides = [1]} : vector<16xi32> to vector<1xi32>
    %squeeze3A_657 = vector.extract %slice3A_656[0] : i32 from vector<1xi32>
    %swap3A_658 = arith.constant 7 : i32
    %swap3A_659 = arith.index_cast %swap3A_658 : i32 to index
    %swap3A_660 = memref.load %arg12[%swap3A_659] : memref<33xi32, #tpu.memory_space<smem>>
    memref.store %squeeze3A_657, %arg12[%swap3A_659] : memref<33xi32, #tpu.memory_space<smem>>
    %slice3A_661 = vector.extract_strided_slice %select_n3A_285 {offsets = [7], sizes = [1], strides = [1]} : vector<16xi32> to vector<1xi32>
    %squeeze3A_662 = vector.extract %slice3A_661[0] : i32 from vector<1xi32>
    %swap3A_663 = arith.constant 23 : i32
    %swap3A_664 = arith.index_cast %swap3A_663 : i32 to index
    %swap3A_665 = memref.load %arg12[%swap3A_664] : memref<33xi32, #tpu.memory_space<smem>>
    memref.store %squeeze3A_662, %arg12[%swap3A_664] : memref<33xi32, #tpu.memory_space<smem>>
    %slice3A_666 = vector.extract_strided_slice %select_n3A_147 {offsets = [8], sizes = [1], strides = [1]} : vector<16xi32> to vector<1xi32>
    %squeeze3A_667 = vector.extract %slice3A_666[0] : i32 from vector<1xi32>
    %swap3A_668 = arith.constant 8 : i32
    %swap3A_669 = arith.index_cast %swap3A_668 : i32 to index
    %swap3A_670 = memref.load %arg12[%swap3A_669] : memref<33xi32, #tpu.memory_space<smem>>
    memref.store %squeeze3A_667, %arg12[%swap3A_669] : memref<33xi32, #tpu.memory_space<smem>>
    %slice3A_671 = vector.extract_strided_slice %select_n3A_285 {offsets = [8], sizes = [1], strides = [1]} : vector<16xi32> to vector<1xi32>
    %squeeze3A_672 = vector.extract %slice3A_671[0] : i32 from vector<1xi32>
    %swap3A_673 = arith.constant 24 : i32
    %swap3A_674 = arith.index_cast %swap3A_673 : i32 to index
    %swap3A_675 = memref.load %arg12[%swap3A_674] : memref<33xi32, #tpu.memory_space<smem>>
    memref.store %squeeze3A_672, %arg12[%swap3A_674] : memref<33xi32, #tpu.memory_space<smem>>
    %slice3A_676 = vector.extract_strided_slice %select_n3A_147 {offsets = [9], sizes = [1], strides = [1]} : vector<16xi32> to vector<1xi32>
    %squeeze3A_677 = vector.extract %slice3A_676[0] : i32 from vector<1xi32>
    %swap3A_678 = arith.constant 9 : i32
    %swap3A_679 = arith.index_cast %swap3A_678 : i32 to index
    %swap3A_680 = memref.load %arg12[%swap3A_679] : memref<33xi32, #tpu.memory_space<smem>>
    memref.store %squeeze3A_677, %arg12[%swap3A_679] : memref<33xi32, #tpu.memory_space<smem>>
    %slice3A_681 = vector.extract_strided_slice %select_n3A_285 {offsets = [9], sizes = [1], strides = [1]} : vector<16xi32> to vector<1xi32>
    %squeeze3A_682 = vector.extract %slice3A_681[0] : i32 from vector<1xi32>
    %swap3A_683 = arith.constant 25 : i32
    %swap3A_684 = arith.index_cast %swap3A_683 : i32 to index
    %swap3A_685 = memref.load %arg12[%swap3A_684] : memref<33xi32, #tpu.memory_space<smem>>
    memref.store %squeeze3A_682, %arg12[%swap3A_684] : memref<33xi32, #tpu.memory_space<smem>>
    %slice3A_686 = vector.extract_strided_slice %select_n3A_147 {offsets = [10], sizes = [1], strides = [1]} : vector<16xi32> to vector<1xi32>
    %squeeze3A_687 = vector.extract %slice3A_686[0] : i32 from vector<1xi32>
    %swap3A_688 = arith.constant 10 : i32
    %swap3A_689 = arith.index_cast %swap3A_688 : i32 to index
    %swap3A_690 = memref.load %arg12[%swap3A_689] : memref<33xi32, #tpu.memory_space<smem>>
    memref.store %squeeze3A_687, %arg12[%swap3A_689] : memref<33xi32, #tpu.memory_space<smem>>
    %slice3A_691 = vector.extract_strided_slice %select_n3A_285 {offsets = [10], sizes = [1], strides = [1]} : vector<16xi32> to vector<1xi32>
    %squeeze3A_692 = vector.extract %slice3A_691[0] : i32 from vector<1xi32>
    %swap3A_693 = arith.constant 26 : i32
    %swap3A_694 = arith.index_cast %swap3A_693 : i32 to index
    %swap3A_695 = memref.load %arg12[%swap3A_694] : memref<33xi32, #tpu.memory_space<smem>>
    memref.store %squeeze3A_692, %arg12[%swap3A_694] : memref<33xi32, #tpu.memory_space<smem>>
    %slice3A_696 = vector.extract_strided_slice %select_n3A_147 {offsets = [11], sizes = [1], strides = [1]} : vector<16xi32> to vector<1xi32>
    %squeeze3A_697 = vector.extract %slice3A_696[0] : i32 from vector<1xi32>
    %swap3A_698 = arith.constant 11 : i32
    %swap3A_699 = arith.index_cast %swap3A_698 : i32 to index
    %swap3A_700 = memref.load %arg12[%swap3A_699] : memref<33xi32, #tpu.memory_space<smem>>
    memref.store %squeeze3A_697, %arg12[%swap3A_699] : memref<33xi32, #tpu.memory_space<smem>>
    %slice3A_701 = vector.extract_strided_slice %select_n3A_285 {offsets = [11], sizes = [1], strides = [1]} : vector<16xi32> to vector<1xi32>
    %squeeze3A_702 = vector.extract %slice3A_701[0] : i32 from vector<1xi32>
    %swap3A_703 = arith.constant 27 : i32
    %swap3A_704 = arith.index_cast %swap3A_703 : i32 to index
    %swap3A_705 = memref.load %arg12[%swap3A_704] : memref<33xi32, #tpu.memory_space<smem>>
    memref.store %squeeze3A_702, %arg12[%swap3A_704] : memref<33xi32, #tpu.memory_space<smem>>
    %slice3A_706 = vector.extract_strided_slice %select_n3A_147 {offsets = [12], sizes = [1], strides = [1]} : vector<16xi32> to vector<1xi32>
    %squeeze3A_707 = vector.extract %slice3A_706[0] : i32 from vector<1xi32>
    %swap3A_708 = arith.constant 12 : i32
    %swap3A_709 = arith.index_cast %swap3A_708 : i32 to index
    %swap3A_710 = memref.load %arg12[%swap3A_709] : memref<33xi32, #tpu.memory_space<smem>>
    memref.store %squeeze3A_707, %arg12[%swap3A_709] : memref<33xi32, #tpu.memory_space<smem>>
    %slice3A_711 = vector.extract_strided_slice %select_n3A_285 {offsets = [12], sizes = [1], strides = [1]} : vector<16xi32> to vector<1xi32>
    %squeeze3A_712 = vector.extract %slice3A_711[0] : i32 from vector<1xi32>
    %swap3A_713 = arith.constant 28 : i32
    %swap3A_714 = arith.index_cast %swap3A_713 : i32 to index
    %swap3A_715 = memref.load %arg12[%swap3A_714] : memref<33xi32, #tpu.memory_space<smem>>
    memref.store %squeeze3A_712, %arg12[%swap3A_714] : memref<33xi32, #tpu.memory_space<smem>>
    %slice3A_716 = vector.extract_strided_slice %select_n3A_147 {offsets = [13], sizes = [1], strides = [1]} : vector<16xi32> to vector<1xi32>
    %squeeze3A_717 = vector.extract %slice3A_716[0] : i32 from vector<1xi32>
    %swap3A_718 = arith.constant 13 : i32
    %swap3A_719 = arith.index_cast %swap3A_718 : i32 to index
    %swap3A_720 = memref.load %arg12[%swap3A_719] : memref<33xi32, #tpu.memory_space<smem>>
    memref.store %squeeze3A_717, %arg12[%swap3A_719] : memref<33xi32, #tpu.memory_space<smem>>
    %slice3A_721 = vector.extract_strided_slice %select_n3A_285 {offsets = [13], sizes = [1], strides = [1]} : vector<16xi32> to vector<1xi32>
    %squeeze3A_722 = vector.extract %slice3A_721[0] : i32 from vector<1xi32>
    %swap3A_723 = arith.constant 29 : i32
    %swap3A_724 = arith.index_cast %swap3A_723 : i32 to index
    %swap3A_725 = memref.load %arg12[%swap3A_724] : memref<33xi32, #tpu.memory_space<smem>>
    memref.store %squeeze3A_722, %arg12[%swap3A_724] : memref<33xi32, #tpu.memory_space<smem>>
    %slice3A_726 = vector.extract_strided_slice %select_n3A_147 {offsets = [14], sizes = [1], strides = [1]} : vector<16xi32> to vector<1xi32>
    %squeeze3A_727 = vector.extract %slice3A_726[0] : i32 from vector<1xi32>
    %swap3A_728 = arith.constant 14 : i32
    %swap3A_729 = arith.index_cast %swap3A_728 : i32 to index
    %swap3A_730 = memref.load %arg12[%swap3A_729] : memref<33xi32, #tpu.memory_space<smem>>
    memref.store %squeeze3A_727, %arg12[%swap3A_729] : memref<33xi32, #tpu.memory_space<smem>>
    %slice3A_731 = vector.extract_strided_slice %select_n3A_285 {offsets = [14], sizes = [1], strides = [1]} : vector<16xi32> to vector<1xi32>
    %squeeze3A_732 = vector.extract %slice3A_731[0] : i32 from vector<1xi32>
    %swap3A_733 = arith.constant 30 : i32
    %swap3A_734 = arith.index_cast %swap3A_733 : i32 to index
    %swap3A_735 = memref.load %arg12[%swap3A_734] : memref<33xi32, #tpu.memory_space<smem>>
    memref.store %squeeze3A_732, %arg12[%swap3A_734] : memref<33xi32, #tpu.memory_space<smem>>
    %slice3A_736 = vector.extract_strided_slice %select_n3A_147 {offsets = [15], sizes = [1], strides = [1]} : vector<16xi32> to vector<1xi32>
    %squeeze3A_737 = vector.extract %slice3A_736[0] : i32 from vector<1xi32>
    %swap3A_738 = arith.constant 15 : i32
    %swap3A_739 = arith.index_cast %swap3A_738 : i32 to index
    %swap3A_740 = memref.load %arg12[%swap3A_739] : memref<33xi32, #tpu.memory_space<smem>>
    memref.store %squeeze3A_737, %arg12[%swap3A_739] : memref<33xi32, #tpu.memory_space<smem>>
    %slice3A_741 = vector.extract_strided_slice %select_n3A_285 {offsets = [15], sizes = [1], strides = [1]} : vector<16xi32> to vector<1xi32>
    %squeeze3A_742 = vector.extract %slice3A_741[0] : i32 from vector<1xi32>
    %swap3A_743 = arith.constant 31 : i32
    %swap3A_744 = arith.index_cast %swap3A_743 : i32 to index
    %swap3A_745 = memref.load %arg12[%swap3A_744] : memref<33xi32, #tpu.memory_space<smem>>
    memref.store %squeeze3A_742, %arg12[%swap3A_744] : memref<33xi32, #tpu.memory_space<smem>>
    %slice3A_746 = vector.extract_strided_slice %select_n3A_563 {offsets = [15], sizes = [1], strides = [1]} : vector<16xi32> to vector<1xi32>
    %squeeze3A_747 = vector.extract %slice3A_746[0] : i32 from vector<1xi32>
    %swap3A_748 = arith.constant 32 : i32
    %swap3A_749 = arith.index_cast %swap3A_748 : i32 to index
    %swap3A_750 = memref.load %arg12[%swap3A_749] : memref<33xi32, #tpu.memory_space<smem>>
    memref.store %squeeze3A_747, %arg12[%swap3A_749] : memref<33xi32, #tpu.memory_space<smem>>
    %sub3A = arith.subi %select_n3A_423, %select_n3A_147 : vector<16xi32>
    %convert_element_type3A_751 = arith.sitofp %sub3A : vector<16xi32> to vector<16xf32>
    %swap3A_752 = arith.constant 0 : index
    %swap3A_753 = tpu.vector_load %arg11[%swap3A_752] {strides = array<i32>} : memref<32xf32, #tpu.memory_space<vmem>>, vector<16xf32>,
    tpu.vector_store %arg11[%swap3A_752], %convert_element_type3A_751 {strides = array<i32>} : memref<32xf32, #tpu.memory_space<vmem>>, vector<16xf32>,
    %sub3A_754 = arith.subi %select_n3A_563, %select_n3A_285 : vector<16xi32>
    %convert_element_type3A_755 = arith.sitofp %sub3A_754 : vector<16xi32> to vector<16xf32>
    %swap3A_756 = arith.constant 16 : index
    %swap3A_757 = tpu.vector_load %arg11[%swap3A_756] {strides = array<i32>} : memref<32xf32, #tpu.memory_space<vmem>>, vector<16xf32>,
    tpu.vector_store %arg11[%swap3A_756], %convert_element_type3A_755 {strides = array<i32>} : memref<32xf32, #tpu.memory_space<vmem>>, vector<16xf32>,
    "tpu.region"() ({
      %run_scoped3A = tpu.sem_alloc : memref<!tpu.dma_semaphore, #tpu.memory_space<semaphore_mem>>
      %dma_start3A_788 = tpu.memref_slice %arg5[%mul3A_2] : memref<1024xf32, #tpu.memory_space<hbm>> -> memref<32xf32, #tpu.memory_space<hbm>>
      %dma_start3A_789 = tpu.memref_slice %arg5[%mul3A_2] : memref<1024xf32, #tpu.memory_space<hbm>> -> memref<32xf32, #tpu.memory_space<hbm>>
      tpu.enqueue_dma source(%arg11 : memref<32xf32, #tpu.memory_space<vmem>>) target(%dma_start3A_789 : memref<32xf32, #tpu.memory_space<hbm>>) target_semaphore(%run_scoped3A : memref<!tpu.dma_semaphore, #tpu.memory_space<semaphore_mem>>)
      %dma_wait3A_790 = tpu.memref_slice %arg5[%mul3A_2] : memref<1024xf32, #tpu.memory_space<hbm>> -> memref<32xf32, #tpu.memory_space<hbm>>
      %dma_wait3A_791 = tpu.memref_slice %arg5[%mul3A_2] : memref<1024xf32, #tpu.memory_space<hbm>> -> memref<32xf32, #tpu.memory_space<hbm>>
      tpu.wait_dma2 semaphore(%run_scoped3A : memref<!tpu.dma_semaphore, #tpu.memory_space<semaphore_mem>>) src(%arg11 : memref<32xf32, #tpu.memory_space<vmem>>) dst(%dma_wait3A_791 : memref<32xf32, #tpu.memory_space<hbm>>)
      tpu.yield
    }) : () -> ()
    %sub3A_758 = arith.subi %shift_right_logical3A_570, %shift_right_logical3A_566 : i32
    %add3A_759 = arith.constant 2 : i32
    %add3A_760 = arith.addi %sub3A_758, %add3A_759 : i32
    %jit3A = arith.constant 3 : i32
    %div3A = arith.divsi %add3A_760, %jit3A : i32
    %sign3A = arith.constant 0 : i32
    %sign3A_761 = arith.cmpi sgt, %add3A_760, %sign3A : i32
    %sign3A_762 = arith.extui %sign3A_761 : i1 to i32
    %sign3A_763 = arith.constant 0 : i32
    %sign3A_764 = arith.cmpi slt, %add3A_760, %sign3A_763 : i32
    %sign3A_765 = arith.extui %sign3A_764 : i1 to i32
    %sign3A_766 = arith.subi %sign3A_762, %sign3A_765 : i32
    %sign3A_767 = arith.constant 0 : i32
    %sign3A_768 = arith.cmpi sgt, %jit3A, %sign3A_767 : i32
    %sign3A_769 = arith.extui %sign3A_768 : i1 to i32
    %sign3A_770 = arith.constant 0 : i32
    %sign3A_771 = arith.cmpi slt, %jit3A, %sign3A_770 : i32
    %sign3A_772 = arith.extui %sign3A_771 : i1 to i32
    %sign3A_773 = arith.subi %sign3A_769, %sign3A_772 : i32
    %ne3A = arith.cmpi ne, %sign3A_766, %sign3A_773 : i32
    %rem3A = arith.remsi %add3A_760, %jit3A : i32
    %ne3A_774 = arith.constant 0 : i32
    %ne3A_775 = arith.cmpi ne, %rem3A, %ne3A_774 : i32
    %and3A = arith.andi %ne3A, %ne3A_775 : i1
    %sub3A_776 = arith.constant 1 : i32
    %sub3A_777 = arith.subi %div3A, %sub3A_776 : i32
    %select_n3A_778 = arith.select %and3A, %sub3A_777, %div3A : i32
    %while3A = arith.constant 0 : i32
    %while3A_779 = arith.constant 0 : i32
    %while3A_780 = arith.subi %select_n3A_778, %while3A_779 : i32
    %while3A_781 = arith.addi %while3A_779, %while3A_780 : i32
    %while3A_782 = arith.constant 1 : i32
    %while3A_783 = arith.divsi %while3A_780, %while3A_782 : i32
    %while3A_784 = arith.muli %while3A_783, %while3A_782 : i32
    %while3A_785 = arith.addi %while3A_779, %while3A_784 : i32
    %while3A_786 = arith.constant 1 : i32
    scf.for %while3A_788 = %while3A_779 to %while3A_785 step %while3A_786  : i32 {
      %mul3A_789 = arith.constant 3 : i32
      %mul3A_790 = arith.muli %mul3A_789, %while3A_788 : i32
      %add3A_791 = arith.addi %shift_right_logical3A_566, %mul3A_790 : i32
      %add3A_792 = arith.constant 0 : i32
      %add3A_793 = arith.addi %add3A_791, %add3A_792 : i32
      %lt3A_794 = arith.cmpi slt, %add3A_793, %shift_right_logical3A_570 : i32
      %convert_element_type3A_795 = arith.extui %lt3A_794 : i1 to i32
      %cond3A_796 = arith.constant 0 : i32
      %cond3A_797 = arith.cmpi ne, %convert_element_type3A_795, %cond3A_796 : i32
      scf.if %cond3A_797 {
        %dma_wait3A_849 = arith.constant 0 : i32
        %dma_wait3A_850 = arith.constant 0 : i32
        %dma_wait3A_851 = tpu.memref_slice %arg2[%dma_wait3A_849, %dma_wait3A_850] : memref<16384x256xf32, #tpu.memory_space<hbm>> -> memref<128x256xf32, #tpu.memory_space<hbm>>
        %dma_wait3A_852 = arith.constant 0 : i32
        %dma_wait3A_853 = arith.constant 0 : i32
        %dma_wait3A_854 = tpu.memref_slice %arg2[%dma_wait3A_852, %dma_wait3A_853] : memref<16384x256xf32, #tpu.memory_space<hbm>> -> memref<128x256xf32, #tpu.memory_space<hbm>>
        tpu.wait_dma2 semaphore(%arg13 : memref<!tpu.dma_semaphore, #tpu.memory_space<semaphore_mem>>) src(%dma_wait3A_854 : memref<128x256xf32, #tpu.memory_space<hbm>>) dst(%arg7 : memref<128x256xf32, #tpu.memory_space<vmem>>)
      } else {
      }
      %mul3A_798 = arith.constant 128 : i32
      %mul3A_799 = arith.muli %add3A_793, %mul3A_798 : i32
      %scan3A_800 = arith.constant 0 : i32
      %scan3A_801 = arith.constant 32 : i32
      %scan3A_802 = arith.addi %scan3A_800, %scan3A_801 : i32
      %scan3A_803 = arith.constant 1 : i32
      scf.for %scan3A_849 = %scan3A_800 to %scan3A_802 step %scan3A_803  : i32 {
        %get3A = arith.index_cast %scan3A_849 : i32 to index
        %get3A_850 = memref.load %arg12[%get3A] : memref<33xi32, #tpu.memory_space<smem>>
        %max3A = arith.maxsi %get3A_850, %mul3A_799 : i32
        %add3A_851 = arith.constant 1 : i32
        %add3A_852 = arith.addi %scan3A_849, %add3A_851 : i32
        %get3A_853 = arith.index_cast %add3A_852 : i32 to index
        %get3A_854 = memref.load %arg12[%get3A_853] : memref<33xi32, #tpu.memory_space<smem>>
        %add3A_855 = arith.constant 128 : i32
        %add3A_856 = arith.addi %mul3A_799, %add3A_855 : i32
        %min3A = arith.minsi %get3A_854, %add3A_856 : i32
        %while3A_857 = arith.subi %min3A, %max3A : i32
        %while3A_858 = arith.addi %max3A, %while3A_857 : i32
        %while3A_859 = arith.constant 1 : i32
        %while3A_860 = arith.divsi %while3A_857, %while3A_859 : i32
        %while3A_861 = arith.muli %while3A_860, %while3A_859 : i32
        %while3A_862 = arith.addi %max3A, %while3A_861 : i32
        %while3A_863 = arith.constant 1 : i32
        %while3A_864:16 = scf.for %while3A_870 = %max3A to %while3A_862 step %while3A_863 iter_args(%while3A_871 = %broadcast_in_dim3A_6, %while3A_872 = %broadcast_in_dim3A_6, %while3A_873 = %broadcast_in_dim3A_6, %while3A_874 = %broadcast_in_dim3A_6, %while3A_875 = %broadcast_in_dim3A_6, %while3A_876 = %broadcast_in_dim3A_6, %while3A_877 = %broadcast_in_dim3A_6, %while3A_878 = %broadcast_in_dim3A_6, %while3A_879 = %broadcast_in_dim3A_6, %while3A_880 = %broadcast_in_dim3A_6, %while3A_881 = %broadcast_in_dim3A_6, %while3A_882 = %broadcast_in_dim3A_6, %while3A_883 = %broadcast_in_dim3A_6, %while3A_884 = %broadcast_in_dim3A_6, %while3A_885 = %broadcast_in_dim3A_6, %while3A_886 = %broadcast_in_dim3A_6) -> (vector<16xf32>, vector<16xf32>, vector<16xf32>, vector<16xf32>, vector<16xf32>, vector<16xf32>, vector<16xf32>, vector<16xf32>, vector<16xf32>, vector<16xf32>, vector<16xf32>, vector<16xf32>, vector<16xf32>, vector<16xf32>, vector<16xf32>, vector<16xf32>)  : i32 {
          %sub3A_887 = arith.subi %while3A_870, %mul3A_799 : i32
          %get3A_888 = arith.index_cast %sub3A_887 : i32 to index
          %get3A_889 = arith.constant 0 : index
          %get3A_890 = tpu.vector_load %arg7[%get3A_888, %get3A_889] {strides = array<i32>} : memref<128x256xf32, #tpu.memory_space<vmem>>, vector<16xf32>,
          %add3A_891 = arith.addf %while3A_871, %get3A_890 : vector<16xf32>
          %get3A_892 = arith.index_cast %sub3A_887 : i32 to index
          %get3A_893 = arith.constant 16 : index
          %get3A_894 = tpu.vector_load %arg7[%get3A_892, %get3A_893] {strides = array<i32>} : memref<128x256xf32, #tpu.memory_space<vmem>>, vector<16xf32>,
          %add3A_895 = arith.addf %while3A_872, %get3A_894 : vector<16xf32>
          %get3A_896 = arith.index_cast %sub3A_887 : i32 to index
          %get3A_897 = arith.constant 32 : index
          %get3A_898 = tpu.vector_load %arg7[%get3A_896, %get3A_897] {strides = array<i32>} : memref<128x256xf32, #tpu.memory_space<vmem>>, vector<16xf32>,
          %add3A_899 = arith.addf %while3A_873, %get3A_898 : vector<16xf32>
          %get3A_900 = arith.index_cast %sub3A_887 : i32 to index
          %get3A_901 = arith.constant 48 : index
          %get3A_902 = tpu.vector_load %arg7[%get3A_900, %get3A_901] {strides = array<i32>} : memref<128x256xf32, #tpu.memory_space<vmem>>, vector<16xf32>,
          %add3A_903 = arith.addf %while3A_874, %get3A_902 : vector<16xf32>
          %get3A_904 = arith.index_cast %sub3A_887 : i32 to index
          %get3A_905 = arith.constant 64 : index
          %get3A_906 = tpu.vector_load %arg7[%get3A_904, %get3A_905] {strides = array<i32>} : memref<128x256xf32, #tpu.memory_space<vmem>>, vector<16xf32>,
          %add3A_907 = arith.addf %while3A_875, %get3A_906 : vector<16xf32>
          %get3A_908 = arith.index_cast %sub3A_887 : i32 to index
          %get3A_909 = arith.constant 80 : index
          %get3A_910 = tpu.vector_load %arg7[%get3A_908, %get3A_909] {strides = array<i32>} : memref<128x256xf32, #tpu.memory_space<vmem>>, vector<16xf32>,
          %add3A_911 = arith.addf %while3A_876, %get3A_910 : vector<16xf32>
          %get3A_912 = arith.index_cast %sub3A_887 : i32 to index
          %get3A_913 = arith.constant 96 : index
          %get3A_914 = tpu.vector_load %arg7[%get3A_912, %get3A_913] {strides = array<i32>} : memref<128x256xf32, #tpu.memory_space<vmem>>, vector<16xf32>,
          %add3A_915 = arith.addf %while3A_877, %get3A_914 : vector<16xf32>
          %get3A_916 = arith.index_cast %sub3A_887 : i32 to index
          %get3A_917 = arith.constant 112 : index
          %get3A_918 = tpu.vector_load %arg7[%get3A_916, %get3A_917] {strides = array<i32>} : memref<128x256xf32, #tpu.memory_space<vmem>>, vector<16xf32>,
          %add3A_919 = arith.addf %while3A_878, %get3A_918 : vector<16xf32>
          %get3A_920 = arith.index_cast %sub3A_887 : i32 to index
          %get3A_921 = arith.constant 128 : index
          %get3A_922 = tpu.vector_load %arg7[%get3A_920, %get3A_921] {strides = array<i32>} : memref<128x256xf32, #tpu.memory_space<vmem>>, vector<16xf32>,
          %add3A_923 = arith.addf %while3A_879, %get3A_922 : vector<16xf32>
          %get3A_924 = arith.index_cast %sub3A_887 : i32 to index
          %get3A_925 = arith.constant 144 : index
          %get3A_926 = tpu.vector_load %arg7[%get3A_924, %get3A_925] {strides = array<i32>} : memref<128x256xf32, #tpu.memory_space<vmem>>, vector<16xf32>,
          %add3A_927 = arith.addf %while3A_880, %get3A_926 : vector<16xf32>
          %get3A_928 = arith.index_cast %sub3A_887 : i32 to index
          %get3A_929 = arith.constant 160 : index
          %get3A_930 = tpu.vector_load %arg7[%get3A_928, %get3A_929] {strides = array<i32>} : memref<128x256xf32, #tpu.memory_space<vmem>>, vector<16xf32>,
          %add3A_931 = arith.addf %while3A_881, %get3A_930 : vector<16xf32>
          %get3A_932 = arith.index_cast %sub3A_887 : i32 to index
          %get3A_933 = arith.constant 176 : index
          %get3A_934 = tpu.vector_load %arg7[%get3A_932, %get3A_933] {strides = array<i32>} : memref<128x256xf32, #tpu.memory_space<vmem>>, vector<16xf32>,
          %add3A_935 = arith.addf %while3A_882, %get3A_934 : vector<16xf32>
          %get3A_936 = arith.index_cast %sub3A_887 : i32 to index
          %get3A_937 = arith.constant 192 : index
          %get3A_938 = tpu.vector_load %arg7[%get3A_936, %get3A_937] {strides = array<i32>} : memref<128x256xf32, #tpu.memory_space<vmem>>, vector<16xf32>,
          %add3A_939 = arith.addf %while3A_883, %get3A_938 : vector<16xf32>
          %get3A_940 = arith.index_cast %sub3A_887 : i32 to index
          %get3A_941 = arith.constant 208 : index
          %get3A_942 = tpu.vector_load %arg7[%get3A_940, %get3A_941] {strides = array<i32>} : memref<128x256xf32, #tpu.memory_space<vmem>>, vector<16xf32>,
          %add3A_943 = arith.addf %while3A_884, %get3A_942 : vector<16xf32>
          %get3A_944 = arith.index_cast %sub3A_887 : i32 to index
          %get3A_945 = arith.constant 224 : index
          %get3A_946 = tpu.vector_load %arg7[%get3A_944, %get3A_945] {strides = array<i32>} : memref<128x256xf32, #tpu.memory_space<vmem>>, vector<16xf32>,
          %add3A_947 = arith.addf %while3A_885, %get3A_946 : vector<16xf32>
          %get3A_948 = arith.index_cast %sub3A_887 : i32 to index
          %get3A_949 = arith.constant 240 : index
          %get3A_950 = tpu.vector_load %arg7[%get3A_948, %get3A_949] {strides = array<i32>} : memref<128x256xf32, #tpu.memory_space<vmem>>, vector<16xf32>,
          %add3A_951 = arith.addf %while3A_886, %get3A_950 : vector<16xf32>
          scf.yield %add3A_891, %add3A_895, %add3A_899, %add3A_903, %add3A_907, %add3A_911, %add3A_915, %add3A_919, %add3A_923, %add3A_927, %add3A_931, %add3A_935, %add3A_939, %add3A_943, %add3A_947, %add3A_951 : vector<16xf32>, vector<16xf32>, vector<16xf32>, vector<16xf32>, vector<16xf32>, vector<16xf32>, vector<16xf32>, vector<16xf32>, vector<16xf32>, vector<16xf32>, vector<16xf32>, vector<16xf32>, vector<16xf32>, vector<16xf32>, vector<16xf32>, vector<16xf32>
        }
        %while3A_865 = arith.constant 1 : i32
        %while3A_866:16 = scf.for %while3A_870 = %while3A_862 to %while3A_858 step %while3A_865 iter_args(%while3A_871 = %while3A_864#0, %while3A_872 = %while3A_864#1, %while3A_873 = %while3A_864#2, %while3A_874 = %while3A_864#3, %while3A_875 = %while3A_864#4, %while3A_876 = %while3A_864#5, %while3A_877 = %while3A_864#6, %while3A_878 = %while3A_864#7, %while3A_879 = %while3A_864#8, %while3A_880 = %while3A_864#9, %while3A_881 = %while3A_864#10, %while3A_882 = %while3A_864#11, %while3A_883 = %while3A_864#12, %while3A_884 = %while3A_864#13, %while3A_885 = %while3A_864#14, %while3A_886 = %while3A_864#15) -> (vector<16xf32>, vector<16xf32>, vector<16xf32>, vector<16xf32>, vector<16xf32>, vector<16xf32>, vector<16xf32>, vector<16xf32>, vector<16xf32>, vector<16xf32>, vector<16xf32>, vector<16xf32>, vector<16xf32>, vector<16xf32>, vector<16xf32>, vector<16xf32>)  : i32 {
          %sub3A_887 = arith.subi %while3A_870, %mul3A_799 : i32
          %get3A_888 = arith.index_cast %sub3A_887 : i32 to index
          %get3A_889 = arith.constant 0 : index
          %get3A_890 = tpu.vector_load %arg7[%get3A_888, %get3A_889] {strides = array<i32>} : memref<128x256xf32, #tpu.memory_space<vmem>>, vector<16xf32>,
          %add3A_891 = arith.addf %while3A_871, %get3A_890 : vector<16xf32>
          %get3A_892 = arith.index_cast %sub3A_887 : i32 to index
          %get3A_893 = arith.constant 16 : index
          %get3A_894 = tpu.vector_load %arg7[%get3A_892, %get3A_893] {strides = array<i32>} : memref<128x256xf32, #tpu.memory_space<vmem>>, vector<16xf32>,
          %add3A_895 = arith.addf %while3A_872, %get3A_894 : vector<16xf32>
          %get3A_896 = arith.index_cast %sub3A_887 : i32 to index
          %get3A_897 = arith.constant 32 : index
          %get3A_898 = tpu.vector_load %arg7[%get3A_896, %get3A_897] {strides = array<i32>} : memref<128x256xf32, #tpu.memory_space<vmem>>, vector<16xf32>,
          %add3A_899 = arith.addf %while3A_873, %get3A_898 : vector<16xf32>
          %get3A_900 = arith.index_cast %sub3A_887 : i32 to index
          %get3A_901 = arith.constant 48 : index
          %get3A_902 = tpu.vector_load %arg7[%get3A_900, %get3A_901] {strides = array<i32>} : memref<128x256xf32, #tpu.memory_space<vmem>>, vector<16xf32>,
          %add3A_903 = arith.addf %while3A_874, %get3A_902 : vector<16xf32>
          %get3A_904 = arith.index_cast %sub3A_887 : i32 to index
          %get3A_905 = arith.constant 64 : index
          %get3A_906 = tpu.vector_load %arg7[%get3A_904, %get3A_905] {strides = array<i32>} : memref<128x256xf32, #tpu.memory_space<vmem>>, vector<16xf32>,
          %add3A_907 = arith.addf %while3A_875, %get3A_906 : vector<16xf32>
          %get3A_908 = arith.index_cast %sub3A_887 : i32 to index
          %get3A_909 = arith.constant 80 : index
          %get3A_910 = tpu.vector_load %arg7[%get3A_908, %get3A_909] {strides = array<i32>} : memref<128x256xf32, #tpu.memory_space<vmem>>, vector<16xf32>,
          %add3A_911 = arith.addf %while3A_876, %get3A_910 : vector<16xf32>
          %get3A_912 = arith.index_cast %sub3A_887 : i32 to index
          %get3A_913 = arith.constant 96 : index
          %get3A_914 = tpu.vector_load %arg7[%get3A_912, %get3A_913] {strides = array<i32>} : memref<128x256xf32, #tpu.memory_space<vmem>>, vector<16xf32>,
          %add3A_915 = arith.addf %while3A_877, %get3A_914 : vector<16xf32>
          %get3A_916 = arith.index_cast %sub3A_887 : i32 to index
          %get3A_917 = arith.constant 112 : index
          %get3A_918 = tpu.vector_load %arg7[%get3A_916, %get3A_917] {strides = array<i32>} : memref<128x256xf32, #tpu.memory_space<vmem>>, vector<16xf32>,
          %add3A_919 = arith.addf %while3A_878, %get3A_918 : vector<16xf32>
          %get3A_920 = arith.index_cast %sub3A_887 : i32 to index
          %get3A_921 = arith.constant 128 : index
          %get3A_922 = tpu.vector_load %arg7[%get3A_920, %get3A_921] {strides = array<i32>} : memref<128x256xf32, #tpu.memory_space<vmem>>, vector<16xf32>,
          %add3A_923 = arith.addf %while3A_879, %get3A_922 : vector<16xf32>
          %get3A_924 = arith.index_cast %sub3A_887 : i32 to index
          %get3A_925 = arith.constant 144 : index
          %get3A_926 = tpu.vector_load %arg7[%get3A_924, %get3A_925] {strides = array<i32>} : memref<128x256xf32, #tpu.memory_space<vmem>>, vector<16xf32>,
          %add3A_927 = arith.addf %while3A_880, %get3A_926 : vector<16xf32>
          %get3A_928 = arith.index_cast %sub3A_887 : i32 to index
          %get3A_929 = arith.constant 160 : index
          %get3A_930 = tpu.vector_load %arg7[%get3A_928, %get3A_929] {strides = array<i32>} : memref<128x256xf32, #tpu.memory_space<vmem>>, vector<16xf32>,
          %add3A_931 = arith.addf %while3A_881, %get3A_930 : vector<16xf32>
          %get3A_932 = arith.index_cast %sub3A_887 : i32 to index
          %get3A_933 = arith.constant 176 : index
          %get3A_934 = tpu.vector_load %arg7[%get3A_932, %get3A_933] {strides = array<i32>} : memref<128x256xf32, #tpu.memory_space<vmem>>, vector<16xf32>,
          %add3A_935 = arith.addf %while3A_882, %get3A_934 : vector<16xf32>
          %get3A_936 = arith.index_cast %sub3A_887 : i32 to index
          %get3A_937 = arith.constant 192 : index
          %get3A_938 = tpu.vector_load %arg7[%get3A_936, %get3A_937] {strides = array<i32>} : memref<128x256xf32, #tpu.memory_space<vmem>>, vector<16xf32>,
          %add3A_939 = arith.addf %while3A_883, %get3A_938 : vector<16xf32>
          %get3A_940 = arith.index_cast %sub3A_887 : i32 to index
          %get3A_941 = arith.constant 208 : index
          %get3A_942 = tpu.vector_load %arg7[%get3A_940, %get3A_941] {strides = array<i32>} : memref<128x256xf32, #tpu.memory_space<vmem>>, vector<16xf32>,
          %add3A_943 = arith.addf %while3A_884, %get3A_942 : vector<16xf32>
          %get3A_944 = arith.index_cast %sub3A_887 : i32 to index
          %get3A_945 = arith.constant 224 : index
          %get3A_946 = tpu.vector_load %arg7[%get3A_944, %get3A_945] {strides = array<i32>} : memref<128x256xf32, #tpu.memory_space<vmem>>, vector<16xf32>,
          %add3A_947 = arith.addf %while3A_885, %get3A_946 : vector<16xf32>
          %get3A_948 = arith.index_cast %sub3A_887 : i32 to index
          %get3A_949 = arith.constant 240 : index
          %get3A_950 = tpu.vector_load %arg7[%get3A_948, %get3A_949] {strides = array<i32>} : memref<128x256xf32, #tpu.memory_space<vmem>>, vector<16xf32>,
          %add3A_951 = arith.addf %while3A_886, %get3A_950 : vector<16xf32>
          scf.yield %add3A_891, %add3A_895, %add3A_899, %add3A_903, %add3A_907, %add3A_911, %add3A_915, %add3A_919, %add3A_923, %add3A_927, %add3A_931, %add3A_935, %add3A_939, %add3A_943, %add3A_947, %add3A_951 : vector<16xf32>, vector<16xf32>, vector<16xf32>, vector<16xf32>, vector<16xf32>, vector<16xf32>, vector<16xf32>, vector<16xf32>, vector<16xf32>, vector<16xf32>, vector<16xf32>, vector<16xf32>, vector<16xf32>, vector<16xf32>, vector<16xf32>, vector<16xf32>
        }
        %gt3A = arith.cmpi sgt, %min3A, %max3A : i32
        %convert_element_type3A_867 = arith.extui %gt3A : i1 to i32
        %cond3A_868 = arith.constant 0 : i32
        %cond3A_869 = arith.cmpi ne, %convert_element_type3A_867, %cond3A_868 : i32
        scf.if %cond3A_869 {
          %swap3A_870 = arith.index_cast %scan3A_849 : i32 to index
          %swap3A_871 = arith.constant 0 : index
          %swap3A_872 = tpu.vector_load %arg10[%swap3A_870, %swap3A_871] {strides = array<i32>} : memref<32x256xf32, #tpu.memory_space<vmem>>, vector<16xf32>,
          tpu.vector_store %arg10[%swap3A_870, %swap3A_871], %while3A_866#0 {add = true, strides = array<i32>} : memref<32x256xf32, #tpu.memory_space<vmem>>, vector<16xf32>,
          %swap3A_873 = arith.index_cast %scan3A_849 : i32 to index
          %swap3A_874 = arith.constant 16 : index
          %swap3A_875 = tpu.vector_load %arg10[%swap3A_873, %swap3A_874] {strides = array<i32>} : memref<32x256xf32, #tpu.memory_space<vmem>>, vector<16xf32>,
          tpu.vector_store %arg10[%swap3A_873, %swap3A_874], %while3A_866#1 {add = true, strides = array<i32>} : memref<32x256xf32, #tpu.memory_space<vmem>>, vector<16xf32>,
          %swap3A_876 = arith.index_cast %scan3A_849 : i32 to index
          %swap3A_877 = arith.constant 32 : index
          %swap3A_878 = tpu.vector_load %arg10[%swap3A_876, %swap3A_877] {strides = array<i32>} : memref<32x256xf32, #tpu.memory_space<vmem>>, vector<16xf32>,
          tpu.vector_store %arg10[%swap3A_876, %swap3A_877], %while3A_866#2 {add = true, strides = array<i32>} : memref<32x256xf32, #tpu.memory_space<vmem>>, vector<16xf32>,
          %swap3A_879 = arith.index_cast %scan3A_849 : i32 to index
          %swap3A_880 = arith.constant 48 : index
          %swap3A_881 = tpu.vector_load %arg10[%swap3A_879, %swap3A_880] {strides = array<i32>} : memref<32x256xf32, #tpu.memory_space<vmem>>, vector<16xf32>,
          tpu.vector_store %arg10[%swap3A_879, %swap3A_880], %while3A_866#3 {add = true, strides = array<i32>} : memref<32x256xf32, #tpu.memory_space<vmem>>, vector<16xf32>,
          %swap3A_882 = arith.index_cast %scan3A_849 : i32 to index
          %swap3A_883 = arith.constant 64 : index
          %swap3A_884 = tpu.vector_load %arg10[%swap3A_882, %swap3A_883] {strides = array<i32>} : memref<32x256xf32, #tpu.memory_space<vmem>>, vector<16xf32>,
          tpu.vector_store %arg10[%swap3A_882, %swap3A_883], %while3A_866#4 {add = true, strides = array<i32>} : memref<32x256xf32, #tpu.memory_space<vmem>>, vector<16xf32>,
          %swap3A_885 = arith.index_cast %scan3A_849 : i32 to index
          %swap3A_886 = arith.constant 80 : index
          %swap3A_887 = tpu.vector_load %arg10[%swap3A_885, %swap3A_886] {strides = array<i32>} : memref<32x256xf32, #tpu.memory_space<vmem>>, vector<16xf32>,
          tpu.vector_store %arg10[%swap3A_885, %swap3A_886], %while3A_866#5 {add = true, strides = array<i32>} : memref<32x256xf32, #tpu.memory_space<vmem>>, vector<16xf32>,
          %swap3A_888 = arith.index_cast %scan3A_849 : i32 to index
          %swap3A_889 = arith.constant 96 : index
          %swap3A_890 = tpu.vector_load %arg10[%swap3A_888, %swap3A_889] {strides = array<i32>} : memref<32x256xf32, #tpu.memory_space<vmem>>, vector<16xf32>,
          tpu.vector_store %arg10[%swap3A_888, %swap3A_889], %while3A_866#6 {add = true, strides = array<i32>} : memref<32x256xf32, #tpu.memory_space<vmem>>, vector<16xf32>,
          %swap3A_891 = arith.index_cast %scan3A_849 : i32 to index
          %swap3A_892 = arith.constant 112 : index
          %swap3A_893 = tpu.vector_load %arg10[%swap3A_891, %swap3A_892] {strides = array<i32>} : memref<32x256xf32, #tpu.memory_space<vmem>>, vector<16xf32>,
          tpu.vector_store %arg10[%swap3A_891, %swap3A_892], %while3A_866#7 {add = true, strides = array<i32>} : memref<32x256xf32, #tpu.memory_space<vmem>>, vector<16xf32>,
          %swap3A_894 = arith.index_cast %scan3A_849 : i32 to index
          %swap3A_895 = arith.constant 128 : index
          %swap3A_896 = tpu.vector_load %arg10[%swap3A_894, %swap3A_895] {strides = array<i32>} : memref<32x256xf32, #tpu.memory_space<vmem>>, vector<16xf32>,
          tpu.vector_store %arg10[%swap3A_894, %swap3A_895], %while3A_866#8 {add = true, strides = array<i32>} : memref<32x256xf32, #tpu.memory_space<vmem>>, vector<16xf32>,
          %swap3A_897 = arith.index_cast %scan3A_849 : i32 to index
          %swap3A_898 = arith.constant 144 : index
          %swap3A_899 = tpu.vector_load %arg10[%swap3A_897, %swap3A_898] {strides = array<i32>} : memref<32x256xf32, #tpu.memory_space<vmem>>, vector<16xf32>,
          tpu.vector_store %arg10[%swap3A_897, %swap3A_898], %while3A_866#9 {add = true, strides = array<i32>} : memref<32x256xf32, #tpu.memory_space<vmem>>, vector<16xf32>,
          %swap3A_900 = arith.index_cast %scan3A_849 : i32 to index
          %swap3A_901 = arith.constant 160 : index
          %swap3A_902 = tpu.vector_load %arg10[%swap3A_900, %swap3A_901] {strides = array<i32>} : memref<32x256xf32, #tpu.memory_space<vmem>>, vector<16xf32>,
          tpu.vector_store %arg10[%swap3A_900, %swap3A_901], %while3A_866#10 {add = true, strides = array<i32>} : memref<32x256xf32, #tpu.memory_space<vmem>>, vector<16xf32>,
          %swap3A_903 = arith.index_cast %scan3A_849 : i32 to index
          %swap3A_904 = arith.constant 176 : index
          %swap3A_905 = tpu.vector_load %arg10[%swap3A_903, %swap3A_904] {strides = array<i32>} : memref<32x256xf32, #tpu.memory_space<vmem>>, vector<16xf32>,
          tpu.vector_store %arg10[%swap3A_903, %swap3A_904], %while3A_866#11 {add = true, strides = array<i32>} : memref<32x256xf32, #tpu.memory_space<vmem>>, vector<16xf32>,
          %swap3A_906 = arith.index_cast %scan3A_849 : i32 to index
          %swap3A_907 = arith.constant 192 : index
          %swap3A_908 = tpu.vector_load %arg10[%swap3A_906, %swap3A_907] {strides = array<i32>} : memref<32x256xf32, #tpu.memory_space<vmem>>, vector<16xf32>,
          tpu.vector_store %arg10[%swap3A_906, %swap3A_907], %while3A_866#12 {add = true, strides = array<i32>} : memref<32x256xf32, #tpu.memory_space<vmem>>, vector<16xf32>,
          %swap3A_909 = arith.index_cast %scan3A_849 : i32 to index
          %swap3A_910 = arith.constant 208 : index
          %swap3A_911 = tpu.vector_load %arg10[%swap3A_909, %swap3A_910] {strides = array<i32>} : memref<32x256xf32, #tpu.memory_space<vmem>>, vector<16xf32>,
          tpu.vector_store %arg10[%swap3A_909, %swap3A_910], %while3A_866#13 {add = true, strides = array<i32>} : memref<32x256xf32, #tpu.memory_space<vmem>>, vector<16xf32>,
          %swap3A_912 = arith.index_cast %scan3A_849 : i32 to index
          %swap3A_913 = arith.constant 224 : index
          %swap3A_914 = tpu.vector_load %arg10[%swap3A_912, %swap3A_913] {strides = array<i32>} : memref<32x256xf32, #tpu.memory_space<vmem>>, vector<16xf32>,
          tpu.vector_store %arg10[%swap3A_912, %swap3A_913], %while3A_866#14 {add = true, strides = array<i32>} : memref<32x256xf32, #tpu.memory_space<vmem>>, vector<16xf32>,
          %swap3A_915 = arith.index_cast %scan3A_849 : i32 to index
          %swap3A_916 = arith.constant 240 : index
          %swap3A_917 = tpu.vector_load %arg10[%swap3A_915, %swap3A_916] {strides = array<i32>} : memref<32x256xf32, #tpu.memory_space<vmem>>, vector<16xf32>,
          tpu.vector_store %arg10[%swap3A_915, %swap3A_916], %while3A_866#15 {add = true, strides = array<i32>} : memref<32x256xf32, #tpu.memory_space<vmem>>, vector<16xf32>,
        } else {
        }
      }
      %scan3A_804 = arith.constant 32 : i32
      %add3A_805 = arith.constant 3 : i32
      %add3A_806 = arith.addi %add3A_793, %add3A_805 : i32
      %lt3A_807 = arith.cmpi slt, %add3A_806, %shift_right_logical3A_570 : i32
      %convert_element_type3A_808 = arith.extui %lt3A_807 : i1 to i32
      %cond3A_809 = arith.constant 0 : i32
      %cond3A_810 = arith.cmpi ne, %convert_element_type3A_808, %cond3A_809 : i32
      scf.if %cond3A_810 {
        %add3A_849 = arith.constant 3 : i32
        %add3A_850 = arith.addi %add3A_793, %add3A_849 : i32
        %mul3A_851 = arith.constant 128 : i32
        %mul3A_852 = arith.muli %add3A_850, %mul3A_851 : i32
        %dma_start3A_853 = arith.constant 0 : i32
        %dma_start3A_854 = tpu.memref_slice %arg2[%mul3A_852, %dma_start3A_853] : memref<16384x256xf32, #tpu.memory_space<hbm>> -> memref<128x256xf32, #tpu.memory_space<hbm>>
        %dma_start3A_855 = arith.constant 0 : i32
        %dma_start3A_856 = tpu.memref_slice %arg2[%mul3A_852, %dma_start3A_855] : memref<16384x256xf32, #tpu.memory_space<hbm>> -> memref<128x256xf32, #tpu.memory_space<hbm>>
        tpu.enqueue_dma source(%dma_start3A_856 : memref<128x256xf32, #tpu.memory_space<hbm>>) target(%arg7 : memref<128x256xf32, #tpu.memory_space<vmem>>) target_semaphore(%arg13 : memref<!tpu.dma_semaphore, #tpu.memory_space<semaphore_mem>>)
      } else {
      }
      %add3A_811 = arith.constant 1 : i32
      %add3A_812 = arith.addi %add3A_791, %add3A_811 : i32
      %lt3A_813 = arith.cmpi slt, %add3A_812, %shift_right_logical3A_570 : i32
      %convert_element_type3A_814 = arith.extui %lt3A_813 : i1 to i32
      %cond3A_815 = arith.constant 0 : i32
      %cond3A_816 = arith.cmpi ne, %convert_element_type3A_814, %cond3A_815 : i32
      scf.if %cond3A_816 {
        %dma_wait3A_849 = arith.constant 0 : i32
        %dma_wait3A_850 = arith.constant 0 : i32
        %dma_wait3A_851 = tpu.memref_slice %arg2[%dma_wait3A_849, %dma_wait3A_850] : memref<16384x256xf32, #tpu.memory_space<hbm>> -> memref<128x256xf32, #tpu.memory_space<hbm>>
        %dma_wait3A_852 = arith.constant 0 : i32
        %dma_wait3A_853 = arith.constant 0 : i32
        %dma_wait3A_854 = tpu.memref_slice %arg2[%dma_wait3A_852, %dma_wait3A_853] : memref<16384x256xf32, #tpu.memory_space<hbm>> -> memref<128x256xf32, #tpu.memory_space<hbm>>
        tpu.wait_dma2 semaphore(%arg14 : memref<!tpu.dma_semaphore, #tpu.memory_space<semaphore_mem>>) src(%dma_wait3A_854 : memref<128x256xf32, #tpu.memory_space<hbm>>) dst(%arg8 : memref<128x256xf32, #tpu.memory_space<vmem>>)
      } else {
      }
      %mul3A_817 = arith.constant 128 : i32
      %mul3A_818 = arith.muli %add3A_812, %mul3A_817 : i32
      %scan3A_819 = arith.constant 0 : i32
      %scan3A_820 = arith.constant 32 : i32
      %scan3A_821 = arith.addi %scan3A_819, %scan3A_820 : i32
      %scan3A_822 = arith.constant 1 : i32
      scf.for %scan3A_849 = %scan3A_819 to %scan3A_821 step %scan3A_822  : i32 {
        %get3A = arith.index_cast %scan3A_849 : i32 to index
        %get3A_850 = memref.load %arg12[%get3A] : memref<33xi32, #tpu.memory_space<smem>>
        %max3A = arith.maxsi %get3A_850, %mul3A_818 : i32
        %add3A_851 = arith.constant 1 : i32
        %add3A_852 = arith.addi %scan3A_849, %add3A_851 : i32
        %get3A_853 = arith.index_cast %add3A_852 : i32 to index
        %get3A_854 = memref.load %arg12[%get3A_853] : memref<33xi32, #tpu.memory_space<smem>>
        %add3A_855 = arith.constant 128 : i32
        %add3A_856 = arith.addi %mul3A_818, %add3A_855 : i32
        %min3A = arith.minsi %get3A_854, %add3A_856 : i32
        %while3A_857 = arith.subi %min3A, %max3A : i32
        %while3A_858 = arith.addi %max3A, %while3A_857 : i32
        %while3A_859 = arith.constant 1 : i32
        %while3A_860 = arith.divsi %while3A_857, %while3A_859 : i32
        %while3A_861 = arith.muli %while3A_860, %while3A_859 : i32
        %while3A_862 = arith.addi %max3A, %while3A_861 : i32
        %while3A_863 = arith.constant 1 : i32
        %while3A_864:16 = scf.for %while3A_870 = %max3A to %while3A_862 step %while3A_863 iter_args(%while3A_871 = %broadcast_in_dim3A_6, %while3A_872 = %broadcast_in_dim3A_6, %while3A_873 = %broadcast_in_dim3A_6, %while3A_874 = %broadcast_in_dim3A_6, %while3A_875 = %broadcast_in_dim3A_6, %while3A_876 = %broadcast_in_dim3A_6, %while3A_877 = %broadcast_in_dim3A_6, %while3A_878 = %broadcast_in_dim3A_6, %while3A_879 = %broadcast_in_dim3A_6, %while3A_880 = %broadcast_in_dim3A_6, %while3A_881 = %broadcast_in_dim3A_6, %while3A_882 = %broadcast_in_dim3A_6, %while3A_883 = %broadcast_in_dim3A_6, %while3A_884 = %broadcast_in_dim3A_6, %while3A_885 = %broadcast_in_dim3A_6, %while3A_886 = %broadcast_in_dim3A_6) -> (vector<16xf32>, vector<16xf32>, vector<16xf32>, vector<16xf32>, vector<16xf32>, vector<16xf32>, vector<16xf32>, vector<16xf32>, vector<16xf32>, vector<16xf32>, vector<16xf32>, vector<16xf32>, vector<16xf32>, vector<16xf32>, vector<16xf32>, vector<16xf32>)  : i32 {
          %sub3A_887 = arith.subi %while3A_870, %mul3A_818 : i32
          %get3A_888 = arith.index_cast %sub3A_887 : i32 to index
          %get3A_889 = arith.constant 0 : index
          %get3A_890 = tpu.vector_load %arg8[%get3A_888, %get3A_889] {strides = array<i32>} : memref<128x256xf32, #tpu.memory_space<vmem>>, vector<16xf32>,
          %add3A_891 = arith.addf %while3A_871, %get3A_890 : vector<16xf32>
          %get3A_892 = arith.index_cast %sub3A_887 : i32 to index
          %get3A_893 = arith.constant 16 : index
          %get3A_894 = tpu.vector_load %arg8[%get3A_892, %get3A_893] {strides = array<i32>} : memref<128x256xf32, #tpu.memory_space<vmem>>, vector<16xf32>,
          %add3A_895 = arith.addf %while3A_872, %get3A_894 : vector<16xf32>
          %get3A_896 = arith.index_cast %sub3A_887 : i32 to index
          %get3A_897 = arith.constant 32 : index
          %get3A_898 = tpu.vector_load %arg8[%get3A_896, %get3A_897] {strides = array<i32>} : memref<128x256xf32, #tpu.memory_space<vmem>>, vector<16xf32>,
          %add3A_899 = arith.addf %while3A_873, %get3A_898 : vector<16xf32>
          %get3A_900 = arith.index_cast %sub3A_887 : i32 to index
          %get3A_901 = arith.constant 48 : index
          %get3A_902 = tpu.vector_load %arg8[%get3A_900, %get3A_901] {strides = array<i32>} : memref<128x256xf32, #tpu.memory_space<vmem>>, vector<16xf32>,
          %add3A_903 = arith.addf %while3A_874, %get3A_902 : vector<16xf32>
          %get3A_904 = arith.index_cast %sub3A_887 : i32 to index
          %get3A_905 = arith.constant 64 : index
          %get3A_906 = tpu.vector_load %arg8[%get3A_904, %get3A_905] {strides = array<i32>} : memref<128x256xf32, #tpu.memory_space<vmem>>, vector<16xf32>,
          %add3A_907 = arith.addf %while3A_875, %get3A_906 : vector<16xf32>
          %get3A_908 = arith.index_cast %sub3A_887 : i32 to index
          %get3A_909 = arith.constant 80 : index
          %get3A_910 = tpu.vector_load %arg8[%get3A_908, %get3A_909] {strides = array<i32>} : memref<128x256xf32, #tpu.memory_space<vmem>>, vector<16xf32>,
          %add3A_911 = arith.addf %while3A_876, %get3A_910 : vector<16xf32>
          %get3A_912 = arith.index_cast %sub3A_887 : i32 to index
          %get3A_913 = arith.constant 96 : index
          %get3A_914 = tpu.vector_load %arg8[%get3A_912, %get3A_913] {strides = array<i32>} : memref<128x256xf32, #tpu.memory_space<vmem>>, vector<16xf32>,
          %add3A_915 = arith.addf %while3A_877, %get3A_914 : vector<16xf32>
          %get3A_916 = arith.index_cast %sub3A_887 : i32 to index
          %get3A_917 = arith.constant 112 : index
          %get3A_918 = tpu.vector_load %arg8[%get3A_916, %get3A_917] {strides = array<i32>} : memref<128x256xf32, #tpu.memory_space<vmem>>, vector<16xf32>,
          %add3A_919 = arith.addf %while3A_878, %get3A_918 : vector<16xf32>
          %get3A_920 = arith.index_cast %sub3A_887 : i32 to index
          %get3A_921 = arith.constant 128 : index
          %get3A_922 = tpu.vector_load %arg8[%get3A_920, %get3A_921] {strides = array<i32>} : memref<128x256xf32, #tpu.memory_space<vmem>>, vector<16xf32>,
          %add3A_923 = arith.addf %while3A_879, %get3A_922 : vector<16xf32>
          %get3A_924 = arith.index_cast %sub3A_887 : i32 to index
          %get3A_925 = arith.constant 144 : index
          %get3A_926 = tpu.vector_load %arg8[%get3A_924, %get3A_925] {strides = array<i32>} : memref<128x256xf32, #tpu.memory_space<vmem>>, vector<16xf32>,
          %add3A_927 = arith.addf %while3A_880, %get3A_926 : vector<16xf32>
          %get3A_928 = arith.index_cast %sub3A_887 : i32 to index
          %get3A_929 = arith.constant 160 : index
          %get3A_930 = tpu.vector_load %arg8[%get3A_928, %get3A_929] {strides = array<i32>} : memref<128x256xf32, #tpu.memory_space<vmem>>, vector<16xf32>,
          %add3A_931 = arith.addf %while3A_881, %get3A_930 : vector<16xf32>
          %get3A_932 = arith.index_cast %sub3A_887 : i32 to index
          %get3A_933 = arith.constant 176 : index
          %get3A_934 = tpu.vector_load %arg8[%get3A_932, %get3A_933] {strides = array<i32>} : memref<128x256xf32, #tpu.memory_space<vmem>>, vector<16xf32>,
          %add3A_935 = arith.addf %while3A_882, %get3A_934 : vector<16xf32>
          %get3A_936 = arith.index_cast %sub3A_887 : i32 to index
          %get3A_937 = arith.constant 192 : index
          %get3A_938 = tpu.vector_load %arg8[%get3A_936, %get3A_937] {strides = array<i32>} : memref<128x256xf32, #tpu.memory_space<vmem>>, vector<16xf32>,
          %add3A_939 = arith.addf %while3A_883, %get3A_938 : vector<16xf32>
          %get3A_940 = arith.index_cast %sub3A_887 : i32 to index
          %get3A_941 = arith.constant 208 : index
          %get3A_942 = tpu.vector_load %arg8[%get3A_940, %get3A_941] {strides = array<i32>} : memref<128x256xf32, #tpu.memory_space<vmem>>, vector<16xf32>,
          %add3A_943 = arith.addf %while3A_884, %get3A_942 : vector<16xf32>
          %get3A_944 = arith.index_cast %sub3A_887 : i32 to index
          %get3A_945 = arith.constant 224 : index
          %get3A_946 = tpu.vector_load %arg8[%get3A_944, %get3A_945] {strides = array<i32>} : memref<128x256xf32, #tpu.memory_space<vmem>>, vector<16xf32>,
          %add3A_947 = arith.addf %while3A_885, %get3A_946 : vector<16xf32>
          %get3A_948 = arith.index_cast %sub3A_887 : i32 to index
          %get3A_949 = arith.constant 240 : index
          %get3A_950 = tpu.vector_load %arg8[%get3A_948, %get3A_949] {strides = array<i32>} : memref<128x256xf32, #tpu.memory_space<vmem>>, vector<16xf32>,
          %add3A_951 = arith.addf %while3A_886, %get3A_950 : vector<16xf32>
          scf.yield %add3A_891, %add3A_895, %add3A_899, %add3A_903, %add3A_907, %add3A_911, %add3A_915, %add3A_919, %add3A_923, %add3A_927, %add3A_931, %add3A_935, %add3A_939, %add3A_943, %add3A_947, %add3A_951 : vector<16xf32>, vector<16xf32>, vector<16xf32>, vector<16xf32>, vector<16xf32>, vector<16xf32>, vector<16xf32>, vector<16xf32>, vector<16xf32>, vector<16xf32>, vector<16xf32>, vector<16xf32>, vector<16xf32>, vector<16xf32>, vector<16xf32>, vector<16xf32>
        }
        %while3A_865 = arith.constant 1 : i32
        %while3A_866:16 = scf.for %while3A_870 = %while3A_862 to %while3A_858 step %while3A_865 iter_args(%while3A_871 = %while3A_864#0, %while3A_872 = %while3A_864#1, %while3A_873 = %while3A_864#2, %while3A_874 = %while3A_864#3, %while3A_875 = %while3A_864#4, %while3A_876 = %while3A_864#5, %while3A_877 = %while3A_864#6, %while3A_878 = %while3A_864#7, %while3A_879 = %while3A_864#8, %while3A_880 = %while3A_864#9, %while3A_881 = %while3A_864#10, %while3A_882 = %while3A_864#11, %while3A_883 = %while3A_864#12, %while3A_884 = %while3A_864#13, %while3A_885 = %while3A_864#14, %while3A_886 = %while3A_864#15) -> (vector<16xf32>, vector<16xf32>, vector<16xf32>, vector<16xf32>, vector<16xf32>, vector<16xf32>, vector<16xf32>, vector<16xf32>, vector<16xf32>, vector<16xf32>, vector<16xf32>, vector<16xf32>, vector<16xf32>, vector<16xf32>, vector<16xf32>, vector<16xf32>)  : i32 {
          %sub3A_887 = arith.subi %while3A_870, %mul3A_818 : i32
          %get3A_888 = arith.index_cast %sub3A_887 : i32 to index
          %get3A_889 = arith.constant 0 : index
          %get3A_890 = tpu.vector_load %arg8[%get3A_888, %get3A_889] {strides = array<i32>} : memref<128x256xf32, #tpu.memory_space<vmem>>, vector<16xf32>,
          %add3A_891 = arith.addf %while3A_871, %get3A_890 : vector<16xf32>
          %get3A_892 = arith.index_cast %sub3A_887 : i32 to index
          %get3A_893 = arith.constant 16 : index
          %get3A_894 = tpu.vector_load %arg8[%get3A_892, %get3A_893] {strides = array<i32>} : memref<128x256xf32, #tpu.memory_space<vmem>>, vector<16xf32>,
          %add3A_895 = arith.addf %while3A_872, %get3A_894 : vector<16xf32>
          %get3A_896 = arith.index_cast %sub3A_887 : i32 to index
          %get3A_897 = arith.constant 32 : index
          %get3A_898 = tpu.vector_load %arg8[%get3A_896, %get3A_897] {strides = array<i32>} : memref<128x256xf32, #tpu.memory_space<vmem>>, vector<16xf32>,
          %add3A_899 = arith.addf %while3A_873, %get3A_898 : vector<16xf32>
          %get3A_900 = arith.index_cast %sub3A_887 : i32 to index
          %get3A_901 = arith.constant 48 : index
          %get3A_902 = tpu.vector_load %arg8[%get3A_900, %get3A_901] {strides = array<i32>} : memref<128x256xf32, #tpu.memory_space<vmem>>, vector<16xf32>,
          %add3A_903 = arith.addf %while3A_874, %get3A_902 : vector<16xf32>
          %get3A_904 = arith.index_cast %sub3A_887 : i32 to index
          %get3A_905 = arith.constant 64 : index
          %get3A_906 = tpu.vector_load %arg8[%get3A_904, %get3A_905] {strides = array<i32>} : memref<128x256xf32, #tpu.memory_space<vmem>>, vector<16xf32>,
          %add3A_907 = arith.addf %while3A_875, %get3A_906 : vector<16xf32>
          %get3A_908 = arith.index_cast %sub3A_887 : i32 to index
          %get3A_909 = arith.constant 80 : index
          %get3A_910 = tpu.vector_load %arg8[%get3A_908, %get3A_909] {strides = array<i32>} : memref<128x256xf32, #tpu.memory_space<vmem>>, vector<16xf32>,
          %add3A_911 = arith.addf %while3A_876, %get3A_910 : vector<16xf32>
          %get3A_912 = arith.index_cast %sub3A_887 : i32 to index
          %get3A_913 = arith.constant 96 : index
          %get3A_914 = tpu.vector_load %arg8[%get3A_912, %get3A_913] {strides = array<i32>} : memref<128x256xf32, #tpu.memory_space<vmem>>, vector<16xf32>,
          %add3A_915 = arith.addf %while3A_877, %get3A_914 : vector<16xf32>
          %get3A_916 = arith.index_cast %sub3A_887 : i32 to index
          %get3A_917 = arith.constant 112 : index
          %get3A_918 = tpu.vector_load %arg8[%get3A_916, %get3A_917] {strides = array<i32>} : memref<128x256xf32, #tpu.memory_space<vmem>>, vector<16xf32>,
          %add3A_919 = arith.addf %while3A_878, %get3A_918 : vector<16xf32>
          %get3A_920 = arith.index_cast %sub3A_887 : i32 to index
          %get3A_921 = arith.constant 128 : index
          %get3A_922 = tpu.vector_load %arg8[%get3A_920, %get3A_921] {strides = array<i32>} : memref<128x256xf32, #tpu.memory_space<vmem>>, vector<16xf32>,
          %add3A_923 = arith.addf %while3A_879, %get3A_922 : vector<16xf32>
          %get3A_924 = arith.index_cast %sub3A_887 : i32 to index
          %get3A_925 = arith.constant 144 : index
          %get3A_926 = tpu.vector_load %arg8[%get3A_924, %get3A_925] {strides = array<i32>} : memref<128x256xf32, #tpu.memory_space<vmem>>, vector<16xf32>,
          %add3A_927 = arith.addf %while3A_880, %get3A_926 : vector<16xf32>
          %get3A_928 = arith.index_cast %sub3A_887 : i32 to index
          %get3A_929 = arith.constant 160 : index
          %get3A_930 = tpu.vector_load %arg8[%get3A_928, %get3A_929] {strides = array<i32>} : memref<128x256xf32, #tpu.memory_space<vmem>>, vector<16xf32>,
          %add3A_931 = arith.addf %while3A_881, %get3A_930 : vector<16xf32>
          %get3A_932 = arith.index_cast %sub3A_887 : i32 to index
          %get3A_933 = arith.constant 176 : index
          %get3A_934 = tpu.vector_load %arg8[%get3A_932, %get3A_933] {strides = array<i32>} : memref<128x256xf32, #tpu.memory_space<vmem>>, vector<16xf32>,
          %add3A_935 = arith.addf %while3A_882, %get3A_934 : vector<16xf32>
          %get3A_936 = arith.index_cast %sub3A_887 : i32 to index
          %get3A_937 = arith.constant 192 : index
          %get3A_938 = tpu.vector_load %arg8[%get3A_936, %get3A_937] {strides = array<i32>} : memref<128x256xf32, #tpu.memory_space<vmem>>, vector<16xf32>,
          %add3A_939 = arith.addf %while3A_883, %get3A_938 : vector<16xf32>
          %get3A_940 = arith.index_cast %sub3A_887 : i32 to index
          %get3A_941 = arith.constant 208 : index
          %get3A_942 = tpu.vector_load %arg8[%get3A_940, %get3A_941] {strides = array<i32>} : memref<128x256xf32, #tpu.memory_space<vmem>>, vector<16xf32>,
          %add3A_943 = arith.addf %while3A_884, %get3A_942 : vector<16xf32>
          %get3A_944 = arith.index_cast %sub3A_887 : i32 to index
          %get3A_945 = arith.constant 224 : index
          %get3A_946 = tpu.vector_load %arg8[%get3A_944, %get3A_945] {strides = array<i32>} : memref<128x256xf32, #tpu.memory_space<vmem>>, vector<16xf32>,
          %add3A_947 = arith.addf %while3A_885, %get3A_946 : vector<16xf32>
          %get3A_948 = arith.index_cast %sub3A_887 : i32 to index
          %get3A_949 = arith.constant 240 : index
          %get3A_950 = tpu.vector_load %arg8[%get3A_948, %get3A_949] {strides = array<i32>} : memref<128x256xf32, #tpu.memory_space<vmem>>, vector<16xf32>,
          %add3A_951 = arith.addf %while3A_886, %get3A_950 : vector<16xf32>
          scf.yield %add3A_891, %add3A_895, %add3A_899, %add3A_903, %add3A_907, %add3A_911, %add3A_915, %add3A_919, %add3A_923, %add3A_927, %add3A_931, %add3A_935, %add3A_939, %add3A_943, %add3A_947, %add3A_951 : vector<16xf32>, vector<16xf32>, vector<16xf32>, vector<16xf32>, vector<16xf32>, vector<16xf32>, vector<16xf32>, vector<16xf32>, vector<16xf32>, vector<16xf32>, vector<16xf32>, vector<16xf32>, vector<16xf32>, vector<16xf32>, vector<16xf32>, vector<16xf32>
        }
        %gt3A = arith.cmpi sgt, %min3A, %max3A : i32
        %convert_element_type3A_867 = arith.extui %gt3A : i1 to i32
        %cond3A_868 = arith.constant 0 : i32
        %cond3A_869 = arith.cmpi ne, %convert_element_type3A_867, %cond3A_868 : i32
        scf.if %cond3A_869 {
          %swap3A_870 = arith.index_cast %scan3A_849 : i32 to index
          %swap3A_871 = arith.constant 0 : index
          %swap3A_872 = tpu.vector_load %arg10[%swap3A_870, %swap3A_871] {strides = array<i32>} : memref<32x256xf32, #tpu.memory_space<vmem>>, vector<16xf32>,
          tpu.vector_store %arg10[%swap3A_870, %swap3A_871], %while3A_866#0 {add = true, strides = array<i32>} : memref<32x256xf32, #tpu.memory_space<vmem>>, vector<16xf32>,
          %swap3A_873 = arith.index_cast %scan3A_849 : i32 to index
          %swap3A_874 = arith.constant 16 : index
          %swap3A_875 = tpu.vector_load %arg10[%swap3A_873, %swap3A_874] {strides = array<i32>} : memref<32x256xf32, #tpu.memory_space<vmem>>, vector<16xf32>,
          tpu.vector_store %arg10[%swap3A_873, %swap3A_874], %while3A_866#1 {add = true, strides = array<i32>} : memref<32x256xf32, #tpu.memory_space<vmem>>, vector<16xf32>,
          %swap3A_876 = arith.index_cast %scan3A_849 : i32 to index
          %swap3A_877 = arith.constant 32 : index
          %swap3A_878 = tpu.vector_load %arg10[%swap3A_876, %swap3A_877] {strides = array<i32>} : memref<32x256xf32, #tpu.memory_space<vmem>>, vector<16xf32>,
          tpu.vector_store %arg10[%swap3A_876, %swap3A_877], %while3A_866#2 {add = true, strides = array<i32>} : memref<32x256xf32, #tpu.memory_space<vmem>>, vector<16xf32>,
          %swap3A_879 = arith.index_cast %scan3A_849 : i32 to index
          %swap3A_880 = arith.constant 48 : index
          %swap3A_881 = tpu.vector_load %arg10[%swap3A_879, %swap3A_880] {strides = array<i32>} : memref<32x256xf32, #tpu.memory_space<vmem>>, vector<16xf32>,
          tpu.vector_store %arg10[%swap3A_879, %swap3A_880], %while3A_866#3 {add = true, strides = array<i32>} : memref<32x256xf32, #tpu.memory_space<vmem>>, vector<16xf32>,
          %swap3A_882 = arith.index_cast %scan3A_849 : i32 to index
          %swap3A_883 = arith.constant 64 : index
          %swap3A_884 = tpu.vector_load %arg10[%swap3A_882, %swap3A_883] {strides = array<i32>} : memref<32x256xf32, #tpu.memory_space<vmem>>, vector<16xf32>,
          tpu.vector_store %arg10[%swap3A_882, %swap3A_883], %while3A_866#4 {add = true, strides = array<i32>} : memref<32x256xf32, #tpu.memory_space<vmem>>, vector<16xf32>,
          %swap3A_885 = arith.index_cast %scan3A_849 : i32 to index
          %swap3A_886 = arith.constant 80 : index
          %swap3A_887 = tpu.vector_load %arg10[%swap3A_885, %swap3A_886] {strides = array<i32>} : memref<32x256xf32, #tpu.memory_space<vmem>>, vector<16xf32>,
          tpu.vector_store %arg10[%swap3A_885, %swap3A_886], %while3A_866#5 {add = true, strides = array<i32>} : memref<32x256xf32, #tpu.memory_space<vmem>>, vector<16xf32>,
          %swap3A_888 = arith.index_cast %scan3A_849 : i32 to index
          %swap3A_889 = arith.constant 96 : index
          %swap3A_890 = tpu.vector_load %arg10[%swap3A_888, %swap3A_889] {strides = array<i32>} : memref<32x256xf32, #tpu.memory_space<vmem>>, vector<16xf32>,
          tpu.vector_store %arg10[%swap3A_888, %swap3A_889], %while3A_866#6 {add = true, strides = array<i32>} : memref<32x256xf32, #tpu.memory_space<vmem>>, vector<16xf32>,
          %swap3A_891 = arith.index_cast %scan3A_849 : i32 to index
          %swap3A_892 = arith.constant 112 : index
          %swap3A_893 = tpu.vector_load %arg10[%swap3A_891, %swap3A_892] {strides = array<i32>} : memref<32x256xf32, #tpu.memory_space<vmem>>, vector<16xf32>,
          tpu.vector_store %arg10[%swap3A_891, %swap3A_892], %while3A_866#7 {add = true, strides = array<i32>} : memref<32x256xf32, #tpu.memory_space<vmem>>, vector<16xf32>,
          %swap3A_894 = arith.index_cast %scan3A_849 : i32 to index
          %swap3A_895 = arith.constant 128 : index
          %swap3A_896 = tpu.vector_load %arg10[%swap3A_894, %swap3A_895] {strides = array<i32>} : memref<32x256xf32, #tpu.memory_space<vmem>>, vector<16xf32>,
          tpu.vector_store %arg10[%swap3A_894, %swap3A_895], %while3A_866#8 {add = true, strides = array<i32>} : memref<32x256xf32, #tpu.memory_space<vmem>>, vector<16xf32>,
          %swap3A_897 = arith.index_cast %scan3A_849 : i32 to index
          %swap3A_898 = arith.constant 144 : index
          %swap3A_899 = tpu.vector_load %arg10[%swap3A_897, %swap3A_898] {strides = array<i32>} : memref<32x256xf32, #tpu.memory_space<vmem>>, vector<16xf32>,
          tpu.vector_store %arg10[%swap3A_897, %swap3A_898], %while3A_866#9 {add = true, strides = array<i32>} : memref<32x256xf32, #tpu.memory_space<vmem>>, vector<16xf32>,
          %swap3A_900 = arith.index_cast %scan3A_849 : i32 to index
          %swap3A_901 = arith.constant 160 : index
          %swap3A_902 = tpu.vector_load %arg10[%swap3A_900, %swap3A_901] {strides = array<i32>} : memref<32x256xf32, #tpu.memory_space<vmem>>, vector<16xf32>,
          tpu.vector_store %arg10[%swap3A_900, %swap3A_901], %while3A_866#10 {add = true, strides = array<i32>} : memref<32x256xf32, #tpu.memory_space<vmem>>, vector<16xf32>,
          %swap3A_903 = arith.index_cast %scan3A_849 : i32 to index
          %swap3A_904 = arith.constant 176 : index
          %swap3A_905 = tpu.vector_load %arg10[%swap3A_903, %swap3A_904] {strides = array<i32>} : memref<32x256xf32, #tpu.memory_space<vmem>>, vector<16xf32>,
          tpu.vector_store %arg10[%swap3A_903, %swap3A_904], %while3A_866#11 {add = true, strides = array<i32>} : memref<32x256xf32, #tpu.memory_space<vmem>>, vector<16xf32>,
          %swap3A_906 = arith.index_cast %scan3A_849 : i32 to index
          %swap3A_907 = arith.constant 192 : index
          %swap3A_908 = tpu.vector_load %arg10[%swap3A_906, %swap3A_907] {strides = array<i32>} : memref<32x256xf32, #tpu.memory_space<vmem>>, vector<16xf32>,
          tpu.vector_store %arg10[%swap3A_906, %swap3A_907], %while3A_866#12 {add = true, strides = array<i32>} : memref<32x256xf32, #tpu.memory_space<vmem>>, vector<16xf32>,
          %swap3A_909 = arith.index_cast %scan3A_849 : i32 to index
          %swap3A_910 = arith.constant 208 : index
          %swap3A_911 = tpu.vector_load %arg10[%swap3A_909, %swap3A_910] {strides = array<i32>} : memref<32x256xf32, #tpu.memory_space<vmem>>, vector<16xf32>,
          tpu.vector_store %arg10[%swap3A_909, %swap3A_910], %while3A_866#13 {add = true, strides = array<i32>} : memref<32x256xf32, #tpu.memory_space<vmem>>, vector<16xf32>,
          %swap3A_912 = arith.index_cast %scan3A_849 : i32 to index
          %swap3A_913 = arith.constant 224 : index
          %swap3A_914 = tpu.vector_load %arg10[%swap3A_912, %swap3A_913] {strides = array<i32>} : memref<32x256xf32, #tpu.memory_space<vmem>>, vector<16xf32>,
          tpu.vector_store %arg10[%swap3A_912, %swap3A_913], %while3A_866#14 {add = true, strides = array<i32>} : memref<32x256xf32, #tpu.memory_space<vmem>>, vector<16xf32>,
          %swap3A_915 = arith.index_cast %scan3A_849 : i32 to index
          %swap3A_916 = arith.constant 240 : index
          %swap3A_917 = tpu.vector_load %arg10[%swap3A_915, %swap3A_916] {strides = array<i32>} : memref<32x256xf32, #tpu.memory_space<vmem>>, vector<16xf32>,
          tpu.vector_store %arg10[%swap3A_915, %swap3A_916], %while3A_866#15 {add = true, strides = array<i32>} : memref<32x256xf32, #tpu.memory_space<vmem>>, vector<16xf32>,
        } else {
        }
      }
      %scan3A_823 = arith.constant 32 : i32
      %add3A_824 = arith.constant 3 : i32
      %add3A_825 = arith.addi %add3A_812, %add3A_824 : i32
      %lt3A_826 = arith.cmpi slt, %add3A_825, %shift_right_logical3A_570 : i32
      %convert_element_type3A_827 = arith.extui %lt3A_826 : i1 to i32
      %cond3A_828 = arith.constant 0 : i32
      %cond3A_829 = arith.cmpi ne, %convert_element_type3A_827, %cond3A_828 : i32
      scf.if %cond3A_829 {
        %add3A_849 = arith.constant 3 : i32
        %add3A_850 = arith.addi %add3A_812, %add3A_849 : i32
        %mul3A_851 = arith.constant 128 : i32
        %mul3A_852 = arith.muli %add3A_850, %mul3A_851 : i32
        %dma_start3A_853 = arith.constant 0 : i32
        %dma_start3A_854 = tpu.memref_slice %arg2[%mul3A_852, %dma_start3A_853] : memref<16384x256xf32, #tpu.memory_space<hbm>> -> memref<128x256xf32, #tpu.memory_space<hbm>>
        %dma_start3A_855 = arith.constant 0 : i32
        %dma_start3A_856 = tpu.memref_slice %arg2[%mul3A_852, %dma_start3A_855] : memref<16384x256xf32, #tpu.memory_space<hbm>> -> memref<128x256xf32, #tpu.memory_space<hbm>>
        tpu.enqueue_dma source(%dma_start3A_856 : memref<128x256xf32, #tpu.memory_space<hbm>>) target(%arg8 : memref<128x256xf32, #tpu.memory_space<vmem>>) target_semaphore(%arg14 : memref<!tpu.dma_semaphore, #tpu.memory_space<semaphore_mem>>)
      } else {
      }
      %add3A_830 = arith.constant 2 : i32
      %add3A_831 = arith.addi %add3A_791, %add3A_830 : i32
      %lt3A_832 = arith.cmpi slt, %add3A_831, %shift_right_logical3A_570 : i32
      %convert_element_type3A_833 = arith.extui %lt3A_832 : i1 to i32
      %cond3A_834 = arith.constant 0 : i32
      %cond3A_835 = arith.cmpi ne, %convert_element_type3A_833, %cond3A_834 : i32
      scf.if %cond3A_835 {
        %dma_wait3A_849 = arith.constant 0 : i32
        %dma_wait3A_850 = arith.constant 0 : i32
        %dma_wait3A_851 = tpu.memref_slice %arg2[%dma_wait3A_849, %dma_wait3A_850] : memref<16384x256xf32, #tpu.memory_space<hbm>> -> memref<128x256xf32, #tpu.memory_space<hbm>>
        %dma_wait3A_852 = arith.constant 0 : i32
        %dma_wait3A_853 = arith.constant 0 : i32
        %dma_wait3A_854 = tpu.memref_slice %arg2[%dma_wait3A_852, %dma_wait3A_853] : memref<16384x256xf32, #tpu.memory_space<hbm>> -> memref<128x256xf32, #tpu.memory_space<hbm>>
        tpu.wait_dma2 semaphore(%arg15 : memref<!tpu.dma_semaphore, #tpu.memory_space<semaphore_mem>>) src(%dma_wait3A_854 : memref<128x256xf32, #tpu.memory_space<hbm>>) dst(%arg9 : memref<128x256xf32, #tpu.memory_space<vmem>>)
      } else {
      }
      %mul3A_836 = arith.constant 128 : i32
      %mul3A_837 = arith.muli %add3A_831, %mul3A_836 : i32
      %scan3A_838 = arith.constant 0 : i32
      %scan3A_839 = arith.constant 32 : i32
      %scan3A_840 = arith.addi %scan3A_838, %scan3A_839 : i32
      %scan3A_841 = arith.constant 1 : i32
      scf.for %scan3A_849 = %scan3A_838 to %scan3A_840 step %scan3A_841  : i32 {
        %get3A = arith.index_cast %scan3A_849 : i32 to index
        %get3A_850 = memref.load %arg12[%get3A] : memref<33xi32, #tpu.memory_space<smem>>
        %max3A = arith.maxsi %get3A_850, %mul3A_837 : i32
        %add3A_851 = arith.constant 1 : i32
        %add3A_852 = arith.addi %scan3A_849, %add3A_851 : i32
        %get3A_853 = arith.index_cast %add3A_852 : i32 to index
        %get3A_854 = memref.load %arg12[%get3A_853] : memref<33xi32, #tpu.memory_space<smem>>
        %add3A_855 = arith.constant 128 : i32
        %add3A_856 = arith.addi %mul3A_837, %add3A_855 : i32
        %min3A = arith.minsi %get3A_854, %add3A_856 : i32
        %while3A_857 = arith.subi %min3A, %max3A : i32
        %while3A_858 = arith.addi %max3A, %while3A_857 : i32
        %while3A_859 = arith.constant 1 : i32
        %while3A_860 = arith.divsi %while3A_857, %while3A_859 : i32
        %while3A_861 = arith.muli %while3A_860, %while3A_859 : i32
        %while3A_862 = arith.addi %max3A, %while3A_861 : i32
        %while3A_863 = arith.constant 1 : i32
        %while3A_864:16 = scf.for %while3A_870 = %max3A to %while3A_862 step %while3A_863 iter_args(%while3A_871 = %broadcast_in_dim3A_6, %while3A_872 = %broadcast_in_dim3A_6, %while3A_873 = %broadcast_in_dim3A_6, %while3A_874 = %broadcast_in_dim3A_6, %while3A_875 = %broadcast_in_dim3A_6, %while3A_876 = %broadcast_in_dim3A_6, %while3A_877 = %broadcast_in_dim3A_6, %while3A_878 = %broadcast_in_dim3A_6, %while3A_879 = %broadcast_in_dim3A_6, %while3A_880 = %broadcast_in_dim3A_6, %while3A_881 = %broadcast_in_dim3A_6, %while3A_882 = %broadcast_in_dim3A_6, %while3A_883 = %broadcast_in_dim3A_6, %while3A_884 = %broadcast_in_dim3A_6, %while3A_885 = %broadcast_in_dim3A_6, %while3A_886 = %broadcast_in_dim3A_6) -> (vector<16xf32>, vector<16xf32>, vector<16xf32>, vector<16xf32>, vector<16xf32>, vector<16xf32>, vector<16xf32>, vector<16xf32>, vector<16xf32>, vector<16xf32>, vector<16xf32>, vector<16xf32>, vector<16xf32>, vector<16xf32>, vector<16xf32>, vector<16xf32>)  : i32 {
          %sub3A_887 = arith.subi %while3A_870, %mul3A_837 : i32
          %get3A_888 = arith.index_cast %sub3A_887 : i32 to index
          %get3A_889 = arith.constant 0 : index
          %get3A_890 = tpu.vector_load %arg9[%get3A_888, %get3A_889] {strides = array<i32>} : memref<128x256xf32, #tpu.memory_space<vmem>>, vector<16xf32>,
          %add3A_891 = arith.addf %while3A_871, %get3A_890 : vector<16xf32>
          %get3A_892 = arith.index_cast %sub3A_887 : i32 to index
          %get3A_893 = arith.constant 16 : index
          %get3A_894 = tpu.vector_load %arg9[%get3A_892, %get3A_893] {strides = array<i32>} : memref<128x256xf32, #tpu.memory_space<vmem>>, vector<16xf32>,
          %add3A_895 = arith.addf %while3A_872, %get3A_894 : vector<16xf32>
          %get3A_896 = arith.index_cast %sub3A_887 : i32 to index
          %get3A_897 = arith.constant 32 : index
          %get3A_898 = tpu.vector_load %arg9[%get3A_896, %get3A_897] {strides = array<i32>} : memref<128x256xf32, #tpu.memory_space<vmem>>, vector<16xf32>,
          %add3A_899 = arith.addf %while3A_873, %get3A_898 : vector<16xf32>
          %get3A_900 = arith.index_cast %sub3A_887 : i32 to index
          %get3A_901 = arith.constant 48 : index
          %get3A_902 = tpu.vector_load %arg9[%get3A_900, %get3A_901] {strides = array<i32>} : memref<128x256xf32, #tpu.memory_space<vmem>>, vector<16xf32>,
          %add3A_903 = arith.addf %while3A_874, %get3A_902 : vector<16xf32>
          %get3A_904 = arith.index_cast %sub3A_887 : i32 to index
          %get3A_905 = arith.constant 64 : index
          %get3A_906 = tpu.vector_load %arg9[%get3A_904, %get3A_905] {strides = array<i32>} : memref<128x256xf32, #tpu.memory_space<vmem>>, vector<16xf32>,
          %add3A_907 = arith.addf %while3A_875, %get3A_906 : vector<16xf32>
          %get3A_908 = arith.index_cast %sub3A_887 : i32 to index
          %get3A_909 = arith.constant 80 : index
          %get3A_910 = tpu.vector_load %arg9[%get3A_908, %get3A_909] {strides = array<i32>} : memref<128x256xf32, #tpu.memory_space<vmem>>, vector<16xf32>,
          %add3A_911 = arith.addf %while3A_876, %get3A_910 : vector<16xf32>
          %get3A_912 = arith.index_cast %sub3A_887 : i32 to index
          %get3A_913 = arith.constant 96 : index
          %get3A_914 = tpu.vector_load %arg9[%get3A_912, %get3A_913] {strides = array<i32>} : memref<128x256xf32, #tpu.memory_space<vmem>>, vector<16xf32>,
          %add3A_915 = arith.addf %while3A_877, %get3A_914 : vector<16xf32>
          %get3A_916 = arith.index_cast %sub3A_887 : i32 to index
          %get3A_917 = arith.constant 112 : index
          %get3A_918 = tpu.vector_load %arg9[%get3A_916, %get3A_917] {strides = array<i32>} : memref<128x256xf32, #tpu.memory_space<vmem>>, vector<16xf32>,
          %add3A_919 = arith.addf %while3A_878, %get3A_918 : vector<16xf32>
          %get3A_920 = arith.index_cast %sub3A_887 : i32 to index
          %get3A_921 = arith.constant 128 : index
          %get3A_922 = tpu.vector_load %arg9[%get3A_920, %get3A_921] {strides = array<i32>} : memref<128x256xf32, #tpu.memory_space<vmem>>, vector<16xf32>,
          %add3A_923 = arith.addf %while3A_879, %get3A_922 : vector<16xf32>
          %get3A_924 = arith.index_cast %sub3A_887 : i32 to index
          %get3A_925 = arith.constant 144 : index
          %get3A_926 = tpu.vector_load %arg9[%get3A_924, %get3A_925] {strides = array<i32>} : memref<128x256xf32, #tpu.memory_space<vmem>>, vector<16xf32>,
          %add3A_927 = arith.addf %while3A_880, %get3A_926 : vector<16xf32>
          %get3A_928 = arith.index_cast %sub3A_887 : i32 to index
          %get3A_929 = arith.constant 160 : index
          %get3A_930 = tpu.vector_load %arg9[%get3A_928, %get3A_929] {strides = array<i32>} : memref<128x256xf32, #tpu.memory_space<vmem>>, vector<16xf32>,
          %add3A_931 = arith.addf %while3A_881, %get3A_930 : vector<16xf32>
          %get3A_932 = arith.index_cast %sub3A_887 : i32 to index
          %get3A_933 = arith.constant 176 : index
          %get3A_934 = tpu.vector_load %arg9[%get3A_932, %get3A_933] {strides = array<i32>} : memref<128x256xf32, #tpu.memory_space<vmem>>, vector<16xf32>,
          %add3A_935 = arith.addf %while3A_882, %get3A_934 : vector<16xf32>
          %get3A_936 = arith.index_cast %sub3A_887 : i32 to index
          %get3A_937 = arith.constant 192 : index
          %get3A_938 = tpu.vector_load %arg9[%get3A_936, %get3A_937] {strides = array<i32>} : memref<128x256xf32, #tpu.memory_space<vmem>>, vector<16xf32>,
          %add3A_939 = arith.addf %while3A_883, %get3A_938 : vector<16xf32>
          %get3A_940 = arith.index_cast %sub3A_887 : i32 to index
          %get3A_941 = arith.constant 208 : index
          %get3A_942 = tpu.vector_load %arg9[%get3A_940, %get3A_941] {strides = array<i32>} : memref<128x256xf32, #tpu.memory_space<vmem>>, vector<16xf32>,
          %add3A_943 = arith.addf %while3A_884, %get3A_942 : vector<16xf32>
          %get3A_944 = arith.index_cast %sub3A_887 : i32 to index
          %get3A_945 = arith.constant 224 : index
          %get3A_946 = tpu.vector_load %arg9[%get3A_944, %get3A_945] {strides = array<i32>} : memref<128x256xf32, #tpu.memory_space<vmem>>, vector<16xf32>,
          %add3A_947 = arith.addf %while3A_885, %get3A_946 : vector<16xf32>
          %get3A_948 = arith.index_cast %sub3A_887 : i32 to index
          %get3A_949 = arith.constant 240 : index
          %get3A_950 = tpu.vector_load %arg9[%get3A_948, %get3A_949] {strides = array<i32>} : memref<128x256xf32, #tpu.memory_space<vmem>>, vector<16xf32>,
          %add3A_951 = arith.addf %while3A_886, %get3A_950 : vector<16xf32>
          scf.yield %add3A_891, %add3A_895, %add3A_899, %add3A_903, %add3A_907, %add3A_911, %add3A_915, %add3A_919, %add3A_923, %add3A_927, %add3A_931, %add3A_935, %add3A_939, %add3A_943, %add3A_947, %add3A_951 : vector<16xf32>, vector<16xf32>, vector<16xf32>, vector<16xf32>, vector<16xf32>, vector<16xf32>, vector<16xf32>, vector<16xf32>, vector<16xf32>, vector<16xf32>, vector<16xf32>, vector<16xf32>, vector<16xf32>, vector<16xf32>, vector<16xf32>, vector<16xf32>
        }
        %while3A_865 = arith.constant 1 : i32
        %while3A_866:16 = scf.for %while3A_870 = %while3A_862 to %while3A_858 step %while3A_865 iter_args(%while3A_871 = %while3A_864#0, %while3A_872 = %while3A_864#1, %while3A_873 = %while3A_864#2, %while3A_874 = %while3A_864#3, %while3A_875 = %while3A_864#4, %while3A_876 = %while3A_864#5, %while3A_877 = %while3A_864#6, %while3A_878 = %while3A_864#7, %while3A_879 = %while3A_864#8, %while3A_880 = %while3A_864#9, %while3A_881 = %while3A_864#10, %while3A_882 = %while3A_864#11, %while3A_883 = %while3A_864#12, %while3A_884 = %while3A_864#13, %while3A_885 = %while3A_864#14, %while3A_886 = %while3A_864#15) -> (vector<16xf32>, vector<16xf32>, vector<16xf32>, vector<16xf32>, vector<16xf32>, vector<16xf32>, vector<16xf32>, vector<16xf32>, vector<16xf32>, vector<16xf32>, vector<16xf32>, vector<16xf32>, vector<16xf32>, vector<16xf32>, vector<16xf32>, vector<16xf32>)  : i32 {
          %sub3A_887 = arith.subi %while3A_870, %mul3A_837 : i32
          %get3A_888 = arith.index_cast %sub3A_887 : i32 to index
          %get3A_889 = arith.constant 0 : index
          %get3A_890 = tpu.vector_load %arg9[%get3A_888, %get3A_889] {strides = array<i32>} : memref<128x256xf32, #tpu.memory_space<vmem>>, vector<16xf32>,
          %add3A_891 = arith.addf %while3A_871, %get3A_890 : vector<16xf32>
          %get3A_892 = arith.index_cast %sub3A_887 : i32 to index
          %get3A_893 = arith.constant 16 : index
          %get3A_894 = tpu.vector_load %arg9[%get3A_892, %get3A_893] {strides = array<i32>} : memref<128x256xf32, #tpu.memory_space<vmem>>, vector<16xf32>,
          %add3A_895 = arith.addf %while3A_872, %get3A_894 : vector<16xf32>
          %get3A_896 = arith.index_cast %sub3A_887 : i32 to index
          %get3A_897 = arith.constant 32 : index
          %get3A_898 = tpu.vector_load %arg9[%get3A_896, %get3A_897] {strides = array<i32>} : memref<128x256xf32, #tpu.memory_space<vmem>>, vector<16xf32>,
          %add3A_899 = arith.addf %while3A_873, %get3A_898 : vector<16xf32>
          %get3A_900 = arith.index_cast %sub3A_887 : i32 to index
          %get3A_901 = arith.constant 48 : index
          %get3A_902 = tpu.vector_load %arg9[%get3A_900, %get3A_901] {strides = array<i32>} : memref<128x256xf32, #tpu.memory_space<vmem>>, vector<16xf32>,
          %add3A_903 = arith.addf %while3A_874, %get3A_902 : vector<16xf32>
          %get3A_904 = arith.index_cast %sub3A_887 : i32 to index
          %get3A_905 = arith.constant 64 : index
          %get3A_906 = tpu.vector_load %arg9[%get3A_904, %get3A_905] {strides = array<i32>} : memref<128x256xf32, #tpu.memory_space<vmem>>, vector<16xf32>,
          %add3A_907 = arith.addf %while3A_875, %get3A_906 : vector<16xf32>
          %get3A_908 = arith.index_cast %sub3A_887 : i32 to index
          %get3A_909 = arith.constant 80 : index
          %get3A_910 = tpu.vector_load %arg9[%get3A_908, %get3A_909] {strides = array<i32>} : memref<128x256xf32, #tpu.memory_space<vmem>>, vector<16xf32>,
          %add3A_911 = arith.addf %while3A_876, %get3A_910 : vector<16xf32>
          %get3A_912 = arith.index_cast %sub3A_887 : i32 to index
          %get3A_913 = arith.constant 96 : index
          %get3A_914 = tpu.vector_load %arg9[%get3A_912, %get3A_913] {strides = array<i32>} : memref<128x256xf32, #tpu.memory_space<vmem>>, vector<16xf32>,
          %add3A_915 = arith.addf %while3A_877, %get3A_914 : vector<16xf32>
          %get3A_916 = arith.index_cast %sub3A_887 : i32 to index
          %get3A_917 = arith.constant 112 : index
          %get3A_918 = tpu.vector_load %arg9[%get3A_916, %get3A_917] {strides = array<i32>} : memref<128x256xf32, #tpu.memory_space<vmem>>, vector<16xf32>,
          %add3A_919 = arith.addf %while3A_878, %get3A_918 : vector<16xf32>
          %get3A_920 = arith.index_cast %sub3A_887 : i32 to index
          %get3A_921 = arith.constant 128 : index
          %get3A_922 = tpu.vector_load %arg9[%get3A_920, %get3A_921] {strides = array<i32>} : memref<128x256xf32, #tpu.memory_space<vmem>>, vector<16xf32>,
          %add3A_923 = arith.addf %while3A_879, %get3A_922 : vector<16xf32>
          %get3A_924 = arith.index_cast %sub3A_887 : i32 to index
          %get3A_925 = arith.constant 144 : index
          %get3A_926 = tpu.vector_load %arg9[%get3A_924, %get3A_925] {strides = array<i32>} : memref<128x256xf32, #tpu.memory_space<vmem>>, vector<16xf32>,
          %add3A_927 = arith.addf %while3A_880, %get3A_926 : vector<16xf32>
          %get3A_928 = arith.index_cast %sub3A_887 : i32 to index
          %get3A_929 = arith.constant 160 : index
          %get3A_930 = tpu.vector_load %arg9[%get3A_928, %get3A_929] {strides = array<i32>} : memref<128x256xf32, #tpu.memory_space<vmem>>, vector<16xf32>,
          %add3A_931 = arith.addf %while3A_881, %get3A_930 : vector<16xf32>
          %get3A_932 = arith.index_cast %sub3A_887 : i32 to index
          %get3A_933 = arith.constant 176 : index
          %get3A_934 = tpu.vector_load %arg9[%get3A_932, %get3A_933] {strides = array<i32>} : memref<128x256xf32, #tpu.memory_space<vmem>>, vector<16xf32>,
          %add3A_935 = arith.addf %while3A_882, %get3A_934 : vector<16xf32>
          %get3A_936 = arith.index_cast %sub3A_887 : i32 to index
          %get3A_937 = arith.constant 192 : index
          %get3A_938 = tpu.vector_load %arg9[%get3A_936, %get3A_937] {strides = array<i32>} : memref<128x256xf32, #tpu.memory_space<vmem>>, vector<16xf32>,
          %add3A_939 = arith.addf %while3A_883, %get3A_938 : vector<16xf32>
          %get3A_940 = arith.index_cast %sub3A_887 : i32 to index
          %get3A_941 = arith.constant 208 : index
          %get3A_942 = tpu.vector_load %arg9[%get3A_940, %get3A_941] {strides = array<i32>} : memref<128x256xf32, #tpu.memory_space<vmem>>, vector<16xf32>,
          %add3A_943 = arith.addf %while3A_884, %get3A_942 : vector<16xf32>
          %get3A_944 = arith.index_cast %sub3A_887 : i32 to index
          %get3A_945 = arith.constant 224 : index
          %get3A_946 = tpu.vector_load %arg9[%get3A_944, %get3A_945] {strides = array<i32>} : memref<128x256xf32, #tpu.memory_space<vmem>>, vector<16xf32>,
          %add3A_947 = arith.addf %while3A_885, %get3A_946 : vector<16xf32>
          %get3A_948 = arith.index_cast %sub3A_887 : i32 to index
          %get3A_949 = arith.constant 240 : index
          %get3A_950 = tpu.vector_load %arg9[%get3A_948, %get3A_949] {strides = array<i32>} : memref<128x256xf32, #tpu.memory_space<vmem>>, vector<16xf32>,
          %add3A_951 = arith.addf %while3A_886, %get3A_950 : vector<16xf32>
          scf.yield %add3A_891, %add3A_895, %add3A_899, %add3A_903, %add3A_907, %add3A_911, %add3A_915, %add3A_919, %add3A_923, %add3A_927, %add3A_931, %add3A_935, %add3A_939, %add3A_943, %add3A_947, %add3A_951 : vector<16xf32>, vector<16xf32>, vector<16xf32>, vector<16xf32>, vector<16xf32>, vector<16xf32>, vector<16xf32>, vector<16xf32>, vector<16xf32>, vector<16xf32>, vector<16xf32>, vector<16xf32>, vector<16xf32>, vector<16xf32>, vector<16xf32>, vector<16xf32>
        }
        %gt3A = arith.cmpi sgt, %min3A, %max3A : i32
        %convert_element_type3A_867 = arith.extui %gt3A : i1 to i32
        %cond3A_868 = arith.constant 0 : i32
        %cond3A_869 = arith.cmpi ne, %convert_element_type3A_867, %cond3A_868 : i32
        scf.if %cond3A_869 {
          %swap3A_870 = arith.index_cast %scan3A_849 : i32 to index
          %swap3A_871 = arith.constant 0 : index
          %swap3A_872 = tpu.vector_load %arg10[%swap3A_870, %swap3A_871] {strides = array<i32>} : memref<32x256xf32, #tpu.memory_space<vmem>>, vector<16xf32>,
          tpu.vector_store %arg10[%swap3A_870, %swap3A_871], %while3A_866#0 {add = true, strides = array<i32>} : memref<32x256xf32, #tpu.memory_space<vmem>>, vector<16xf32>,
          %swap3A_873 = arith.index_cast %scan3A_849 : i32 to index
          %swap3A_874 = arith.constant 16 : index
          %swap3A_875 = tpu.vector_load %arg10[%swap3A_873, %swap3A_874] {strides = array<i32>} : memref<32x256xf32, #tpu.memory_space<vmem>>, vector<16xf32>,
          tpu.vector_store %arg10[%swap3A_873, %swap3A_874], %while3A_866#1 {add = true, strides = array<i32>} : memref<32x256xf32, #tpu.memory_space<vmem>>, vector<16xf32>,
          %swap3A_876 = arith.index_cast %scan3A_849 : i32 to index
          %swap3A_877 = arith.constant 32 : index
          %swap3A_878 = tpu.vector_load %arg10[%swap3A_876, %swap3A_877] {strides = array<i32>} : memref<32x256xf32, #tpu.memory_space<vmem>>, vector<16xf32>,
          tpu.vector_store %arg10[%swap3A_876, %swap3A_877], %while3A_866#2 {add = true, strides = array<i32>} : memref<32x256xf32, #tpu.memory_space<vmem>>, vector<16xf32>,
          %swap3A_879 = arith.index_cast %scan3A_849 : i32 to index
          %swap3A_880 = arith.constant 48 : index
          %swap3A_881 = tpu.vector_load %arg10[%swap3A_879, %swap3A_880] {strides = array<i32>} : memref<32x256xf32, #tpu.memory_space<vmem>>, vector<16xf32>,
          tpu.vector_store %arg10[%swap3A_879, %swap3A_880], %while3A_866#3 {add = true, strides = array<i32>} : memref<32x256xf32, #tpu.memory_space<vmem>>, vector<16xf32>,
          %swap3A_882 = arith.index_cast %scan3A_849 : i32 to index
          %swap3A_883 = arith.constant 64 : index
          %swap3A_884 = tpu.vector_load %arg10[%swap3A_882, %swap3A_883] {strides = array<i32>} : memref<32x256xf32, #tpu.memory_space<vmem>>, vector<16xf32>,
          tpu.vector_store %arg10[%swap3A_882, %swap3A_883], %while3A_866#4 {add = true, strides = array<i32>} : memref<32x256xf32, #tpu.memory_space<vmem>>, vector<16xf32>,
          %swap3A_885 = arith.index_cast %scan3A_849 : i32 to index
          %swap3A_886 = arith.constant 80 : index
          %swap3A_887 = tpu.vector_load %arg10[%swap3A_885, %swap3A_886] {strides = array<i32>} : memref<32x256xf32, #tpu.memory_space<vmem>>, vector<16xf32>,
          tpu.vector_store %arg10[%swap3A_885, %swap3A_886], %while3A_866#5 {add = true, strides = array<i32>} : memref<32x256xf32, #tpu.memory_space<vmem>>, vector<16xf32>,
          %swap3A_888 = arith.index_cast %scan3A_849 : i32 to index
          %swap3A_889 = arith.constant 96 : index
          %swap3A_890 = tpu.vector_load %arg10[%swap3A_888, %swap3A_889] {strides = array<i32>} : memref<32x256xf32, #tpu.memory_space<vmem>>, vector<16xf32>,
          tpu.vector_store %arg10[%swap3A_888, %swap3A_889], %while3A_866#6 {add = true, strides = array<i32>} : memref<32x256xf32, #tpu.memory_space<vmem>>, vector<16xf32>,
          %swap3A_891 = arith.index_cast %scan3A_849 : i32 to index
          %swap3A_892 = arith.constant 112 : index
          %swap3A_893 = tpu.vector_load %arg10[%swap3A_891, %swap3A_892] {strides = array<i32>} : memref<32x256xf32, #tpu.memory_space<vmem>>, vector<16xf32>,
          tpu.vector_store %arg10[%swap3A_891, %swap3A_892], %while3A_866#7 {add = true, strides = array<i32>} : memref<32x256xf32, #tpu.memory_space<vmem>>, vector<16xf32>,
          %swap3A_894 = arith.index_cast %scan3A_849 : i32 to index
          %swap3A_895 = arith.constant 128 : index
          %swap3A_896 = tpu.vector_load %arg10[%swap3A_894, %swap3A_895] {strides = array<i32>} : memref<32x256xf32, #tpu.memory_space<vmem>>, vector<16xf32>,
          tpu.vector_store %arg10[%swap3A_894, %swap3A_895], %while3A_866#8 {add = true, strides = array<i32>} : memref<32x256xf32, #tpu.memory_space<vmem>>, vector<16xf32>,
          %swap3A_897 = arith.index_cast %scan3A_849 : i32 to index
          %swap3A_898 = arith.constant 144 : index
          %swap3A_899 = tpu.vector_load %arg10[%swap3A_897, %swap3A_898] {strides = array<i32>} : memref<32x256xf32, #tpu.memory_space<vmem>>, vector<16xf32>,
          tpu.vector_store %arg10[%swap3A_897, %swap3A_898], %while3A_866#9 {add = true, strides = array<i32>} : memref<32x256xf32, #tpu.memory_space<vmem>>, vector<16xf32>,
          %swap3A_900 = arith.index_cast %scan3A_849 : i32 to index
          %swap3A_901 = arith.constant 160 : index
          %swap3A_902 = tpu.vector_load %arg10[%swap3A_900, %swap3A_901] {strides = array<i32>} : memref<32x256xf32, #tpu.memory_space<vmem>>, vector<16xf32>,
          tpu.vector_store %arg10[%swap3A_900, %swap3A_901], %while3A_866#10 {add = true, strides = array<i32>} : memref<32x256xf32, #tpu.memory_space<vmem>>, vector<16xf32>,
          %swap3A_903 = arith.index_cast %scan3A_849 : i32 to index
          %swap3A_904 = arith.constant 176 : index
          %swap3A_905 = tpu.vector_load %arg10[%swap3A_903, %swap3A_904] {strides = array<i32>} : memref<32x256xf32, #tpu.memory_space<vmem>>, vector<16xf32>,
          tpu.vector_store %arg10[%swap3A_903, %swap3A_904], %while3A_866#11 {add = true, strides = array<i32>} : memref<32x256xf32, #tpu.memory_space<vmem>>, vector<16xf32>,
          %swap3A_906 = arith.index_cast %scan3A_849 : i32 to index
          %swap3A_907 = arith.constant 192 : index
          %swap3A_908 = tpu.vector_load %arg10[%swap3A_906, %swap3A_907] {strides = array<i32>} : memref<32x256xf32, #tpu.memory_space<vmem>>, vector<16xf32>,
          tpu.vector_store %arg10[%swap3A_906, %swap3A_907], %while3A_866#12 {add = true, strides = array<i32>} : memref<32x256xf32, #tpu.memory_space<vmem>>, vector<16xf32>,
          %swap3A_909 = arith.index_cast %scan3A_849 : i32 to index
          %swap3A_910 = arith.constant 208 : index
          %swap3A_911 = tpu.vector_load %arg10[%swap3A_909, %swap3A_910] {strides = array<i32>} : memref<32x256xf32, #tpu.memory_space<vmem>>, vector<16xf32>,
          tpu.vector_store %arg10[%swap3A_909, %swap3A_910], %while3A_866#13 {add = true, strides = array<i32>} : memref<32x256xf32, #tpu.memory_space<vmem>>, vector<16xf32>,
          %swap3A_912 = arith.index_cast %scan3A_849 : i32 to index
          %swap3A_913 = arith.constant 224 : index
          %swap3A_914 = tpu.vector_load %arg10[%swap3A_912, %swap3A_913] {strides = array<i32>} : memref<32x256xf32, #tpu.memory_space<vmem>>, vector<16xf32>,
          tpu.vector_store %arg10[%swap3A_912, %swap3A_913], %while3A_866#14 {add = true, strides = array<i32>} : memref<32x256xf32, #tpu.memory_space<vmem>>, vector<16xf32>,
          %swap3A_915 = arith.index_cast %scan3A_849 : i32 to index
          %swap3A_916 = arith.constant 240 : index
          %swap3A_917 = tpu.vector_load %arg10[%swap3A_915, %swap3A_916] {strides = array<i32>} : memref<32x256xf32, #tpu.memory_space<vmem>>, vector<16xf32>,
          tpu.vector_store %arg10[%swap3A_915, %swap3A_916], %while3A_866#15 {add = true, strides = array<i32>} : memref<32x256xf32, #tpu.memory_space<vmem>>, vector<16xf32>,
        } else {
        }
      }
      %scan3A_842 = arith.constant 32 : i32
      %add3A_843 = arith.constant 3 : i32
      %add3A_844 = arith.addi %add3A_831, %add3A_843 : i32
      %lt3A_845 = arith.cmpi slt, %add3A_844, %shift_right_logical3A_570 : i32
      %convert_element_type3A_846 = arith.extui %lt3A_845 : i1 to i32
      %cond3A_847 = arith.constant 0 : i32
      %cond3A_848 = arith.cmpi ne, %convert_element_type3A_846, %cond3A_847 : i32
      scf.if %cond3A_848 {
        %add3A_849 = arith.constant 3 : i32
        %add3A_850 = arith.addi %add3A_831, %add3A_849 : i32
        %mul3A_851 = arith.constant 128 : i32
        %mul3A_852 = arith.muli %add3A_850, %mul3A_851 : i32
        %dma_start3A_853 = arith.constant 0 : i32
        %dma_start3A_854 = tpu.memref_slice %arg2[%mul3A_852, %dma_start3A_853] : memref<16384x256xf32, #tpu.memory_space<hbm>> -> memref<128x256xf32, #tpu.memory_space<hbm>>
        %dma_start3A_855 = arith.constant 0 : i32
        %dma_start3A_856 = tpu.memref_slice %arg2[%mul3A_852, %dma_start3A_855] : memref<16384x256xf32, #tpu.memory_space<hbm>> -> memref<128x256xf32, #tpu.memory_space<hbm>>
        tpu.enqueue_dma source(%dma_start3A_856 : memref<128x256xf32, #tpu.memory_space<hbm>>) target(%arg9 : memref<128x256xf32, #tpu.memory_space<vmem>>) target_semaphore(%arg15 : memref<!tpu.dma_semaphore, #tpu.memory_space<semaphore_mem>>)
      } else {
      }
    }
    %while3A_787 = arith.constant 1 : i32
    scf.for %while3A_788 = %while3A_785 to %while3A_781 step %while3A_787  : i32 {
      %mul3A_789 = arith.constant 3 : i32
      %mul3A_790 = arith.muli %mul3A_789, %while3A_788 : i32
      %add3A_791 = arith.addi %shift_right_logical3A_566, %mul3A_790 : i32
      %add3A_792 = arith.constant 0 : i32
      %add3A_793 = arith.addi %add3A_791, %add3A_792 : i32
      %lt3A_794 = arith.cmpi slt, %add3A_793, %shift_right_logical3A_570 : i32
      %convert_element_type3A_795 = arith.extui %lt3A_794 : i1 to i32
      %cond3A_796 = arith.constant 0 : i32
      %cond3A_797 = arith.cmpi ne, %convert_element_type3A_795, %cond3A_796 : i32
      scf.if %cond3A_797 {
        %dma_wait3A_849 = arith.constant 0 : i32
        %dma_wait3A_850 = arith.constant 0 : i32
        %dma_wait3A_851 = tpu.memref_slice %arg2[%dma_wait3A_849, %dma_wait3A_850] : memref<16384x256xf32, #tpu.memory_space<hbm>> -> memref<128x256xf32, #tpu.memory_space<hbm>>
        %dma_wait3A_852 = arith.constant 0 : i32
        %dma_wait3A_853 = arith.constant 0 : i32
        %dma_wait3A_854 = tpu.memref_slice %arg2[%dma_wait3A_852, %dma_wait3A_853] : memref<16384x256xf32, #tpu.memory_space<hbm>> -> memref<128x256xf32, #tpu.memory_space<hbm>>
        tpu.wait_dma2 semaphore(%arg13 : memref<!tpu.dma_semaphore, #tpu.memory_space<semaphore_mem>>) src(%dma_wait3A_854 : memref<128x256xf32, #tpu.memory_space<hbm>>) dst(%arg7 : memref<128x256xf32, #tpu.memory_space<vmem>>)
      } else {
      }
      %mul3A_798 = arith.constant 128 : i32
      %mul3A_799 = arith.muli %add3A_793, %mul3A_798 : i32
      %scan3A_800 = arith.constant 0 : i32
      %scan3A_801 = arith.constant 32 : i32
      %scan3A_802 = arith.addi %scan3A_800, %scan3A_801 : i32
      %scan3A_803 = arith.constant 1 : i32
      scf.for %scan3A_849 = %scan3A_800 to %scan3A_802 step %scan3A_803  : i32 {
        %get3A = arith.index_cast %scan3A_849 : i32 to index
        %get3A_850 = memref.load %arg12[%get3A] : memref<33xi32, #tpu.memory_space<smem>>
        %max3A = arith.maxsi %get3A_850, %mul3A_799 : i32
        %add3A_851 = arith.constant 1 : i32
        %add3A_852 = arith.addi %scan3A_849, %add3A_851 : i32
        %get3A_853 = arith.index_cast %add3A_852 : i32 to index
        %get3A_854 = memref.load %arg12[%get3A_853] : memref<33xi32, #tpu.memory_space<smem>>
        %add3A_855 = arith.constant 128 : i32
        %add3A_856 = arith.addi %mul3A_799, %add3A_855 : i32
        %min3A = arith.minsi %get3A_854, %add3A_856 : i32
        %while3A_857 = arith.subi %min3A, %max3A : i32
        %while3A_858 = arith.addi %max3A, %while3A_857 : i32
        %while3A_859 = arith.constant 1 : i32
        %while3A_860 = arith.divsi %while3A_857, %while3A_859 : i32
        %while3A_861 = arith.muli %while3A_860, %while3A_859 : i32
        %while3A_862 = arith.addi %max3A, %while3A_861 : i32
        %while3A_863 = arith.constant 1 : i32
        %while3A_864:16 = scf.for %while3A_870 = %max3A to %while3A_862 step %while3A_863 iter_args(%while3A_871 = %broadcast_in_dim3A_6, %while3A_872 = %broadcast_in_dim3A_6, %while3A_873 = %broadcast_in_dim3A_6, %while3A_874 = %broadcast_in_dim3A_6, %while3A_875 = %broadcast_in_dim3A_6, %while3A_876 = %broadcast_in_dim3A_6, %while3A_877 = %broadcast_in_dim3A_6, %while3A_878 = %broadcast_in_dim3A_6, %while3A_879 = %broadcast_in_dim3A_6, %while3A_880 = %broadcast_in_dim3A_6, %while3A_881 = %broadcast_in_dim3A_6, %while3A_882 = %broadcast_in_dim3A_6, %while3A_883 = %broadcast_in_dim3A_6, %while3A_884 = %broadcast_in_dim3A_6, %while3A_885 = %broadcast_in_dim3A_6, %while3A_886 = %broadcast_in_dim3A_6) -> (vector<16xf32>, vector<16xf32>, vector<16xf32>, vector<16xf32>, vector<16xf32>, vector<16xf32>, vector<16xf32>, vector<16xf32>, vector<16xf32>, vector<16xf32>, vector<16xf32>, vector<16xf32>, vector<16xf32>, vector<16xf32>, vector<16xf32>, vector<16xf32>)  : i32 {
          %sub3A_887 = arith.subi %while3A_870, %mul3A_799 : i32
          %get3A_888 = arith.index_cast %sub3A_887 : i32 to index
          %get3A_889 = arith.constant 0 : index
          %get3A_890 = tpu.vector_load %arg7[%get3A_888, %get3A_889] {strides = array<i32>} : memref<128x256xf32, #tpu.memory_space<vmem>>, vector<16xf32>,
          %add3A_891 = arith.addf %while3A_871, %get3A_890 : vector<16xf32>
          %get3A_892 = arith.index_cast %sub3A_887 : i32 to index
          %get3A_893 = arith.constant 16 : index
          %get3A_894 = tpu.vector_load %arg7[%get3A_892, %get3A_893] {strides = array<i32>} : memref<128x256xf32, #tpu.memory_space<vmem>>, vector<16xf32>,
          %add3A_895 = arith.addf %while3A_872, %get3A_894 : vector<16xf32>
          %get3A_896 = arith.index_cast %sub3A_887 : i32 to index
          %get3A_897 = arith.constant 32 : index
          %get3A_898 = tpu.vector_load %arg7[%get3A_896, %get3A_897] {strides = array<i32>} : memref<128x256xf32, #tpu.memory_space<vmem>>, vector<16xf32>,
          %add3A_899 = arith.addf %while3A_873, %get3A_898 : vector<16xf32>
          %get3A_900 = arith.index_cast %sub3A_887 : i32 to index
          %get3A_901 = arith.constant 48 : index
          %get3A_902 = tpu.vector_load %arg7[%get3A_900, %get3A_901] {strides = array<i32>} : memref<128x256xf32, #tpu.memory_space<vmem>>, vector<16xf32>,
          %add3A_903 = arith.addf %while3A_874, %get3A_902 : vector<16xf32>
          %get3A_904 = arith.index_cast %sub3A_887 : i32 to index
          %get3A_905 = arith.constant 64 : index
          %get3A_906 = tpu.vector_load %arg7[%get3A_904, %get3A_905] {strides = array<i32>} : memref<128x256xf32, #tpu.memory_space<vmem>>, vector<16xf32>,
          %add3A_907 = arith.addf %while3A_875, %get3A_906 : vector<16xf32>
          %get3A_908 = arith.index_cast %sub3A_887 : i32 to index
          %get3A_909 = arith.constant 80 : index
          %get3A_910 = tpu.vector_load %arg7[%get3A_908, %get3A_909] {strides = array<i32>} : memref<128x256xf32, #tpu.memory_space<vmem>>, vector<16xf32>,
          %add3A_911 = arith.addf %while3A_876, %get3A_910 : vector<16xf32>
          %get3A_912 = arith.index_cast %sub3A_887 : i32 to index
          %get3A_913 = arith.constant 96 : index
          %get3A_914 = tpu.vector_load %arg7[%get3A_912, %get3A_913] {strides = array<i32>} : memref<128x256xf32, #tpu.memory_space<vmem>>, vector<16xf32>,
          %add3A_915 = arith.addf %while3A_877, %get3A_914 : vector<16xf32>
          %get3A_916 = arith.index_cast %sub3A_887 : i32 to index
          %get3A_917 = arith.constant 112 : index
          %get3A_918 = tpu.vector_load %arg7[%get3A_916, %get3A_917] {strides = array<i32>} : memref<128x256xf32, #tpu.memory_space<vmem>>, vector<16xf32>,
          %add3A_919 = arith.addf %while3A_878, %get3A_918 : vector<16xf32>
          %get3A_920 = arith.index_cast %sub3A_887 : i32 to index
          %get3A_921 = arith.constant 128 : index
          %get3A_922 = tpu.vector_load %arg7[%get3A_920, %get3A_921] {strides = array<i32>} : memref<128x256xf32, #tpu.memory_space<vmem>>, vector<16xf32>,
          %add3A_923 = arith.addf %while3A_879, %get3A_922 : vector<16xf32>
          %get3A_924 = arith.index_cast %sub3A_887 : i32 to index
          %get3A_925 = arith.constant 144 : index
          %get3A_926 = tpu.vector_load %arg7[%get3A_924, %get3A_925] {strides = array<i32>} : memref<128x256xf32, #tpu.memory_space<vmem>>, vector<16xf32>,
          %add3A_927 = arith.addf %while3A_880, %get3A_926 : vector<16xf32>
          %get3A_928 = arith.index_cast %sub3A_887 : i32 to index
          %get3A_929 = arith.constant 160 : index
          %get3A_930 = tpu.vector_load %arg7[%get3A_928, %get3A_929] {strides = array<i32>} : memref<128x256xf32, #tpu.memory_space<vmem>>, vector<16xf32>,
          %add3A_931 = arith.addf %while3A_881, %get3A_930 : vector<16xf32>
          %get3A_932 = arith.index_cast %sub3A_887 : i32 to index
          %get3A_933 = arith.constant 176 : index
          %get3A_934 = tpu.vector_load %arg7[%get3A_932, %get3A_933] {strides = array<i32>} : memref<128x256xf32, #tpu.memory_space<vmem>>, vector<16xf32>,
          %add3A_935 = arith.addf %while3A_882, %get3A_934 : vector<16xf32>
          %get3A_936 = arith.index_cast %sub3A_887 : i32 to index
          %get3A_937 = arith.constant 192 : index
          %get3A_938 = tpu.vector_load %arg7[%get3A_936, %get3A_937] {strides = array<i32>} : memref<128x256xf32, #tpu.memory_space<vmem>>, vector<16xf32>,
          %add3A_939 = arith.addf %while3A_883, %get3A_938 : vector<16xf32>
          %get3A_940 = arith.index_cast %sub3A_887 : i32 to index
          %get3A_941 = arith.constant 208 : index
          %get3A_942 = tpu.vector_load %arg7[%get3A_940, %get3A_941] {strides = array<i32>} : memref<128x256xf32, #tpu.memory_space<vmem>>, vector<16xf32>,
          %add3A_943 = arith.addf %while3A_884, %get3A_942 : vector<16xf32>
          %get3A_944 = arith.index_cast %sub3A_887 : i32 to index
          %get3A_945 = arith.constant 224 : index
          %get3A_946 = tpu.vector_load %arg7[%get3A_944, %get3A_945] {strides = array<i32>} : memref<128x256xf32, #tpu.memory_space<vmem>>, vector<16xf32>,
          %add3A_947 = arith.addf %while3A_885, %get3A_946 : vector<16xf32>
          %get3A_948 = arith.index_cast %sub3A_887 : i32 to index
          %get3A_949 = arith.constant 240 : index
          %get3A_950 = tpu.vector_load %arg7[%get3A_948, %get3A_949] {strides = array<i32>} : memref<128x256xf32, #tpu.memory_space<vmem>>, vector<16xf32>,
          %add3A_951 = arith.addf %while3A_886, %get3A_950 : vector<16xf32>
          scf.yield %add3A_891, %add3A_895, %add3A_899, %add3A_903, %add3A_907, %add3A_911, %add3A_915, %add3A_919, %add3A_923, %add3A_927, %add3A_931, %add3A_935, %add3A_939, %add3A_943, %add3A_947, %add3A_951 : vector<16xf32>, vector<16xf32>, vector<16xf32>, vector<16xf32>, vector<16xf32>, vector<16xf32>, vector<16xf32>, vector<16xf32>, vector<16xf32>, vector<16xf32>, vector<16xf32>, vector<16xf32>, vector<16xf32>, vector<16xf32>, vector<16xf32>, vector<16xf32>
        }
        %while3A_865 = arith.constant 1 : i32
        %while3A_866:16 = scf.for %while3A_870 = %while3A_862 to %while3A_858 step %while3A_865 iter_args(%while3A_871 = %while3A_864#0, %while3A_872 = %while3A_864#1, %while3A_873 = %while3A_864#2, %while3A_874 = %while3A_864#3, %while3A_875 = %while3A_864#4, %while3A_876 = %while3A_864#5, %while3A_877 = %while3A_864#6, %while3A_878 = %while3A_864#7, %while3A_879 = %while3A_864#8, %while3A_880 = %while3A_864#9, %while3A_881 = %while3A_864#10, %while3A_882 = %while3A_864#11, %while3A_883 = %while3A_864#12, %while3A_884 = %while3A_864#13, %while3A_885 = %while3A_864#14, %while3A_886 = %while3A_864#15) -> (vector<16xf32>, vector<16xf32>, vector<16xf32>, vector<16xf32>, vector<16xf32>, vector<16xf32>, vector<16xf32>, vector<16xf32>, vector<16xf32>, vector<16xf32>, vector<16xf32>, vector<16xf32>, vector<16xf32>, vector<16xf32>, vector<16xf32>, vector<16xf32>)  : i32 {
          %sub3A_887 = arith.subi %while3A_870, %mul3A_799 : i32
          %get3A_888 = arith.index_cast %sub3A_887 : i32 to index
          %get3A_889 = arith.constant 0 : index
          %get3A_890 = tpu.vector_load %arg7[%get3A_888, %get3A_889] {strides = array<i32>} : memref<128x256xf32, #tpu.memory_space<vmem>>, vector<16xf32>,
          %add3A_891 = arith.addf %while3A_871, %get3A_890 : vector<16xf32>
          %get3A_892 = arith.index_cast %sub3A_887 : i32 to index
          %get3A_893 = arith.constant 16 : index
          %get3A_894 = tpu.vector_load %arg7[%get3A_892, %get3A_893] {strides = array<i32>} : memref<128x256xf32, #tpu.memory_space<vmem>>, vector<16xf32>,
          %add3A_895 = arith.addf %while3A_872, %get3A_894 : vector<16xf32>
          %get3A_896 = arith.index_cast %sub3A_887 : i32 to index
          %get3A_897 = arith.constant 32 : index
          %get3A_898 = tpu.vector_load %arg7[%get3A_896, %get3A_897] {strides = array<i32>} : memref<128x256xf32, #tpu.memory_space<vmem>>, vector<16xf32>,
          %add3A_899 = arith.addf %while3A_873, %get3A_898 : vector<16xf32>
          %get3A_900 = arith.index_cast %sub3A_887 : i32 to index
          %get3A_901 = arith.constant 48 : index
          %get3A_902 = tpu.vector_load %arg7[%get3A_900, %get3A_901] {strides = array<i32>} : memref<128x256xf32, #tpu.memory_space<vmem>>, vector<16xf32>,
          %add3A_903 = arith.addf %while3A_874, %get3A_902 : vector<16xf32>
          %get3A_904 = arith.index_cast %sub3A_887 : i32 to index
          %get3A_905 = arith.constant 64 : index
          %get3A_906 = tpu.vector_load %arg7[%get3A_904, %get3A_905] {strides = array<i32>} : memref<128x256xf32, #tpu.memory_space<vmem>>, vector<16xf32>,
          %add3A_907 = arith.addf %while3A_875, %get3A_906 : vector<16xf32>
          %get3A_908 = arith.index_cast %sub3A_887 : i32 to index
          %get3A_909 = arith.constant 80 : index
          %get3A_910 = tpu.vector_load %arg7[%get3A_908, %get3A_909] {strides = array<i32>} : memref<128x256xf32, #tpu.memory_space<vmem>>, vector<16xf32>,
          %add3A_911 = arith.addf %while3A_876, %get3A_910 : vector<16xf32>
          %get3A_912 = arith.index_cast %sub3A_887 : i32 to index
          %get3A_913 = arith.constant 96 : index
          %get3A_914 = tpu.vector_load %arg7[%get3A_912, %get3A_913] {strides = array<i32>} : memref<128x256xf32, #tpu.memory_space<vmem>>, vector<16xf32>,
          %add3A_915 = arith.addf %while3A_877, %get3A_914 : vector<16xf32>
          %get3A_916 = arith.index_cast %sub3A_887 : i32 to index
          %get3A_917 = arith.constant 112 : index
          %get3A_918 = tpu.vector_load %arg7[%get3A_916, %get3A_917] {strides = array<i32>} : memref<128x256xf32, #tpu.memory_space<vmem>>, vector<16xf32>,
          %add3A_919 = arith.addf %while3A_878, %get3A_918 : vector<16xf32>
          %get3A_920 = arith.index_cast %sub3A_887 : i32 to index
          %get3A_921 = arith.constant 128 : index
          %get3A_922 = tpu.vector_load %arg7[%get3A_920, %get3A_921] {strides = array<i32>} : memref<128x256xf32, #tpu.memory_space<vmem>>, vector<16xf32>,
          %add3A_923 = arith.addf %while3A_879, %get3A_922 : vector<16xf32>
          %get3A_924 = arith.index_cast %sub3A_887 : i32 to index
          %get3A_925 = arith.constant 144 : index
          %get3A_926 = tpu.vector_load %arg7[%get3A_924, %get3A_925] {strides = array<i32>} : memref<128x256xf32, #tpu.memory_space<vmem>>, vector<16xf32>,
          %add3A_927 = arith.addf %while3A_880, %get3A_926 : vector<16xf32>
          %get3A_928 = arith.index_cast %sub3A_887 : i32 to index
          %get3A_929 = arith.constant 160 : index
          %get3A_930 = tpu.vector_load %arg7[%get3A_928, %get3A_929] {strides = array<i32>} : memref<128x256xf32, #tpu.memory_space<vmem>>, vector<16xf32>,
          %add3A_931 = arith.addf %while3A_881, %get3A_930 : vector<16xf32>
          %get3A_932 = arith.index_cast %sub3A_887 : i32 to index
          %get3A_933 = arith.constant 176 : index
          %get3A_934 = tpu.vector_load %arg7[%get3A_932, %get3A_933] {strides = array<i32>} : memref<128x256xf32, #tpu.memory_space<vmem>>, vector<16xf32>,
          %add3A_935 = arith.addf %while3A_882, %get3A_934 : vector<16xf32>
          %get3A_936 = arith.index_cast %sub3A_887 : i32 to index
          %get3A_937 = arith.constant 192 : index
          %get3A_938 = tpu.vector_load %arg7[%get3A_936, %get3A_937] {strides = array<i32>} : memref<128x256xf32, #tpu.memory_space<vmem>>, vector<16xf32>,
          %add3A_939 = arith.addf %while3A_883, %get3A_938 : vector<16xf32>
          %get3A_940 = arith.index_cast %sub3A_887 : i32 to index
          %get3A_941 = arith.constant 208 : index
          %get3A_942 = tpu.vector_load %arg7[%get3A_940, %get3A_941] {strides = array<i32>} : memref<128x256xf32, #tpu.memory_space<vmem>>, vector<16xf32>,
          %add3A_943 = arith.addf %while3A_884, %get3A_942 : vector<16xf32>
          %get3A_944 = arith.index_cast %sub3A_887 : i32 to index
          %get3A_945 = arith.constant 224 : index
          %get3A_946 = tpu.vector_load %arg7[%get3A_944, %get3A_945] {strides = array<i32>} : memref<128x256xf32, #tpu.memory_space<vmem>>, vector<16xf32>,
          %add3A_947 = arith.addf %while3A_885, %get3A_946 : vector<16xf32>
          %get3A_948 = arith.index_cast %sub3A_887 : i32 to index
          %get3A_949 = arith.constant 240 : index
          %get3A_950 = tpu.vector_load %arg7[%get3A_948, %get3A_949] {strides = array<i32>} : memref<128x256xf32, #tpu.memory_space<vmem>>, vector<16xf32>,
          %add3A_951 = arith.addf %while3A_886, %get3A_950 : vector<16xf32>
          scf.yield %add3A_891, %add3A_895, %add3A_899, %add3A_903, %add3A_907, %add3A_911, %add3A_915, %add3A_919, %add3A_923, %add3A_927, %add3A_931, %add3A_935, %add3A_939, %add3A_943, %add3A_947, %add3A_951 : vector<16xf32>, vector<16xf32>, vector<16xf32>, vector<16xf32>, vector<16xf32>, vector<16xf32>, vector<16xf32>, vector<16xf32>, vector<16xf32>, vector<16xf32>, vector<16xf32>, vector<16xf32>, vector<16xf32>, vector<16xf32>, vector<16xf32>, vector<16xf32>
        }
        %gt3A = arith.cmpi sgt, %min3A, %max3A : i32
        %convert_element_type3A_867 = arith.extui %gt3A : i1 to i32
        %cond3A_868 = arith.constant 0 : i32
        %cond3A_869 = arith.cmpi ne, %convert_element_type3A_867, %cond3A_868 : i32
        scf.if %cond3A_869 {
          %swap3A_870 = arith.index_cast %scan3A_849 : i32 to index
          %swap3A_871 = arith.constant 0 : index
          %swap3A_872 = tpu.vector_load %arg10[%swap3A_870, %swap3A_871] {strides = array<i32>} : memref<32x256xf32, #tpu.memory_space<vmem>>, vector<16xf32>,
          tpu.vector_store %arg10[%swap3A_870, %swap3A_871], %while3A_866#0 {add = true, strides = array<i32>} : memref<32x256xf32, #tpu.memory_space<vmem>>, vector<16xf32>,
          %swap3A_873 = arith.index_cast %scan3A_849 : i32 to index
          %swap3A_874 = arith.constant 16 : index
          %swap3A_875 = tpu.vector_load %arg10[%swap3A_873, %swap3A_874] {strides = array<i32>} : memref<32x256xf32, #tpu.memory_space<vmem>>, vector<16xf32>,
          tpu.vector_store %arg10[%swap3A_873, %swap3A_874], %while3A_866#1 {add = true, strides = array<i32>} : memref<32x256xf32, #tpu.memory_space<vmem>>, vector<16xf32>,
          %swap3A_876 = arith.index_cast %scan3A_849 : i32 to index
          %swap3A_877 = arith.constant 32 : index
          %swap3A_878 = tpu.vector_load %arg10[%swap3A_876, %swap3A_877] {strides = array<i32>} : memref<32x256xf32, #tpu.memory_space<vmem>>, vector<16xf32>,
          tpu.vector_store %arg10[%swap3A_876, %swap3A_877], %while3A_866#2 {add = true, strides = array<i32>} : memref<32x256xf32, #tpu.memory_space<vmem>>, vector<16xf32>,
          %swap3A_879 = arith.index_cast %scan3A_849 : i32 to index
          %swap3A_880 = arith.constant 48 : index
          %swap3A_881 = tpu.vector_load %arg10[%swap3A_879, %swap3A_880] {strides = array<i32>} : memref<32x256xf32, #tpu.memory_space<vmem>>, vector<16xf32>,
          tpu.vector_store %arg10[%swap3A_879, %swap3A_880], %while3A_866#3 {add = true, strides = array<i32>} : memref<32x256xf32, #tpu.memory_space<vmem>>, vector<16xf32>,
          %swap3A_882 = arith.index_cast %scan3A_849 : i32 to index
          %swap3A_883 = arith.constant 64 : index
          %swap3A_884 = tpu.vector_load %arg10[%swap3A_882, %swap3A_883] {strides = array<i32>} : memref<32x256xf32, #tpu.memory_space<vmem>>, vector<16xf32>,
          tpu.vector_store %arg10[%swap3A_882, %swap3A_883], %while3A_866#4 {add = true, strides = array<i32>} : memref<32x256xf32, #tpu.memory_space<vmem>>, vector<16xf32>,
          %swap3A_885 = arith.index_cast %scan3A_849 : i32 to index
          %swap3A_886 = arith.constant 80 : index
          %swap3A_887 = tpu.vector_load %arg10[%swap3A_885, %swap3A_886] {strides = array<i32>} : memref<32x256xf32, #tpu.memory_space<vmem>>, vector<16xf32>,
          tpu.vector_store %arg10[%swap3A_885, %swap3A_886], %while3A_866#5 {add = true, strides = array<i32>} : memref<32x256xf32, #tpu.memory_space<vmem>>, vector<16xf32>,
          %swap3A_888 = arith.index_cast %scan3A_849 : i32 to index
          %swap3A_889 = arith.constant 96 : index
          %swap3A_890 = tpu.vector_load %arg10[%swap3A_888, %swap3A_889] {strides = array<i32>} : memref<32x256xf32, #tpu.memory_space<vmem>>, vector<16xf32>,
          tpu.vector_store %arg10[%swap3A_888, %swap3A_889], %while3A_866#6 {add = true, strides = array<i32>} : memref<32x256xf32, #tpu.memory_space<vmem>>, vector<16xf32>,
          %swap3A_891 = arith.index_cast %scan3A_849 : i32 to index
          %swap3A_892 = arith.constant 112 : index
          %swap3A_893 = tpu.vector_load %arg10[%swap3A_891, %swap3A_892] {strides = array<i32>} : memref<32x256xf32, #tpu.memory_space<vmem>>, vector<16xf32>,
          tpu.vector_store %arg10[%swap3A_891, %swap3A_892], %while3A_866#7 {add = true, strides = array<i32>} : memref<32x256xf32, #tpu.memory_space<vmem>>, vector<16xf32>,
          %swap3A_894 = arith.index_cast %scan3A_849 : i32 to index
          %swap3A_895 = arith.constant 128 : index
          %swap3A_896 = tpu.vector_load %arg10[%swap3A_894, %swap3A_895] {strides = array<i32>} : memref<32x256xf32, #tpu.memory_space<vmem>>, vector<16xf32>,
          tpu.vector_store %arg10[%swap3A_894, %swap3A_895], %while3A_866#8 {add = true, strides = array<i32>} : memref<32x256xf32, #tpu.memory_space<vmem>>, vector<16xf32>,
          %swap3A_897 = arith.index_cast %scan3A_849 : i32 to index
          %swap3A_898 = arith.constant 144 : index
          %swap3A_899 = tpu.vector_load %arg10[%swap3A_897, %swap3A_898] {strides = array<i32>} : memref<32x256xf32, #tpu.memory_space<vmem>>, vector<16xf32>,
          tpu.vector_store %arg10[%swap3A_897, %swap3A_898], %while3A_866#9 {add = true, strides = array<i32>} : memref<32x256xf32, #tpu.memory_space<vmem>>, vector<16xf32>,
          %swap3A_900 = arith.index_cast %scan3A_849 : i32 to index
          %swap3A_901 = arith.constant 160 : index
          %swap3A_902 = tpu.vector_load %arg10[%swap3A_900, %swap3A_901] {strides = array<i32>} : memref<32x256xf32, #tpu.memory_space<vmem>>, vector<16xf32>,
          tpu.vector_store %arg10[%swap3A_900, %swap3A_901], %while3A_866#10 {add = true, strides = array<i32>} : memref<32x256xf32, #tpu.memory_space<vmem>>, vector<16xf32>,
          %swap3A_903 = arith.index_cast %scan3A_849 : i32 to index
          %swap3A_904 = arith.constant 176 : index
          %swap3A_905 = tpu.vector_load %arg10[%swap3A_903, %swap3A_904] {strides = array<i32>} : memref<32x256xf32, #tpu.memory_space<vmem>>, vector<16xf32>,
          tpu.vector_store %arg10[%swap3A_903, %swap3A_904], %while3A_866#11 {add = true, strides = array<i32>} : memref<32x256xf32, #tpu.memory_space<vmem>>, vector<16xf32>,
          %swap3A_906 = arith.index_cast %scan3A_849 : i32 to index
          %swap3A_907 = arith.constant 192 : index
          %swap3A_908 = tpu.vector_load %arg10[%swap3A_906, %swap3A_907] {strides = array<i32>} : memref<32x256xf32, #tpu.memory_space<vmem>>, vector<16xf32>,
          tpu.vector_store %arg10[%swap3A_906, %swap3A_907], %while3A_866#12 {add = true, strides = array<i32>} : memref<32x256xf32, #tpu.memory_space<vmem>>, vector<16xf32>,
          %swap3A_909 = arith.index_cast %scan3A_849 : i32 to index
          %swap3A_910 = arith.constant 208 : index
          %swap3A_911 = tpu.vector_load %arg10[%swap3A_909, %swap3A_910] {strides = array<i32>} : memref<32x256xf32, #tpu.memory_space<vmem>>, vector<16xf32>,
          tpu.vector_store %arg10[%swap3A_909, %swap3A_910], %while3A_866#13 {add = true, strides = array<i32>} : memref<32x256xf32, #tpu.memory_space<vmem>>, vector<16xf32>,
          %swap3A_912 = arith.index_cast %scan3A_849 : i32 to index
          %swap3A_913 = arith.constant 224 : index
          %swap3A_914 = tpu.vector_load %arg10[%swap3A_912, %swap3A_913] {strides = array<i32>} : memref<32x256xf32, #tpu.memory_space<vmem>>, vector<16xf32>,
          tpu.vector_store %arg10[%swap3A_912, %swap3A_913], %while3A_866#14 {add = true, strides = array<i32>} : memref<32x256xf32, #tpu.memory_space<vmem>>, vector<16xf32>,
          %swap3A_915 = arith.index_cast %scan3A_849 : i32 to index
          %swap3A_916 = arith.constant 240 : index
          %swap3A_917 = tpu.vector_load %arg10[%swap3A_915, %swap3A_916] {strides = array<i32>} : memref<32x256xf32, #tpu.memory_space<vmem>>, vector<16xf32>,
          tpu.vector_store %arg10[%swap3A_915, %swap3A_916], %while3A_866#15 {add = true, strides = array<i32>} : memref<32x256xf32, #tpu.memory_space<vmem>>, vector<16xf32>,
        } else {
        }
      }
      %scan3A_804 = arith.constant 32 : i32
      %add3A_805 = arith.constant 3 : i32
      %add3A_806 = arith.addi %add3A_793, %add3A_805 : i32
      %lt3A_807 = arith.cmpi slt, %add3A_806, %shift_right_logical3A_570 : i32
      %convert_element_type3A_808 = arith.extui %lt3A_807 : i1 to i32
      %cond3A_809 = arith.constant 0 : i32
      %cond3A_810 = arith.cmpi ne, %convert_element_type3A_808, %cond3A_809 : i32
      scf.if %cond3A_810 {
        %add3A_849 = arith.constant 3 : i32
        %add3A_850 = arith.addi %add3A_793, %add3A_849 : i32
        %mul3A_851 = arith.constant 128 : i32
        %mul3A_852 = arith.muli %add3A_850, %mul3A_851 : i32
        %dma_start3A_853 = arith.constant 0 : i32
        %dma_start3A_854 = tpu.memref_slice %arg2[%mul3A_852, %dma_start3A_853] : memref<16384x256xf32, #tpu.memory_space<hbm>> -> memref<128x256xf32, #tpu.memory_space<hbm>>
        %dma_start3A_855 = arith.constant 0 : i32
        %dma_start3A_856 = tpu.memref_slice %arg2[%mul3A_852, %dma_start3A_855] : memref<16384x256xf32, #tpu.memory_space<hbm>> -> memref<128x256xf32, #tpu.memory_space<hbm>>
        tpu.enqueue_dma source(%dma_start3A_856 : memref<128x256xf32, #tpu.memory_space<hbm>>) target(%arg7 : memref<128x256xf32, #tpu.memory_space<vmem>>) target_semaphore(%arg13 : memref<!tpu.dma_semaphore, #tpu.memory_space<semaphore_mem>>)
      } else {
      }
      %add3A_811 = arith.constant 1 : i32
      %add3A_812 = arith.addi %add3A_791, %add3A_811 : i32
      %lt3A_813 = arith.cmpi slt, %add3A_812, %shift_right_logical3A_570 : i32
      %convert_element_type3A_814 = arith.extui %lt3A_813 : i1 to i32
      %cond3A_815 = arith.constant 0 : i32
      %cond3A_816 = arith.cmpi ne, %convert_element_type3A_814, %cond3A_815 : i32
      scf.if %cond3A_816 {
        %dma_wait3A_849 = arith.constant 0 : i32
        %dma_wait3A_850 = arith.constant 0 : i32
        %dma_wait3A_851 = tpu.memref_slice %arg2[%dma_wait3A_849, %dma_wait3A_850] : memref<16384x256xf32, #tpu.memory_space<hbm>> -> memref<128x256xf32, #tpu.memory_space<hbm>>
        %dma_wait3A_852 = arith.constant 0 : i32
        %dma_wait3A_853 = arith.constant 0 : i32
        %dma_wait3A_854 = tpu.memref_slice %arg2[%dma_wait3A_852, %dma_wait3A_853] : memref<16384x256xf32, #tpu.memory_space<hbm>> -> memref<128x256xf32, #tpu.memory_space<hbm>>
        tpu.wait_dma2 semaphore(%arg14 : memref<!tpu.dma_semaphore, #tpu.memory_space<semaphore_mem>>) src(%dma_wait3A_854 : memref<128x256xf32, #tpu.memory_space<hbm>>) dst(%arg8 : memref<128x256xf32, #tpu.memory_space<vmem>>)
      } else {
      }
      %mul3A_817 = arith.constant 128 : i32
      %mul3A_818 = arith.muli %add3A_812, %mul3A_817 : i32
      %scan3A_819 = arith.constant 0 : i32
      %scan3A_820 = arith.constant 32 : i32
      %scan3A_821 = arith.addi %scan3A_819, %scan3A_820 : i32
      %scan3A_822 = arith.constant 1 : i32
      scf.for %scan3A_849 = %scan3A_819 to %scan3A_821 step %scan3A_822  : i32 {
        %get3A = arith.index_cast %scan3A_849 : i32 to index
        %get3A_850 = memref.load %arg12[%get3A] : memref<33xi32, #tpu.memory_space<smem>>
        %max3A = arith.maxsi %get3A_850, %mul3A_818 : i32
        %add3A_851 = arith.constant 1 : i32
        %add3A_852 = arith.addi %scan3A_849, %add3A_851 : i32
        %get3A_853 = arith.index_cast %add3A_852 : i32 to index
        %get3A_854 = memref.load %arg12[%get3A_853] : memref<33xi32, #tpu.memory_space<smem>>
        %add3A_855 = arith.constant 128 : i32
        %add3A_856 = arith.addi %mul3A_818, %add3A_855 : i32
        %min3A = arith.minsi %get3A_854, %add3A_856 : i32
        %while3A_857 = arith.subi %min3A, %max3A : i32
        %while3A_858 = arith.addi %max3A, %while3A_857 : i32
        %while3A_859 = arith.constant 1 : i32
        %while3A_860 = arith.divsi %while3A_857, %while3A_859 : i32
        %while3A_861 = arith.muli %while3A_860, %while3A_859 : i32
        %while3A_862 = arith.addi %max3A, %while3A_861 : i32
        %while3A_863 = arith.constant 1 : i32
        %while3A_864:16 = scf.for %while3A_870 = %max3A to %while3A_862 step %while3A_863 iter_args(%while3A_871 = %broadcast_in_dim3A_6, %while3A_872 = %broadcast_in_dim3A_6, %while3A_873 = %broadcast_in_dim3A_6, %while3A_874 = %broadcast_in_dim3A_6, %while3A_875 = %broadcast_in_dim3A_6, %while3A_876 = %broadcast_in_dim3A_6, %while3A_877 = %broadcast_in_dim3A_6, %while3A_878 = %broadcast_in_dim3A_6, %while3A_879 = %broadcast_in_dim3A_6, %while3A_880 = %broadcast_in_dim3A_6, %while3A_881 = %broadcast_in_dim3A_6, %while3A_882 = %broadcast_in_dim3A_6, %while3A_883 = %broadcast_in_dim3A_6, %while3A_884 = %broadcast_in_dim3A_6, %while3A_885 = %broadcast_in_dim3A_6, %while3A_886 = %broadcast_in_dim3A_6) -> (vector<16xf32>, vector<16xf32>, vector<16xf32>, vector<16xf32>, vector<16xf32>, vector<16xf32>, vector<16xf32>, vector<16xf32>, vector<16xf32>, vector<16xf32>, vector<16xf32>, vector<16xf32>, vector<16xf32>, vector<16xf32>, vector<16xf32>, vector<16xf32>)  : i32 {
          %sub3A_887 = arith.subi %while3A_870, %mul3A_818 : i32
          %get3A_888 = arith.index_cast %sub3A_887 : i32 to index
          %get3A_889 = arith.constant 0 : index
          %get3A_890 = tpu.vector_load %arg8[%get3A_888, %get3A_889] {strides = array<i32>} : memref<128x256xf32, #tpu.memory_space<vmem>>, vector<16xf32>,
          %add3A_891 = arith.addf %while3A_871, %get3A_890 : vector<16xf32>
          %get3A_892 = arith.index_cast %sub3A_887 : i32 to index
          %get3A_893 = arith.constant 16 : index
          %get3A_894 = tpu.vector_load %arg8[%get3A_892, %get3A_893] {strides = array<i32>} : memref<128x256xf32, #tpu.memory_space<vmem>>, vector<16xf32>,
          %add3A_895 = arith.addf %while3A_872, %get3A_894 : vector<16xf32>
          %get3A_896 = arith.index_cast %sub3A_887 : i32 to index
          %get3A_897 = arith.constant 32 : index
          %get3A_898 = tpu.vector_load %arg8[%get3A_896, %get3A_897] {strides = array<i32>} : memref<128x256xf32, #tpu.memory_space<vmem>>, vector<16xf32>,
          %add3A_899 = arith.addf %while3A_873, %get3A_898 : vector<16xf32>
          %get3A_900 = arith.index_cast %sub3A_887 : i32 to index
          %get3A_901 = arith.constant 48 : index
          %get3A_902 = tpu.vector_load %arg8[%get3A_900, %get3A_901] {strides = array<i32>} : memref<128x256xf32, #tpu.memory_space<vmem>>, vector<16xf32>,
          %add3A_903 = arith.addf %while3A_874, %get3A_902 : vector<16xf32>
          %get3A_904 = arith.index_cast %sub3A_887 : i32 to index
          %get3A_905 = arith.constant 64 : index
          %get3A_906 = tpu.vector_load %arg8[%get3A_904, %get3A_905] {strides = array<i32>} : memref<128x256xf32, #tpu.memory_space<vmem>>, vector<16xf32>,
          %add3A_907 = arith.addf %while3A_875, %get3A_906 : vector<16xf32>
          %get3A_908 = arith.index_cast %sub3A_887 : i32 to index
          %get3A_909 = arith.constant 80 : index
          %get3A_910 = tpu.vector_load %arg8[%get3A_908, %get3A_909] {strides = array<i32>} : memref<128x256xf32, #tpu.memory_space<vmem>>, vector<16xf32>,
          %add3A_911 = arith.addf %while3A_876, %get3A_910 : vector<16xf32>
          %get3A_912 = arith.index_cast %sub3A_887 : i32 to index
          %get3A_913 = arith.constant 96 : index
          %get3A_914 = tpu.vector_load %arg8[%get3A_912, %get3A_913] {strides = array<i32>} : memref<128x256xf32, #tpu.memory_space<vmem>>, vector<16xf32>,
          %add3A_915 = arith.addf %while3A_877, %get3A_914 : vector<16xf32>
          %get3A_916 = arith.index_cast %sub3A_887 : i32 to index
          %get3A_917 = arith.constant 112 : index
          %get3A_918 = tpu.vector_load %arg8[%get3A_916, %get3A_917] {strides = array<i32>} : memref<128x256xf32, #tpu.memory_space<vmem>>, vector<16xf32>,
          %add3A_919 = arith.addf %while3A_878, %get3A_918 : vector<16xf32>
          %get3A_920 = arith.index_cast %sub3A_887 : i32 to index
          %get3A_921 = arith.constant 128 : index
          %get3A_922 = tpu.vector_load %arg8[%get3A_920, %get3A_921] {strides = array<i32>} : memref<128x256xf32, #tpu.memory_space<vmem>>, vector<16xf32>,
          %add3A_923 = arith.addf %while3A_879, %get3A_922 : vector<16xf32>
          %get3A_924 = arith.index_cast %sub3A_887 : i32 to index
          %get3A_925 = arith.constant 144 : index
          %get3A_926 = tpu.vector_load %arg8[%get3A_924, %get3A_925] {strides = array<i32>} : memref<128x256xf32, #tpu.memory_space<vmem>>, vector<16xf32>,
          %add3A_927 = arith.addf %while3A_880, %get3A_926 : vector<16xf32>
          %get3A_928 = arith.index_cast %sub3A_887 : i32 to index
          %get3A_929 = arith.constant 160 : index
          %get3A_930 = tpu.vector_load %arg8[%get3A_928, %get3A_929] {strides = array<i32>} : memref<128x256xf32, #tpu.memory_space<vmem>>, vector<16xf32>,
          %add3A_931 = arith.addf %while3A_881, %get3A_930 : vector<16xf32>
          %get3A_932 = arith.index_cast %sub3A_887 : i32 to index
          %get3A_933 = arith.constant 176 : index
          %get3A_934 = tpu.vector_load %arg8[%get3A_932, %get3A_933] {strides = array<i32>} : memref<128x256xf32, #tpu.memory_space<vmem>>, vector<16xf32>,
          %add3A_935 = arith.addf %while3A_882, %get3A_934 : vector<16xf32>
          %get3A_936 = arith.index_cast %sub3A_887 : i32 to index
          %get3A_937 = arith.constant 192 : index
          %get3A_938 = tpu.vector_load %arg8[%get3A_936, %get3A_937] {strides = array<i32>} : memref<128x256xf32, #tpu.memory_space<vmem>>, vector<16xf32>,
          %add3A_939 = arith.addf %while3A_883, %get3A_938 : vector<16xf32>
          %get3A_940 = arith.index_cast %sub3A_887 : i32 to index
          %get3A_941 = arith.constant 208 : index
          %get3A_942 = tpu.vector_load %arg8[%get3A_940, %get3A_941] {strides = array<i32>} : memref<128x256xf32, #tpu.memory_space<vmem>>, vector<16xf32>,
          %add3A_943 = arith.addf %while3A_884, %get3A_942 : vector<16xf32>
          %get3A_944 = arith.index_cast %sub3A_887 : i32 to index
          %get3A_945 = arith.constant 224 : index
          %get3A_946 = tpu.vector_load %arg8[%get3A_944, %get3A_945] {strides = array<i32>} : memref<128x256xf32, #tpu.memory_space<vmem>>, vector<16xf32>,
          %add3A_947 = arith.addf %while3A_885, %get3A_946 : vector<16xf32>
          %get3A_948 = arith.index_cast %sub3A_887 : i32 to index
          %get3A_949 = arith.constant 240 : index
          %get3A_950 = tpu.vector_load %arg8[%get3A_948, %get3A_949] {strides = array<i32>} : memref<128x256xf32, #tpu.memory_space<vmem>>, vector<16xf32>,
          %add3A_951 = arith.addf %while3A_886, %get3A_950 : vector<16xf32>
          scf.yield %add3A_891, %add3A_895, %add3A_899, %add3A_903, %add3A_907, %add3A_911, %add3A_915, %add3A_919, %add3A_923, %add3A_927, %add3A_931, %add3A_935, %add3A_939, %add3A_943, %add3A_947, %add3A_951 : vector<16xf32>, vector<16xf32>, vector<16xf32>, vector<16xf32>, vector<16xf32>, vector<16xf32>, vector<16xf32>, vector<16xf32>, vector<16xf32>, vector<16xf32>, vector<16xf32>, vector<16xf32>, vector<16xf32>, vector<16xf32>, vector<16xf32>, vector<16xf32>
        }
        %while3A_865 = arith.constant 1 : i32
        %while3A_866:16 = scf.for %while3A_870 = %while3A_862 to %while3A_858 step %while3A_865 iter_args(%while3A_871 = %while3A_864#0, %while3A_872 = %while3A_864#1, %while3A_873 = %while3A_864#2, %while3A_874 = %while3A_864#3, %while3A_875 = %while3A_864#4, %while3A_876 = %while3A_864#5, %while3A_877 = %while3A_864#6, %while3A_878 = %while3A_864#7, %while3A_879 = %while3A_864#8, %while3A_880 = %while3A_864#9, %while3A_881 = %while3A_864#10, %while3A_882 = %while3A_864#11, %while3A_883 = %while3A_864#12, %while3A_884 = %while3A_864#13, %while3A_885 = %while3A_864#14, %while3A_886 = %while3A_864#15) -> (vector<16xf32>, vector<16xf32>, vector<16xf32>, vector<16xf32>, vector<16xf32>, vector<16xf32>, vector<16xf32>, vector<16xf32>, vector<16xf32>, vector<16xf32>, vector<16xf32>, vector<16xf32>, vector<16xf32>, vector<16xf32>, vector<16xf32>, vector<16xf32>)  : i32 {
          %sub3A_887 = arith.subi %while3A_870, %mul3A_818 : i32
          %get3A_888 = arith.index_cast %sub3A_887 : i32 to index
          %get3A_889 = arith.constant 0 : index
          %get3A_890 = tpu.vector_load %arg8[%get3A_888, %get3A_889] {strides = array<i32>} : memref<128x256xf32, #tpu.memory_space<vmem>>, vector<16xf32>,
          %add3A_891 = arith.addf %while3A_871, %get3A_890 : vector<16xf32>
          %get3A_892 = arith.index_cast %sub3A_887 : i32 to index
          %get3A_893 = arith.constant 16 : index
          %get3A_894 = tpu.vector_load %arg8[%get3A_892, %get3A_893] {strides = array<i32>} : memref<128x256xf32, #tpu.memory_space<vmem>>, vector<16xf32>,
          %add3A_895 = arith.addf %while3A_872, %get3A_894 : vector<16xf32>
          %get3A_896 = arith.index_cast %sub3A_887 : i32 to index
          %get3A_897 = arith.constant 32 : index
          %get3A_898 = tpu.vector_load %arg8[%get3A_896, %get3A_897] {strides = array<i32>} : memref<128x256xf32, #tpu.memory_space<vmem>>, vector<16xf32>,
          %add3A_899 = arith.addf %while3A_873, %get3A_898 : vector<16xf32>
          %get3A_900 = arith.index_cast %sub3A_887 : i32 to index
          %get3A_901 = arith.constant 48 : index
          %get3A_902 = tpu.vector_load %arg8[%get3A_900, %get3A_901] {strides = array<i32>} : memref<128x256xf32, #tpu.memory_space<vmem>>, vector<16xf32>,
          %add3A_903 = arith.addf %while3A_874, %get3A_902 : vector<16xf32>
          %get3A_904 = arith.index_cast %sub3A_887 : i32 to index
          %get3A_905 = arith.constant 64 : index
          %get3A_906 = tpu.vector_load %arg8[%get3A_904, %get3A_905] {strides = array<i32>} : memref<128x256xf32, #tpu.memory_space<vmem>>, vector<16xf32>,
          %add3A_907 = arith.addf %while3A_875, %get3A_906 : vector<16xf32>
          %get3A_908 = arith.index_cast %sub3A_887 : i32 to index
          %get3A_909 = arith.constant 80 : index
          %get3A_910 = tpu.vector_load %arg8[%get3A_908, %get3A_909] {strides = array<i32>} : memref<128x256xf32, #tpu.memory_space<vmem>>, vector<16xf32>,
          %add3A_911 = arith.addf %while3A_876, %get3A_910 : vector<16xf32>
          %get3A_912 = arith.index_cast %sub3A_887 : i32 to index
          %get3A_913 = arith.constant 96 : index
          %get3A_914 = tpu.vector_load %arg8[%get3A_912, %get3A_913] {strides = array<i32>} : memref<128x256xf32, #tpu.memory_space<vmem>>, vector<16xf32>,
          %add3A_915 = arith.addf %while3A_877, %get3A_914 : vector<16xf32>
          %get3A_916 = arith.index_cast %sub3A_887 : i32 to index
          %get3A_917 = arith.constant 112 : index
          %get3A_918 = tpu.vector_load %arg8[%get3A_916, %get3A_917] {strides = array<i32>} : memref<128x256xf32, #tpu.memory_space<vmem>>, vector<16xf32>,
          %add3A_919 = arith.addf %while3A_878, %get3A_918 : vector<16xf32>
          %get3A_920 = arith.index_cast %sub3A_887 : i32 to index
          %get3A_921 = arith.constant 128 : index
          %get3A_922 = tpu.vector_load %arg8[%get3A_920, %get3A_921] {strides = array<i32>} : memref<128x256xf32, #tpu.memory_space<vmem>>, vector<16xf32>,
          %add3A_923 = arith.addf %while3A_879, %get3A_922 : vector<16xf32>
          %get3A_924 = arith.index_cast %sub3A_887 : i32 to index
          %get3A_925 = arith.constant 144 : index
          %get3A_926 = tpu.vector_load %arg8[%get3A_924, %get3A_925] {strides = array<i32>} : memref<128x256xf32, #tpu.memory_space<vmem>>, vector<16xf32>,
          %add3A_927 = arith.addf %while3A_880, %get3A_926 : vector<16xf32>
          %get3A_928 = arith.index_cast %sub3A_887 : i32 to index
          %get3A_929 = arith.constant 160 : index
          %get3A_930 = tpu.vector_load %arg8[%get3A_928, %get3A_929] {strides = array<i32>} : memref<128x256xf32, #tpu.memory_space<vmem>>, vector<16xf32>,
          %add3A_931 = arith.addf %while3A_881, %get3A_930 : vector<16xf32>
          %get3A_932 = arith.index_cast %sub3A_887 : i32 to index
          %get3A_933 = arith.constant 176 : index
          %get3A_934 = tpu.vector_load %arg8[%get3A_932, %get3A_933] {strides = array<i32>} : memref<128x256xf32, #tpu.memory_space<vmem>>, vector<16xf32>,
          %add3A_935 = arith.addf %while3A_882, %get3A_934 : vector<16xf32>
          %get3A_936 = arith.index_cast %sub3A_887 : i32 to index
          %get3A_937 = arith.constant 192 : index
          %get3A_938 = tpu.vector_load %arg8[%get3A_936, %get3A_937] {strides = array<i32>} : memref<128x256xf32, #tpu.memory_space<vmem>>, vector<16xf32>,
          %add3A_939 = arith.addf %while3A_883, %get3A_938 : vector<16xf32>
          %get3A_940 = arith.index_cast %sub3A_887 : i32 to index
          %get3A_941 = arith.constant 208 : index
          %get3A_942 = tpu.vector_load %arg8[%get3A_940, %get3A_941] {strides = array<i32>} : memref<128x256xf32, #tpu.memory_space<vmem>>, vector<16xf32>,
          %add3A_943 = arith.addf %while3A_884, %get3A_942 : vector<16xf32>
          %get3A_944 = arith.index_cast %sub3A_887 : i32 to index
          %get3A_945 = arith.constant 224 : index
          %get3A_946 = tpu.vector_load %arg8[%get3A_944, %get3A_945] {strides = array<i32>} : memref<128x256xf32, #tpu.memory_space<vmem>>, vector<16xf32>,
          %add3A_947 = arith.addf %while3A_885, %get3A_946 : vector<16xf32>
          %get3A_948 = arith.index_cast %sub3A_887 : i32 to index
          %get3A_949 = arith.constant 240 : index
          %get3A_950 = tpu.vector_load %arg8[%get3A_948, %get3A_949] {strides = array<i32>} : memref<128x256xf32, #tpu.memory_space<vmem>>, vector<16xf32>,
          %add3A_951 = arith.addf %while3A_886, %get3A_950 : vector<16xf32>
          scf.yield %add3A_891, %add3A_895, %add3A_899, %add3A_903, %add3A_907, %add3A_911, %add3A_915, %add3A_919, %add3A_923, %add3A_927, %add3A_931, %add3A_935, %add3A_939, %add3A_943, %add3A_947, %add3A_951 : vector<16xf32>, vector<16xf32>, vector<16xf32>, vector<16xf32>, vector<16xf32>, vector<16xf32>, vector<16xf32>, vector<16xf32>, vector<16xf32>, vector<16xf32>, vector<16xf32>, vector<16xf32>, vector<16xf32>, vector<16xf32>, vector<16xf32>, vector<16xf32>
        }
        %gt3A = arith.cmpi sgt, %min3A, %max3A : i32
        %convert_element_type3A_867 = arith.extui %gt3A : i1 to i32
        %cond3A_868 = arith.constant 0 : i32
        %cond3A_869 = arith.cmpi ne, %convert_element_type3A_867, %cond3A_868 : i32
        scf.if %cond3A_869 {
          %swap3A_870 = arith.index_cast %scan3A_849 : i32 to index
          %swap3A_871 = arith.constant 0 : index
          %swap3A_872 = tpu.vector_load %arg10[%swap3A_870, %swap3A_871] {strides = array<i32>} : memref<32x256xf32, #tpu.memory_space<vmem>>, vector<16xf32>,
          tpu.vector_store %arg10[%swap3A_870, %swap3A_871], %while3A_866#0 {add = true, strides = array<i32>} : memref<32x256xf32, #tpu.memory_space<vmem>>, vector<16xf32>,
          %swap3A_873 = arith.index_cast %scan3A_849 : i32 to index
          %swap3A_874 = arith.constant 16 : index
          %swap3A_875 = tpu.vector_load %arg10[%swap3A_873, %swap3A_874] {strides = array<i32>} : memref<32x256xf32, #tpu.memory_space<vmem>>, vector<16xf32>,
          tpu.vector_store %arg10[%swap3A_873, %swap3A_874], %while3A_866#1 {add = true, strides = array<i32>} : memref<32x256xf32, #tpu.memory_space<vmem>>, vector<16xf32>,
          %swap3A_876 = arith.index_cast %scan3A_849 : i32 to index
          %swap3A_877 = arith.constant 32 : index
          %swap3A_878 = tpu.vector_load %arg10[%swap3A_876, %swap3A_877] {strides = array<i32>} : memref<32x256xf32, #tpu.memory_space<vmem>>, vector<16xf32>,
          tpu.vector_store %arg10[%swap3A_876, %swap3A_877], %while3A_866#2 {add = true, strides = array<i32>} : memref<32x256xf32, #tpu.memory_space<vmem>>, vector<16xf32>,
          %swap3A_879 = arith.index_cast %scan3A_849 : i32 to index
          %swap3A_880 = arith.constant 48 : index
          %swap3A_881 = tpu.vector_load %arg10[%swap3A_879, %swap3A_880] {strides = array<i32>} : memref<32x256xf32, #tpu.memory_space<vmem>>, vector<16xf32>,
          tpu.vector_store %arg10[%swap3A_879, %swap3A_880], %while3A_866#3 {add = true, strides = array<i32>} : memref<32x256xf32, #tpu.memory_space<vmem>>, vector<16xf32>,
          %swap3A_882 = arith.index_cast %scan3A_849 : i32 to index
          %swap3A_883 = arith.constant 64 : index
          %swap3A_884 = tpu.vector_load %arg10[%swap3A_882, %swap3A_883] {strides = array<i32>} : memref<32x256xf32, #tpu.memory_space<vmem>>, vector<16xf32>,
          tpu.vector_store %arg10[%swap3A_882, %swap3A_883], %while3A_866#4 {add = true, strides = array<i32>} : memref<32x256xf32, #tpu.memory_space<vmem>>, vector<16xf32>,
          %swap3A_885 = arith.index_cast %scan3A_849 : i32 to index
          %swap3A_886 = arith.constant 80 : index
          %swap3A_887 = tpu.vector_load %arg10[%swap3A_885, %swap3A_886] {strides = array<i32>} : memref<32x256xf32, #tpu.memory_space<vmem>>, vector<16xf32>,
          tpu.vector_store %arg10[%swap3A_885, %swap3A_886], %while3A_866#5 {add = true, strides = array<i32>} : memref<32x256xf32, #tpu.memory_space<vmem>>, vector<16xf32>,
          %swap3A_888 = arith.index_cast %scan3A_849 : i32 to index
          %swap3A_889 = arith.constant 96 : index
          %swap3A_890 = tpu.vector_load %arg10[%swap3A_888, %swap3A_889] {strides = array<i32>} : memref<32x256xf32, #tpu.memory_space<vmem>>, vector<16xf32>,
          tpu.vector_store %arg10[%swap3A_888, %swap3A_889], %while3A_866#6 {add = true, strides = array<i32>} : memref<32x256xf32, #tpu.memory_space<vmem>>, vector<16xf32>,
          %swap3A_891 = arith.index_cast %scan3A_849 : i32 to index
          %swap3A_892 = arith.constant 112 : index
          %swap3A_893 = tpu.vector_load %arg10[%swap3A_891, %swap3A_892] {strides = array<i32>} : memref<32x256xf32, #tpu.memory_space<vmem>>, vector<16xf32>,
          tpu.vector_store %arg10[%swap3A_891, %swap3A_892], %while3A_866#7 {add = true, strides = array<i32>} : memref<32x256xf32, #tpu.memory_space<vmem>>, vector<16xf32>,
          %swap3A_894 = arith.index_cast %scan3A_849 : i32 to index
          %swap3A_895 = arith.constant 128 : index
          %swap3A_896 = tpu.vector_load %arg10[%swap3A_894, %swap3A_895] {strides = array<i32>} : memref<32x256xf32, #tpu.memory_space<vmem>>, vector<16xf32>,
          tpu.vector_store %arg10[%swap3A_894, %swap3A_895], %while3A_866#8 {add = true, strides = array<i32>} : memref<32x256xf32, #tpu.memory_space<vmem>>, vector<16xf32>,
          %swap3A_897 = arith.index_cast %scan3A_849 : i32 to index
          %swap3A_898 = arith.constant 144 : index
          %swap3A_899 = tpu.vector_load %arg10[%swap3A_897, %swap3A_898] {strides = array<i32>} : memref<32x256xf32, #tpu.memory_space<vmem>>, vector<16xf32>,
          tpu.vector_store %arg10[%swap3A_897, %swap3A_898], %while3A_866#9 {add = true, strides = array<i32>} : memref<32x256xf32, #tpu.memory_space<vmem>>, vector<16xf32>,
          %swap3A_900 = arith.index_cast %scan3A_849 : i32 to index
          %swap3A_901 = arith.constant 160 : index
          %swap3A_902 = tpu.vector_load %arg10[%swap3A_900, %swap3A_901] {strides = array<i32>} : memref<32x256xf32, #tpu.memory_space<vmem>>, vector<16xf32>,
          tpu.vector_store %arg10[%swap3A_900, %swap3A_901], %while3A_866#10 {add = true, strides = array<i32>} : memref<32x256xf32, #tpu.memory_space<vmem>>, vector<16xf32>,
          %swap3A_903 = arith.index_cast %scan3A_849 : i32 to index
          %swap3A_904 = arith.constant 176 : index
          %swap3A_905 = tpu.vector_load %arg10[%swap3A_903, %swap3A_904] {strides = array<i32>} : memref<32x256xf32, #tpu.memory_space<vmem>>, vector<16xf32>,
          tpu.vector_store %arg10[%swap3A_903, %swap3A_904], %while3A_866#11 {add = true, strides = array<i32>} : memref<32x256xf32, #tpu.memory_space<vmem>>, vector<16xf32>,
          %swap3A_906 = arith.index_cast %scan3A_849 : i32 to index
          %swap3A_907 = arith.constant 192 : index
          %swap3A_908 = tpu.vector_load %arg10[%swap3A_906, %swap3A_907] {strides = array<i32>} : memref<32x256xf32, #tpu.memory_space<vmem>>, vector<16xf32>,
          tpu.vector_store %arg10[%swap3A_906, %swap3A_907], %while3A_866#12 {add = true, strides = array<i32>} : memref<32x256xf32, #tpu.memory_space<vmem>>, vector<16xf32>,
          %swap3A_909 = arith.index_cast %scan3A_849 : i32 to index
          %swap3A_910 = arith.constant 208 : index
          %swap3A_911 = tpu.vector_load %arg10[%swap3A_909, %swap3A_910] {strides = array<i32>} : memref<32x256xf32, #tpu.memory_space<vmem>>, vector<16xf32>,
          tpu.vector_store %arg10[%swap3A_909, %swap3A_910], %while3A_866#13 {add = true, strides = array<i32>} : memref<32x256xf32, #tpu.memory_space<vmem>>, vector<16xf32>,
          %swap3A_912 = arith.index_cast %scan3A_849 : i32 to index
          %swap3A_913 = arith.constant 224 : index
          %swap3A_914 = tpu.vector_load %arg10[%swap3A_912, %swap3A_913] {strides = array<i32>} : memref<32x256xf32, #tpu.memory_space<vmem>>, vector<16xf32>,
          tpu.vector_store %arg10[%swap3A_912, %swap3A_913], %while3A_866#14 {add = true, strides = array<i32>} : memref<32x256xf32, #tpu.memory_space<vmem>>, vector<16xf32>,
          %swap3A_915 = arith.index_cast %scan3A_849 : i32 to index
          %swap3A_916 = arith.constant 240 : index
          %swap3A_917 = tpu.vector_load %arg10[%swap3A_915, %swap3A_916] {strides = array<i32>} : memref<32x256xf32, #tpu.memory_space<vmem>>, vector<16xf32>,
          tpu.vector_store %arg10[%swap3A_915, %swap3A_916], %while3A_866#15 {add = true, strides = array<i32>} : memref<32x256xf32, #tpu.memory_space<vmem>>, vector<16xf32>,
        } else {
        }
      }
      %scan3A_823 = arith.constant 32 : i32
      %add3A_824 = arith.constant 3 : i32
      %add3A_825 = arith.addi %add3A_812, %add3A_824 : i32
      %lt3A_826 = arith.cmpi slt, %add3A_825, %shift_right_logical3A_570 : i32
      %convert_element_type3A_827 = arith.extui %lt3A_826 : i1 to i32
      %cond3A_828 = arith.constant 0 : i32
      %cond3A_829 = arith.cmpi ne, %convert_element_type3A_827, %cond3A_828 : i32
      scf.if %cond3A_829 {
        %add3A_849 = arith.constant 3 : i32
        %add3A_850 = arith.addi %add3A_812, %add3A_849 : i32
        %mul3A_851 = arith.constant 128 : i32
        %mul3A_852 = arith.muli %add3A_850, %mul3A_851 : i32
        %dma_start3A_853 = arith.constant 0 : i32
        %dma_start3A_854 = tpu.memref_slice %arg2[%mul3A_852, %dma_start3A_853] : memref<16384x256xf32, #tpu.memory_space<hbm>> -> memref<128x256xf32, #tpu.memory_space<hbm>>
        %dma_start3A_855 = arith.constant 0 : i32
        %dma_start3A_856 = tpu.memref_slice %arg2[%mul3A_852, %dma_start3A_855] : memref<16384x256xf32, #tpu.memory_space<hbm>> -> memref<128x256xf32, #tpu.memory_space<hbm>>
        tpu.enqueue_dma source(%dma_start3A_856 : memref<128x256xf32, #tpu.memory_space<hbm>>) target(%arg8 : memref<128x256xf32, #tpu.memory_space<vmem>>) target_semaphore(%arg14 : memref<!tpu.dma_semaphore, #tpu.memory_space<semaphore_mem>>)
      } else {
      }
      %add3A_830 = arith.constant 2 : i32
      %add3A_831 = arith.addi %add3A_791, %add3A_830 : i32
      %lt3A_832 = arith.cmpi slt, %add3A_831, %shift_right_logical3A_570 : i32
      %convert_element_type3A_833 = arith.extui %lt3A_832 : i1 to i32
      %cond3A_834 = arith.constant 0 : i32
      %cond3A_835 = arith.cmpi ne, %convert_element_type3A_833, %cond3A_834 : i32
      scf.if %cond3A_835 {
        %dma_wait3A_849 = arith.constant 0 : i32
        %dma_wait3A_850 = arith.constant 0 : i32
        %dma_wait3A_851 = tpu.memref_slice %arg2[%dma_wait3A_849, %dma_wait3A_850] : memref<16384x256xf32, #tpu.memory_space<hbm>> -> memref<128x256xf32, #tpu.memory_space<hbm>>
        %dma_wait3A_852 = arith.constant 0 : i32
        %dma_wait3A_853 = arith.constant 0 : i32
        %dma_wait3A_854 = tpu.memref_slice %arg2[%dma_wait3A_852, %dma_wait3A_853] : memref<16384x256xf32, #tpu.memory_space<hbm>> -> memref<128x256xf32, #tpu.memory_space<hbm>>
        tpu.wait_dma2 semaphore(%arg15 : memref<!tpu.dma_semaphore, #tpu.memory_space<semaphore_mem>>) src(%dma_wait3A_854 : memref<128x256xf32, #tpu.memory_space<hbm>>) dst(%arg9 : memref<128x256xf32, #tpu.memory_space<vmem>>)
      } else {
      }
      %mul3A_836 = arith.constant 128 : i32
      %mul3A_837 = arith.muli %add3A_831, %mul3A_836 : i32
      %scan3A_838 = arith.constant 0 : i32
      %scan3A_839 = arith.constant 32 : i32
      %scan3A_840 = arith.addi %scan3A_838, %scan3A_839 : i32
      %scan3A_841 = arith.constant 1 : i32
      scf.for %scan3A_849 = %scan3A_838 to %scan3A_840 step %scan3A_841  : i32 {
        %get3A = arith.index_cast %scan3A_849 : i32 to index
        %get3A_850 = memref.load %arg12[%get3A] : memref<33xi32, #tpu.memory_space<smem>>
        %max3A = arith.maxsi %get3A_850, %mul3A_837 : i32
        %add3A_851 = arith.constant 1 : i32
        %add3A_852 = arith.addi %scan3A_849, %add3A_851 : i32
        %get3A_853 = arith.index_cast %add3A_852 : i32 to index
        %get3A_854 = memref.load %arg12[%get3A_853] : memref<33xi32, #tpu.memory_space<smem>>
        %add3A_855 = arith.constant 128 : i32
        %add3A_856 = arith.addi %mul3A_837, %add3A_855 : i32
        %min3A = arith.minsi %get3A_854, %add3A_856 : i32
        %while3A_857 = arith.subi %min3A, %max3A : i32
        %while3A_858 = arith.addi %max3A, %while3A_857 : i32
        %while3A_859 = arith.constant 1 : i32
        %while3A_860 = arith.divsi %while3A_857, %while3A_859 : i32
        %while3A_861 = arith.muli %while3A_860, %while3A_859 : i32
        %while3A_862 = arith.addi %max3A, %while3A_861 : i32
        %while3A_863 = arith.constant 1 : i32
        %while3A_864:16 = scf.for %while3A_870 = %max3A to %while3A_862 step %while3A_863 iter_args(%while3A_871 = %broadcast_in_dim3A_6, %while3A_872 = %broadcast_in_dim3A_6, %while3A_873 = %broadcast_in_dim3A_6, %while3A_874 = %broadcast_in_dim3A_6, %while3A_875 = %broadcast_in_dim3A_6, %while3A_876 = %broadcast_in_dim3A_6, %while3A_877 = %broadcast_in_dim3A_6, %while3A_878 = %broadcast_in_dim3A_6, %while3A_879 = %broadcast_in_dim3A_6, %while3A_880 = %broadcast_in_dim3A_6, %while3A_881 = %broadcast_in_dim3A_6, %while3A_882 = %broadcast_in_dim3A_6, %while3A_883 = %broadcast_in_dim3A_6, %while3A_884 = %broadcast_in_dim3A_6, %while3A_885 = %broadcast_in_dim3A_6, %while3A_886 = %broadcast_in_dim3A_6) -> (vector<16xf32>, vector<16xf32>, vector<16xf32>, vector<16xf32>, vector<16xf32>, vector<16xf32>, vector<16xf32>, vector<16xf32>, vector<16xf32>, vector<16xf32>, vector<16xf32>, vector<16xf32>, vector<16xf32>, vector<16xf32>, vector<16xf32>, vector<16xf32>)  : i32 {
          %sub3A_887 = arith.subi %while3A_870, %mul3A_837 : i32
          %get3A_888 = arith.index_cast %sub3A_887 : i32 to index
          %get3A_889 = arith.constant 0 : index
          %get3A_890 = tpu.vector_load %arg9[%get3A_888, %get3A_889] {strides = array<i32>} : memref<128x256xf32, #tpu.memory_space<vmem>>, vector<16xf32>,
          %add3A_891 = arith.addf %while3A_871, %get3A_890 : vector<16xf32>
          %get3A_892 = arith.index_cast %sub3A_887 : i32 to index
          %get3A_893 = arith.constant 16 : index
          %get3A_894 = tpu.vector_load %arg9[%get3A_892, %get3A_893] {strides = array<i32>} : memref<128x256xf32, #tpu.memory_space<vmem>>, vector<16xf32>,
          %add3A_895 = arith.addf %while3A_872, %get3A_894 : vector<16xf32>
          %get3A_896 = arith.index_cast %sub3A_887 : i32 to index
          %get3A_897 = arith.constant 32 : index
          %get3A_898 = tpu.vector_load %arg9[%get3A_896, %get3A_897] {strides = array<i32>} : memref<128x256xf32, #tpu.memory_space<vmem>>, vector<16xf32>,
          %add3A_899 = arith.addf %while3A_873, %get3A_898 : vector<16xf32>
          %get3A_900 = arith.index_cast %sub3A_887 : i32 to index
          %get3A_901 = arith.constant 48 : index
          %get3A_902 = tpu.vector_load %arg9[%get3A_900, %get3A_901] {strides = array<i32>} : memref<128x256xf32, #tpu.memory_space<vmem>>, vector<16xf32>,
          %add3A_903 = arith.addf %while3A_874, %get3A_902 : vector<16xf32>
          %get3A_904 = arith.index_cast %sub3A_887 : i32 to index
          %get3A_905 = arith.constant 64 : index
          %get3A_906 = tpu.vector_load %arg9[%get3A_904, %get3A_905] {strides = array<i32>} : memref<128x256xf32, #tpu.memory_space<vmem>>, vector<16xf32>,
          %add3A_907 = arith.addf %while3A_875, %get3A_906 : vector<16xf32>
          %get3A_908 = arith.index_cast %sub3A_887 : i32 to index
          %get3A_909 = arith.constant 80 : index
          %get3A_910 = tpu.vector_load %arg9[%get3A_908, %get3A_909] {strides = array<i32>} : memref<128x256xf32, #tpu.memory_space<vmem>>, vector<16xf32>,
          %add3A_911 = arith.addf %while3A_876, %get3A_910 : vector<16xf32>
          %get3A_912 = arith.index_cast %sub3A_887 : i32 to index
          %get3A_913 = arith.constant 96 : index
          %get3A_914 = tpu.vector_load %arg9[%get3A_912, %get3A_913] {strides = array<i32>} : memref<128x256xf32, #tpu.memory_space<vmem>>, vector<16xf32>,
          %add3A_915 = arith.addf %while3A_877, %get3A_914 : vector<16xf32>
          %get3A_916 = arith.index_cast %sub3A_887 : i32 to index
          %get3A_917 = arith.constant 112 : index
          %get3A_918 = tpu.vector_load %arg9[%get3A_916, %get3A_917] {strides = array<i32>} : memref<128x256xf32, #tpu.memory_space<vmem>>, vector<16xf32>,
          %add3A_919 = arith.addf %while3A_878, %get3A_918 : vector<16xf32>
          %get3A_920 = arith.index_cast %sub3A_887 : i32 to index
          %get3A_921 = arith.constant 128 : index
          %get3A_922 = tpu.vector_load %arg9[%get3A_920, %get3A_921] {strides = array<i32>} : memref<128x256xf32, #tpu.memory_space<vmem>>, vector<16xf32>,
          %add3A_923 = arith.addf %while3A_879, %get3A_922 : vector<16xf32>
          %get3A_924 = arith.index_cast %sub3A_887 : i32 to index
          %get3A_925 = arith.constant 144 : index
          %get3A_926 = tpu.vector_load %arg9[%get3A_924, %get3A_925] {strides = array<i32>} : memref<128x256xf32, #tpu.memory_space<vmem>>, vector<16xf32>,
          %add3A_927 = arith.addf %while3A_880, %get3A_926 : vector<16xf32>
          %get3A_928 = arith.index_cast %sub3A_887 : i32 to index
          %get3A_929 = arith.constant 160 : index
          %get3A_930 = tpu.vector_load %arg9[%get3A_928, %get3A_929] {strides = array<i32>} : memref<128x256xf32, #tpu.memory_space<vmem>>, vector<16xf32>,
          %add3A_931 = arith.addf %while3A_881, %get3A_930 : vector<16xf32>
          %get3A_932 = arith.index_cast %sub3A_887 : i32 to index
          %get3A_933 = arith.constant 176 : index
          %get3A_934 = tpu.vector_load %arg9[%get3A_932, %get3A_933] {strides = array<i32>} : memref<128x256xf32, #tpu.memory_space<vmem>>, vector<16xf32>,
          %add3A_935 = arith.addf %while3A_882, %get3A_934 : vector<16xf32>
          %get3A_936 = arith.index_cast %sub3A_887 : i32 to index
          %get3A_937 = arith.constant 192 : index
          %get3A_938 = tpu.vector_load %arg9[%get3A_936, %get3A_937] {strides = array<i32>} : memref<128x256xf32, #tpu.memory_space<vmem>>, vector<16xf32>,
          %add3A_939 = arith.addf %while3A_883, %get3A_938 : vector<16xf32>
          %get3A_940 = arith.index_cast %sub3A_887 : i32 to index
          %get3A_941 = arith.constant 208 : index
          %get3A_942 = tpu.vector_load %arg9[%get3A_940, %get3A_941] {strides = array<i32>} : memref<128x256xf32, #tpu.memory_space<vmem>>, vector<16xf32>,
          %add3A_943 = arith.addf %while3A_884, %get3A_942 : vector<16xf32>
          %get3A_944 = arith.index_cast %sub3A_887 : i32 to index
          %get3A_945 = arith.constant 224 : index
          %get3A_946 = tpu.vector_load %arg9[%get3A_944, %get3A_945] {strides = array<i32>} : memref<128x256xf32, #tpu.memory_space<vmem>>, vector<16xf32>,
          %add3A_947 = arith.addf %while3A_885, %get3A_946 : vector<16xf32>
          %get3A_948 = arith.index_cast %sub3A_887 : i32 to index
          %get3A_949 = arith.constant 240 : index
          %get3A_950 = tpu.vector_load %arg9[%get3A_948, %get3A_949] {strides = array<i32>} : memref<128x256xf32, #tpu.memory_space<vmem>>, vector<16xf32>,
          %add3A_951 = arith.addf %while3A_886, %get3A_950 : vector<16xf32>
          scf.yield %add3A_891, %add3A_895, %add3A_899, %add3A_903, %add3A_907, %add3A_911, %add3A_915, %add3A_919, %add3A_923, %add3A_927, %add3A_931, %add3A_935, %add3A_939, %add3A_943, %add3A_947, %add3A_951 : vector<16xf32>, vector<16xf32>, vector<16xf32>, vector<16xf32>, vector<16xf32>, vector<16xf32>, vector<16xf32>, vector<16xf32>, vector<16xf32>, vector<16xf32>, vector<16xf32>, vector<16xf32>, vector<16xf32>, vector<16xf32>, vector<16xf32>, vector<16xf32>
        }
        %while3A_865 = arith.constant 1 : i32
        %while3A_866:16 = scf.for %while3A_870 = %while3A_862 to %while3A_858 step %while3A_865 iter_args(%while3A_871 = %while3A_864#0, %while3A_872 = %while3A_864#1, %while3A_873 = %while3A_864#2, %while3A_874 = %while3A_864#3, %while3A_875 = %while3A_864#4, %while3A_876 = %while3A_864#5, %while3A_877 = %while3A_864#6, %while3A_878 = %while3A_864#7, %while3A_879 = %while3A_864#8, %while3A_880 = %while3A_864#9, %while3A_881 = %while3A_864#10, %while3A_882 = %while3A_864#11, %while3A_883 = %while3A_864#12, %while3A_884 = %while3A_864#13, %while3A_885 = %while3A_864#14, %while3A_886 = %while3A_864#15) -> (vector<16xf32>, vector<16xf32>, vector<16xf32>, vector<16xf32>, vector<16xf32>, vector<16xf32>, vector<16xf32>, vector<16xf32>, vector<16xf32>, vector<16xf32>, vector<16xf32>, vector<16xf32>, vector<16xf32>, vector<16xf32>, vector<16xf32>, vector<16xf32>)  : i32 {
          %sub3A_887 = arith.subi %while3A_870, %mul3A_837 : i32
          %get3A_888 = arith.index_cast %sub3A_887 : i32 to index
          %get3A_889 = arith.constant 0 : index
          %get3A_890 = tpu.vector_load %arg9[%get3A_888, %get3A_889] {strides = array<i32>} : memref<128x256xf32, #tpu.memory_space<vmem>>, vector<16xf32>,
          %add3A_891 = arith.addf %while3A_871, %get3A_890 : vector<16xf32>
          %get3A_892 = arith.index_cast %sub3A_887 : i32 to index
          %get3A_893 = arith.constant 16 : index
          %get3A_894 = tpu.vector_load %arg9[%get3A_892, %get3A_893] {strides = array<i32>} : memref<128x256xf32, #tpu.memory_space<vmem>>, vector<16xf32>,
          %add3A_895 = arith.addf %while3A_872, %get3A_894 : vector<16xf32>
          %get3A_896 = arith.index_cast %sub3A_887 : i32 to index
          %get3A_897 = arith.constant 32 : index
          %get3A_898 = tpu.vector_load %arg9[%get3A_896, %get3A_897] {strides = array<i32>} : memref<128x256xf32, #tpu.memory_space<vmem>>, vector<16xf32>,
          %add3A_899 = arith.addf %while3A_873, %get3A_898 : vector<16xf32>
          %get3A_900 = arith.index_cast %sub3A_887 : i32 to index
          %get3A_901 = arith.constant 48 : index
          %get3A_902 = tpu.vector_load %arg9[%get3A_900, %get3A_901] {strides = array<i32>} : memref<128x256xf32, #tpu.memory_space<vmem>>, vector<16xf32>,
          %add3A_903 = arith.addf %while3A_874, %get3A_902 : vector<16xf32>
          %get3A_904 = arith.index_cast %sub3A_887 : i32 to index
          %get3A_905 = arith.constant 64 : index
          %get3A_906 = tpu.vector_load %arg9[%get3A_904, %get3A_905] {strides = array<i32>} : memref<128x256xf32, #tpu.memory_space<vmem>>, vector<16xf32>,
          %add3A_907 = arith.addf %while3A_875, %get3A_906 : vector<16xf32>
          %get3A_908 = arith.index_cast %sub3A_887 : i32 to index
          %get3A_909 = arith.constant 80 : index
          %get3A_910 = tpu.vector_load %arg9[%get3A_908, %get3A_909] {strides = array<i32>} : memref<128x256xf32, #tpu.memory_space<vmem>>, vector<16xf32>,
          %add3A_911 = arith.addf %while3A_876, %get3A_910 : vector<16xf32>
          %get3A_912 = arith.index_cast %sub3A_887 : i32 to index
          %get3A_913 = arith.constant 96 : index
          %get3A_914 = tpu.vector_load %arg9[%get3A_912, %get3A_913] {strides = array<i32>} : memref<128x256xf32, #tpu.memory_space<vmem>>, vector<16xf32>,
          %add3A_915 = arith.addf %while3A_877, %get3A_914 : vector<16xf32>
          %get3A_916 = arith.index_cast %sub3A_887 : i32 to index
          %get3A_917 = arith.constant 112 : index
          %get3A_918 = tpu.vector_load %arg9[%get3A_916, %get3A_917] {strides = array<i32>} : memref<128x256xf32, #tpu.memory_space<vmem>>, vector<16xf32>,
          %add3A_919 = arith.addf %while3A_878, %get3A_918 : vector<16xf32>
          %get3A_920 = arith.index_cast %sub3A_887 : i32 to index
          %get3A_921 = arith.constant 128 : index
          %get3A_922 = tpu.vector_load %arg9[%get3A_920, %get3A_921] {strides = array<i32>} : memref<128x256xf32, #tpu.memory_space<vmem>>, vector<16xf32>,
          %add3A_923 = arith.addf %while3A_879, %get3A_922 : vector<16xf32>
          %get3A_924 = arith.index_cast %sub3A_887 : i32 to index
          %get3A_925 = arith.constant 144 : index
          %get3A_926 = tpu.vector_load %arg9[%get3A_924, %get3A_925] {strides = array<i32>} : memref<128x256xf32, #tpu.memory_space<vmem>>, vector<16xf32>,
          %add3A_927 = arith.addf %while3A_880, %get3A_926 : vector<16xf32>
          %get3A_928 = arith.index_cast %sub3A_887 : i32 to index
          %get3A_929 = arith.constant 160 : index
          %get3A_930 = tpu.vector_load %arg9[%get3A_928, %get3A_929] {strides = array<i32>} : memref<128x256xf32, #tpu.memory_space<vmem>>, vector<16xf32>,
          %add3A_931 = arith.addf %while3A_881, %get3A_930 : vector<16xf32>
          %get3A_932 = arith.index_cast %sub3A_887 : i32 to index
          %get3A_933 = arith.constant 176 : index
          %get3A_934 = tpu.vector_load %arg9[%get3A_932, %get3A_933] {strides = array<i32>} : memref<128x256xf32, #tpu.memory_space<vmem>>, vector<16xf32>,
          %add3A_935 = arith.addf %while3A_882, %get3A_934 : vector<16xf32>
          %get3A_936 = arith.index_cast %sub3A_887 : i32 to index
          %get3A_937 = arith.constant 192 : index
          %get3A_938 = tpu.vector_load %arg9[%get3A_936, %get3A_937] {strides = array<i32>} : memref<128x256xf32, #tpu.memory_space<vmem>>, vector<16xf32>,
          %add3A_939 = arith.addf %while3A_883, %get3A_938 : vector<16xf32>
          %get3A_940 = arith.index_cast %sub3A_887 : i32 to index
          %get3A_941 = arith.constant 208 : index
          %get3A_942 = tpu.vector_load %arg9[%get3A_940, %get3A_941] {strides = array<i32>} : memref<128x256xf32, #tpu.memory_space<vmem>>, vector<16xf32>,
          %add3A_943 = arith.addf %while3A_884, %get3A_942 : vector<16xf32>
          %get3A_944 = arith.index_cast %sub3A_887 : i32 to index
          %get3A_945 = arith.constant 224 : index
          %get3A_946 = tpu.vector_load %arg9[%get3A_944, %get3A_945] {strides = array<i32>} : memref<128x256xf32, #tpu.memory_space<vmem>>, vector<16xf32>,
          %add3A_947 = arith.addf %while3A_885, %get3A_946 : vector<16xf32>
          %get3A_948 = arith.index_cast %sub3A_887 : i32 to index
          %get3A_949 = arith.constant 240 : index
          %get3A_950 = tpu.vector_load %arg9[%get3A_948, %get3A_949] {strides = array<i32>} : memref<128x256xf32, #tpu.memory_space<vmem>>, vector<16xf32>,
          %add3A_951 = arith.addf %while3A_886, %get3A_950 : vector<16xf32>
          scf.yield %add3A_891, %add3A_895, %add3A_899, %add3A_903, %add3A_907, %add3A_911, %add3A_915, %add3A_919, %add3A_923, %add3A_927, %add3A_931, %add3A_935, %add3A_939, %add3A_943, %add3A_947, %add3A_951 : vector<16xf32>, vector<16xf32>, vector<16xf32>, vector<16xf32>, vector<16xf32>, vector<16xf32>, vector<16xf32>, vector<16xf32>, vector<16xf32>, vector<16xf32>, vector<16xf32>, vector<16xf32>, vector<16xf32>, vector<16xf32>, vector<16xf32>, vector<16xf32>
        }
        %gt3A = arith.cmpi sgt, %min3A, %max3A : i32
        %convert_element_type3A_867 = arith.extui %gt3A : i1 to i32
        %cond3A_868 = arith.constant 0 : i32
        %cond3A_869 = arith.cmpi ne, %convert_element_type3A_867, %cond3A_868 : i32
        scf.if %cond3A_869 {
          %swap3A_870 = arith.index_cast %scan3A_849 : i32 to index
          %swap3A_871 = arith.constant 0 : index
          %swap3A_872 = tpu.vector_load %arg10[%swap3A_870, %swap3A_871] {strides = array<i32>} : memref<32x256xf32, #tpu.memory_space<vmem>>, vector<16xf32>,
          tpu.vector_store %arg10[%swap3A_870, %swap3A_871], %while3A_866#0 {add = true, strides = array<i32>} : memref<32x256xf32, #tpu.memory_space<vmem>>, vector<16xf32>,
          %swap3A_873 = arith.index_cast %scan3A_849 : i32 to index
          %swap3A_874 = arith.constant 16 : index
          %swap3A_875 = tpu.vector_load %arg10[%swap3A_873, %swap3A_874] {strides = array<i32>} : memref<32x256xf32, #tpu.memory_space<vmem>>, vector<16xf32>,
          tpu.vector_store %arg10[%swap3A_873, %swap3A_874], %while3A_866#1 {add = true, strides = array<i32>} : memref<32x256xf32, #tpu.memory_space<vmem>>, vector<16xf32>,
          %swap3A_876 = arith.index_cast %scan3A_849 : i32 to index
          %swap3A_877 = arith.constant 32 : index
          %swap3A_878 = tpu.vector_load %arg10[%swap3A_876, %swap3A_877] {strides = array<i32>} : memref<32x256xf32, #tpu.memory_space<vmem>>, vector<16xf32>,
          tpu.vector_store %arg10[%swap3A_876, %swap3A_877], %while3A_866#2 {add = true, strides = array<i32>} : memref<32x256xf32, #tpu.memory_space<vmem>>, vector<16xf32>,
          %swap3A_879 = arith.index_cast %scan3A_849 : i32 to index
          %swap3A_880 = arith.constant 48 : index
          %swap3A_881 = tpu.vector_load %arg10[%swap3A_879, %swap3A_880] {strides = array<i32>} : memref<32x256xf32, #tpu.memory_space<vmem>>, vector<16xf32>,
          tpu.vector_store %arg10[%swap3A_879, %swap3A_880], %while3A_866#3 {add = true, strides = array<i32>} : memref<32x256xf32, #tpu.memory_space<vmem>>, vector<16xf32>,
          %swap3A_882 = arith.index_cast %scan3A_849 : i32 to index
          %swap3A_883 = arith.constant 64 : index
          %swap3A_884 = tpu.vector_load %arg10[%swap3A_882, %swap3A_883] {strides = array<i32>} : memref<32x256xf32, #tpu.memory_space<vmem>>, vector<16xf32>,
          tpu.vector_store %arg10[%swap3A_882, %swap3A_883], %while3A_866#4 {add = true, strides = array<i32>} : memref<32x256xf32, #tpu.memory_space<vmem>>, vector<16xf32>,
          %swap3A_885 = arith.index_cast %scan3A_849 : i32 to index
          %swap3A_886 = arith.constant 80 : index
          %swap3A_887 = tpu.vector_load %arg10[%swap3A_885, %swap3A_886] {strides = array<i32>} : memref<32x256xf32, #tpu.memory_space<vmem>>, vector<16xf32>,
          tpu.vector_store %arg10[%swap3A_885, %swap3A_886], %while3A_866#5 {add = true, strides = array<i32>} : memref<32x256xf32, #tpu.memory_space<vmem>>, vector<16xf32>,
          %swap3A_888 = arith.index_cast %scan3A_849 : i32 to index
          %swap3A_889 = arith.constant 96 : index
          %swap3A_890 = tpu.vector_load %arg10[%swap3A_888, %swap3A_889] {strides = array<i32>} : memref<32x256xf32, #tpu.memory_space<vmem>>, vector<16xf32>,
          tpu.vector_store %arg10[%swap3A_888, %swap3A_889], %while3A_866#6 {add = true, strides = array<i32>} : memref<32x256xf32, #tpu.memory_space<vmem>>, vector<16xf32>,
          %swap3A_891 = arith.index_cast %scan3A_849 : i32 to index
          %swap3A_892 = arith.constant 112 : index
          %swap3A_893 = tpu.vector_load %arg10[%swap3A_891, %swap3A_892] {strides = array<i32>} : memref<32x256xf32, #tpu.memory_space<vmem>>, vector<16xf32>,
          tpu.vector_store %arg10[%swap3A_891, %swap3A_892], %while3A_866#7 {add = true, strides = array<i32>} : memref<32x256xf32, #tpu.memory_space<vmem>>, vector<16xf32>,
          %swap3A_894 = arith.index_cast %scan3A_849 : i32 to index
          %swap3A_895 = arith.constant 128 : index
          %swap3A_896 = tpu.vector_load %arg10[%swap3A_894, %swap3A_895] {strides = array<i32>} : memref<32x256xf32, #tpu.memory_space<vmem>>, vector<16xf32>,
          tpu.vector_store %arg10[%swap3A_894, %swap3A_895], %while3A_866#8 {add = true, strides = array<i32>} : memref<32x256xf32, #tpu.memory_space<vmem>>, vector<16xf32>,
          %swap3A_897 = arith.index_cast %scan3A_849 : i32 to index
          %swap3A_898 = arith.constant 144 : index
          %swap3A_899 = tpu.vector_load %arg10[%swap3A_897, %swap3A_898] {strides = array<i32>} : memref<32x256xf32, #tpu.memory_space<vmem>>, vector<16xf32>,
          tpu.vector_store %arg10[%swap3A_897, %swap3A_898], %while3A_866#9 {add = true, strides = array<i32>} : memref<32x256xf32, #tpu.memory_space<vmem>>, vector<16xf32>,
          %swap3A_900 = arith.index_cast %scan3A_849 : i32 to index
          %swap3A_901 = arith.constant 160 : index
          %swap3A_902 = tpu.vector_load %arg10[%swap3A_900, %swap3A_901] {strides = array<i32>} : memref<32x256xf32, #tpu.memory_space<vmem>>, vector<16xf32>,
          tpu.vector_store %arg10[%swap3A_900, %swap3A_901], %while3A_866#10 {add = true, strides = array<i32>} : memref<32x256xf32, #tpu.memory_space<vmem>>, vector<16xf32>,
          %swap3A_903 = arith.index_cast %scan3A_849 : i32 to index
          %swap3A_904 = arith.constant 176 : index
          %swap3A_905 = tpu.vector_load %arg10[%swap3A_903, %swap3A_904] {strides = array<i32>} : memref<32x256xf32, #tpu.memory_space<vmem>>, vector<16xf32>,
          tpu.vector_store %arg10[%swap3A_903, %swap3A_904], %while3A_866#11 {add = true, strides = array<i32>} : memref<32x256xf32, #tpu.memory_space<vmem>>, vector<16xf32>,
          %swap3A_906 = arith.index_cast %scan3A_849 : i32 to index
          %swap3A_907 = arith.constant 192 : index
          %swap3A_908 = tpu.vector_load %arg10[%swap3A_906, %swap3A_907] {strides = array<i32>} : memref<32x256xf32, #tpu.memory_space<vmem>>, vector<16xf32>,
          tpu.vector_store %arg10[%swap3A_906, %swap3A_907], %while3A_866#12 {add = true, strides = array<i32>} : memref<32x256xf32, #tpu.memory_space<vmem>>, vector<16xf32>,
          %swap3A_909 = arith.index_cast %scan3A_849 : i32 to index
          %swap3A_910 = arith.constant 208 : index
          %swap3A_911 = tpu.vector_load %arg10[%swap3A_909, %swap3A_910] {strides = array<i32>} : memref<32x256xf32, #tpu.memory_space<vmem>>, vector<16xf32>,
          tpu.vector_store %arg10[%swap3A_909, %swap3A_910], %while3A_866#13 {add = true, strides = array<i32>} : memref<32x256xf32, #tpu.memory_space<vmem>>, vector<16xf32>,
          %swap3A_912 = arith.index_cast %scan3A_849 : i32 to index
          %swap3A_913 = arith.constant 224 : index
          %swap3A_914 = tpu.vector_load %arg10[%swap3A_912, %swap3A_913] {strides = array<i32>} : memref<32x256xf32, #tpu.memory_space<vmem>>, vector<16xf32>,
          tpu.vector_store %arg10[%swap3A_912, %swap3A_913], %while3A_866#14 {add = true, strides = array<i32>} : memref<32x256xf32, #tpu.memory_space<vmem>>, vector<16xf32>,
          %swap3A_915 = arith.index_cast %scan3A_849 : i32 to index
          %swap3A_916 = arith.constant 240 : index
          %swap3A_917 = tpu.vector_load %arg10[%swap3A_915, %swap3A_916] {strides = array<i32>} : memref<32x256xf32, #tpu.memory_space<vmem>>, vector<16xf32>,
          tpu.vector_store %arg10[%swap3A_915, %swap3A_916], %while3A_866#15 {add = true, strides = array<i32>} : memref<32x256xf32, #tpu.memory_space<vmem>>, vector<16xf32>,
        } else {
        }
      }
      %scan3A_842 = arith.constant 32 : i32
      %add3A_843 = arith.constant 3 : i32
      %add3A_844 = arith.addi %add3A_831, %add3A_843 : i32
      %lt3A_845 = arith.cmpi slt, %add3A_844, %shift_right_logical3A_570 : i32
      %convert_element_type3A_846 = arith.extui %lt3A_845 : i1 to i32
      %cond3A_847 = arith.constant 0 : i32
      %cond3A_848 = arith.cmpi ne, %convert_element_type3A_846, %cond3A_847 : i32
      scf.if %cond3A_848 {
        %add3A_849 = arith.constant 3 : i32
        %add3A_850 = arith.addi %add3A_831, %add3A_849 : i32
        %mul3A_851 = arith.constant 128 : i32
        %mul3A_852 = arith.muli %add3A_850, %mul3A_851 : i32
        %dma_start3A_853 = arith.constant 0 : i32
        %dma_start3A_854 = tpu.memref_slice %arg2[%mul3A_852, %dma_start3A_853] : memref<16384x256xf32, #tpu.memory_space<hbm>> -> memref<128x256xf32, #tpu.memory_space<hbm>>
        %dma_start3A_855 = arith.constant 0 : i32
        %dma_start3A_856 = tpu.memref_slice %arg2[%mul3A_852, %dma_start3A_855] : memref<16384x256xf32, #tpu.memory_space<hbm>> -> memref<128x256xf32, #tpu.memory_space<hbm>>
        tpu.enqueue_dma source(%dma_start3A_856 : memref<128x256xf32, #tpu.memory_space<hbm>>) target(%arg9 : memref<128x256xf32, #tpu.memory_space<vmem>>) target_semaphore(%arg15 : memref<!tpu.dma_semaphore, #tpu.memory_space<semaphore_mem>>)
      } else {
      }
    }
    "tpu.region"() ({
      %run_scoped3A = tpu.sem_alloc : memref<!tpu.dma_semaphore, #tpu.memory_space<semaphore_mem>>
      %dma_start3A_788 = arith.constant 0 : i32
      %dma_start3A_789 = tpu.memref_slice %arg4[%mul3A_2, %dma_start3A_788] : memref<1024x256xf32, #tpu.memory_space<hbm>> -> memref<32x256xf32, #tpu.memory_space<hbm>>
      %dma_start3A_790 = arith.constant 0 : i32
      %dma_start3A_791 = tpu.memref_slice %arg4[%mul3A_2, %dma_start3A_790] : memref<1024x256xf32, #tpu.memory_space<hbm>> -> memref<32x256xf32, #tpu.memory_space<hbm>>
      tpu.enqueue_dma source(%arg10 : memref<32x256xf32, #tpu.memory_space<vmem>>) target(%dma_start3A_791 : memref<32x256xf32, #tpu.memory_space<hbm>>) target_semaphore(%run_scoped3A : memref<!tpu.dma_semaphore, #tpu.memory_space<semaphore_mem>>)
      %dma_wait3A_792 = arith.constant 0 : i32
      %dma_wait3A_793 = tpu.memref_slice %arg4[%mul3A_2, %dma_wait3A_792] : memref<1024x256xf32, #tpu.memory_space<hbm>> -> memref<32x256xf32, #tpu.memory_space<hbm>>
      %dma_wait3A_794 = arith.constant 0 : i32
      %dma_wait3A_795 = tpu.memref_slice %arg4[%mul3A_2, %dma_wait3A_794] : memref<1024x256xf32, #tpu.memory_space<hbm>> -> memref<32x256xf32, #tpu.memory_space<hbm>>
      tpu.wait_dma2 semaphore(%run_scoped3A : memref<!tpu.dma_semaphore, #tpu.memory_space<semaphore_mem>>) src(%arg10 : memref<32x256xf32, #tpu.memory_space<vmem>>) dst(%dma_wait3A_795 : memref<32x256xf32, #tpu.memory_space<hbm>>)
      tpu.yield
    }) : () -> ()
    return
  }
}

module attributes {stable_mosaic.version = 14 : i64} {
  func.func @_tc_body(%arg0: memref<1024x256xf32, #tpu.memory_space<vmem>>, %arg1: memref<1024x1xf32, #tpu.memory_space<vmem>>, %arg2: memref<512x256xf32, #tpu.memory_space<vmem>>, %arg3: memref<1024x512xf32, #tpu.memory_space<vmem>>) attributes {dimension_semantics = [], scalar_prefetch = 0 : i64, scratch_operands = 0 : i64, tpu.core_type = #tpu.core_type<tc>} {
    %get3A = arith.constant 0 : index
    %get3A_0 = arith.constant 0 : index
    %get3A_1 = vector.load %arg0[%get3A, %get3A_0] : memref<1024x256xf32, #tpu.memory_space<vmem>>, vector<1024x256xf32>
    %get3A_2 = arith.constant 0 : index
    %get3A_3 = arith.constant 0 : index
    %get3A_4 = vector.load %arg2[%get3A_2, %get3A_3] : memref<512x256xf32, #tpu.memory_space<vmem>>, vector<512x256xf32>
    %dot_general3A = arith.constant dense<0.000000e+00> : vector<1024x512xf32>
    %dot_general3A_5 = tpu.matmul %get3A_1, %get3A_4, %dot_general3A {dimension_numbers = #tpu.dot_dimension_numbers<[1], [1], [0], [0], [0, 0, 1, 0], [], []>, transpose_lhs_hint = false} : vector<1024x256xf32>, vector<512x256xf32>, vector<1024x512xf32> -> vector<1024x512xf32>
    %get3A_6 = arith.constant 0 : index
    %get3A_7 = arith.constant 0 : index
    %get3A_8 = vector.load %arg1[%get3A_6, %get3A_7] : memref<1024x1xf32, #tpu.memory_space<vmem>>, vector<1024x1xf32>
    %max3A = arith.constant 1.000000e+00 : f32
    %max3A_9 = vector.broadcast %max3A : f32 to vector<1024x1xf32>
    %max3A_10 = arith.maximumf %get3A_8, %max3A_9 : vector<1024x1xf32>
    %div3A = vector.broadcast %max3A_10 : vector<1024x1xf32> to vector<1024x512xf32>
    %div3A_11 = arith.divf %dot_general3A_5, %div3A : vector<1024x512xf32>
    %swap3A = arith.constant 0 : index
    %swap3A_12 = arith.constant 0 : index
    %swap3A_13 = vector.load %arg3[%swap3A, %swap3A_12] : memref<1024x512xf32, #tpu.memory_space<vmem>>, vector<1024x512xf32>
    tpu.vector_store %arg3[%swap3A, %swap3A_12], %div3A_11 {strides = array<i32>} : memref<1024x512xf32, #tpu.memory_space<vmem>>, vector<1024x512xf32>,
    return
  }
}

</mosaic_0001>

<sc_bundles>
// kernel: kernel.4.cloned.1.call-start
scs
__scs_entry_jumppad:
0x0: {  	(pc) =	sbr.rel $0x88, $3  }
0x1: {  	(tag) =	ssettag $0x0;
	lr =	simm.s32 $0x1  }
0x2: {  	[smem:$0x3F9E] =	sst lr;
	_ =	strace $0xD0000000  }
0x3: {  	_ = 	snop  }
0x4: {  	_ = 	snop  }
0x5: {  	_ = 	snop  }
0x6: {  	_ = 	snop  }
0x7: {  	_ = 	snop  }
__scs_overlays_trampoline_lowered:
0x8: {  	[smem:$0x3FAD] =	sst s0  }
0x9: {  	[smem:$0x3FAE] =	sst s1  }
0xa: {  	[smem:$0x3FAF] =	sst s2  }
0xb: {  	[smem:$0x3FB0] =	sst s3  }
0xc: {  	[smem:$0x3FB1] =	sst s4  }
0xd: {  	[smem:$0x3FB2] =	sst s5  }
0xe: {  	[smem:$0x3FB3] =	sst s6  }
0xf: {  	[smem:$0x3FB4] =	sst s7  }
0x10: {  	[smem:$0x3FB5] =	sst s8  }
0x11: {  	[smem:$0x3FB6] =	sst s9;
	s0 =	simm.s32 @!p0 $0x0  }
0x12: {  	s1 =	sld [smem:$0x3F9C];
	s0 =	simm.s32 @p0 $0x1  }
0x13: {  	[smem:$0x3FB7] =	sst s0;
	s0 =	simm.s32 @!p1 $0x0  }
0x14: {  	s2 =	sld [smem:$0x3F9B];
	s0 =	simm.s32 @p1 $0x1  }
0x15: {  	[smem:$0x3FB8] =	sst s0;
	s0 =	simm.s32 @!p2 $0x0  }
0x16: {  	s3 =	sld [smem:$0x3FDB];
	s0 =	simm.s32 @p2 $0x1  }
0x17: {  	s4 =	simm.s32 $0x1BF5;
	[smem:$0x3FBA] =	sst s0  }
0x18: {  	s0 =	sld [smem:$0x3F9D];
	_ =	swait.ge [sflag:s4], $0x0  }
0x19: {  	s7 =	sld [smem:$0x3F9E]  }
0x1a: {  	s8 =	sadd.s32 $0xFFFFE003, lr  }
0x1b: {  	s9 =	sadd.s32 $0xFFFFFEF7, lr;
	s5 =	simm.s32 $0xFFFFFFFF;
	p2 =	slt.u32 s8, $0xFFFFF086  }
0x1c: {  	p1 =	slt.u32 s9, $0xF7A;
	s5 =	simm.s32 @!p2 $0x0  }
0x1d: {  	s5 =	simm.s32 @p1 $0x1;
	p0 =	seq.s32 s7, s2  }
0x1e: {  	s7 =	smul.u32 @!p0 $0xF7A, s2;
	p2 =	seq.s32 @!p0 s5, $0x0  }
0x1f: {  	s9 =	smul.u32 $0xF7A, s1;
	s8 =	simm.s32 @!p0 $0x1BF5;
	p2 =	por !p2, p0  }
0x20: {  	[sflag:s8] =	ssyncset.s32 @!p0 $0xFFFFF086;
	s6 =	sadd.s32 @!p0 s3, s7;
	s7 =	simm.s32 @!p0 $0x108  }
0x21: {  	s3 =	sadd.s32 s3, s9;
	s6 =	sadd.s32 @!p0 $0x88, s6;
	s7 =	simm.s32 @p2 $0x1082  }
0x22: {  	[simem:s7], [sflag:s8] =	dma.local @!p0 [hbm:s6], $0xF7A  }
0x23: {  	s9 =	sor.u32 $0xD0000000, s2;
	s6 =	simm.s32 $0x108;
	_ =	swait.ge @!p0 [sflag:s8], $0x0  }
0x24: {  	s3 =	sadd.s32 $0x88, s3;
	s6 =	simm.s32 @!p1 $0x1082;
	[sflag:s4] =	ssyncset.s32 $0xFFFFF086  }
0x25: {  	[simem:s6], [sflag:s4] =	dma.local [hbm:s3], $0xF7A  }
0x26: {  	[smem:$0x3F9E] =	sst s1;
	(tag) =	ssettag s2;
	_ =	strace s9  }
0x27: {  	s1 =	sld [smem:$0x3FAE]  }
0x28: {  	s2 =	sld [smem:$0x3FAF]  }
0x29: {  	s4 =	sld [smem:$0x3FB1]  }
0x2a: {  	p0 =	seq.s32 s5, $0x0;
	s5 =	sld [smem:$0x3FB2]  }
0x2b: {  	s6 =	sld [smem:$0x3FB3]  }
0x2c: {  	s7 =	sld [smem:$0x3FB4]  }
0x2d: {  	s3 =	simm.s32 $0x108;
	s8 =	sld [smem:$0x3FB5]  }
0x2e: {  	s3 =	simm.s32 @!p0 $0x1082;
	s9 =	sld [smem:$0x3FB6]  }
0x2f: {  	lr =	sadd.s32 s0, s3;
	s0 =	sld [smem:$0x3FAD]  }
0x30: {  	s3 =	sld [smem:$0x3FB0]  }
0x31: {  	[smem:$0x3FB9] =	sst s10  }
0x32: {  	s10 =	sld [smem:$0x3FB7];
	_ =	sdelay $0x3  }
0x33: {  	p0 =	seq.s32 s10, $0x1;
	s10 =	sld [smem:$0x3FB9];
	_ =	sdelay $0x3  }
0x34: {  	[smem:$0x3FB9] =	sst s10  }
0x35: {  	s10 =	sld [smem:$0x3FB8];
	_ =	sdelay $0x3  }
0x36: {  	p1 =	seq.s32 s10, $0x1;
	s10 =	sld [smem:$0x3FB9];
	_ =	sdelay $0x3  }
0x37: {  	[smem:$0x3FB9] =	sst s10  }
0x38: {  	s10 =	sld [smem:$0x3FBA]  }
0x39: {  	_ = 	snop;
	(pc) =	sbr.ind lr, $3  }
0x3a: {  	_ = 	snop  }
0x3b: {  	_ = 	snop  }
0x3c: {  	p2 =	seq.s32 s10, $0x1;
	s10 =	sld [smem:$0x3FB9]  }
0x3d: {  	_ =	shalt  }
0x3e: {  	_ =	shalt  }
0x3f: {  	_ =	shalt  }
0x40: {  	_ =	shalt  }
0x41: {  	_ =	shalt  }
0x42: {  	_ =	shalt  }
0x43: {  	_ =	shalt  }
0x44: {  	_ =	shalt  }
0x45: {  	_ =	shalt  }
0x46: {  	_ =	shalt  }
0x47: {  	_ =	shalt  }
0x48: {  	_ =	shalt  }
0x49: {  	_ =	shalt  }
0x4a: {  	_ =	shalt  }
0x4b: {  	_ =	shalt  }
0x4c: {  	_ =	shalt  }
0x4d: {  	_ =	shalt  }
0x4e: {  	_ =	shalt  }
0x4f: {  	_ =	shalt  }
0x50: {  	_ =	shalt  }
0x51: {  	_ =	shalt  }
0x52: {  	_ =	shalt  }
0x53: {  	_ =	shalt  }
0x54: {  	_ =	shalt  }
0x55: {  	_ =	shalt  }
0x56: {  	_ =	shalt  }
0x57: {  	_ =	shalt  }
0x58: {  	_ =	shalt  }
0x59: {  	_ =	shalt  }
0x5a: {  	_ =	shalt  }
0x5b: {  	_ =	shalt  }
0x5c: {  	_ =	shalt  }
0x5d: {  	_ =	shalt  }
0x5e: {  	_ =	shalt  }
0x5f: {  	_ =	shalt  }
0x60: {  	_ =	shalt  }
0x61: {  	_ =	shalt  }
0x62: {  	_ =	shalt  }
0x63: {  	_ =	shalt  }
0x64: {  	_ =	shalt  }
0x65: {  	_ =	shalt  }
0x66: {  	_ =	shalt  }
0x67: {  	_ =	shalt  }
0x68: {  	_ =	shalt  }
0x69: {  	_ =	shalt  }
0x6a: {  	_ =	shalt  }
0x6b: {  	_ =	shalt  }
0x6c: {  	_ =	shalt  }
0x6d: {  	_ =	shalt  }
0x6e: {  	_ =	shalt  }
0x6f: {  	_ =	shalt  }
0x70: {  	_ =	shalt  }
0x71: {  	_ =	shalt  }
0x72: {  	_ =	shalt  }
0x73: {  	_ =	shalt  }
0x74: {  	_ =	shalt  }
0x75: {  	_ =	shalt  }
0x76: {  	_ =	shalt  }
0x77: {  	_ =	shalt  }
0x78: {  	_ =	shalt  }
0x79: {  	_ =	shalt  }
0x7a: {  	_ =	shalt  }
0x7b: {  	_ =	shalt  }
0x7c: {  	_ =	shalt  }
0x7d: {  	_ =	shalt  }
0x7e: {  	_ =	shalt  }
0x7f: {  	_ =	shalt  }
0x80: {  	_ =	shalt  }
0x81: {  	_ =	shalt  }
0x82: {  	_ =	shalt  }
0x83: {  	_ =	shalt  }
0x84: {  	_ =	shalt  }
0x85: {  	_ =	shalt  }
0x86: {  	_ =	shalt  }
0x87: {  	_ =	shalt  }
.Lfunc_end0:
.L_simem_size_0:
called_computation_lowered:
.L_overlay_start_0:
0x88: {  	s2 =	sld [smem:$0x3FD9]  }
0x89: {  	s3 =	sld [smem:$0x3FFE];
	_ =	sdelay $0x1  }
0x8a: {  	s1 =	srdreg.scid  }
0x8b: {  	s0 =	sand.u32 $0x1, s1  }
0x8c: {  	s17 =	sshll.u32 s0, $0xA;
	s2 =	sadd.s32 s3, s2  }
0x8d: {  	s2 =	sadd.s32 s2, s17  }
0x8e: {  	[smem:$0x3FC5] =	sst s2  }
0x8f: {  	_ = 	snop  }
0x90: {  	s2 =	sld [smem:$0x3FC9]  }
0x91: {  	s18 =	sld [smem:$0x3FC7]  }
0x92: {  	s4 =	sld [smem:$0x3FD0];
	(tm) =	ssettm $0x1  }
0x93: {  	s5 =	sld [smem:$0x3FFB];
	_ =	sdelay $0x3  }
0x94: {  	_ =	strace s5  }
0x95: {  	s5 =	sld [smem:$0x3FFC];
	_ =	sdelay $0x3  }
0x96: {  	_ =	strace s5  }
0x97: {  	s5 =	sld [smem:$0x3FFD];
	_ =	sdelay $0x3  }
0x98: {  	_ =	strace s5  }
0x99: {  	_ =	strace $0x8FFFFFFF  }
0x9a: {  	s19 =	sld [smem:$0x3FDB];
	_ =	sdelay $0x1  }
0x9b: {  	s6 =	simm.s32 $_scs_section_size  }
0x9c: {  	s7 =	simm.s32 $_size__tile_overlayer_lowered;
	s8 =	simm.s32 $_tile_overlayer_lowered  }
0x9d: {  	s22 =	simm.s32 $0x1BFF;
	s21 =	sshll.u32 s8, $0x1;
	s5 =	sadd.s32 s6, s19  }
0x9e: {  	s9 =	simm.s32 $0x0;
	s20 =	sshll.u32 s7, $0x1;
	s7 =	sadd.s32 s21, s5  }
0x9f: {  	[timem:s9], [sflag:s22] =	dma.local [hbm:s7], s20  }
0xa0: {  	_ =	swait.ge [sflag:s22], s20  }
0xa1: {  	s6 =	ssub.s32 $0x0, s20;
	[sflag:s22] =	ssyncset.done $0x0  }
0xa2: {  	[sflag:s22] =	ssyncadd.s32 s6;
	_ =	sdelay $0x1  }
0xa3: {  	s23 =	simm.s32 $0x1B8B  }
0xa4: {  	_ =	swait.ge [sflag:s23], $0x1  }
0xa5: {  	[sflag:s23] =	ssyncset.done $0x0  }
0xa6: {  	s25 =	simm.s32 $0x1B8E;
	s24 =	sld [smem:$0x3FFE];
	[sflag:s23] =	ssyncadd.s32 $0xFFFFFFFF  }
0xa7: {  	s26 =	simm.s32 $execute0_lowered;
	[smem:$0x3FD2] =	sst s25  }
0xa8: {  	s7 =	sshll.u32 s26, $0x1;
	_ =	strace $0x80000046;
	[dreg:$0x1] =	wrdreg $0xFFFFFFFF  }
0xa9: {  	s28 =	simm.s32 $_size_execute0_lowered;
	s5 =	sadd.s32 s5, s7;
	[dreg:$0x0] =	wrdreg $0x0  }
0xaa: {  	s7 =	sshll.u32 s28, $0x1;
	[dreg:$0x2] =	wrdreg s5  }
0xab: {  	[dreg:$0x3] =	wrdreg s7  }
0xac: {  	[dreg:$0x4] =	wrdreg $0xC0  }
0xad: {  	_ =	task [dreg:s9], $0x5FFFF  }
0xae: {  	[dreg:$0x1] =	wrdreg $0xFFFFFFFF  }
0xaf: {  	[dreg:$0x0] =	wrdreg $0x60  }
0xb0: {  	[dreg:$0x2] =	wrdreg s2  }
0xb1: {  	[dreg:$0x3] =	wrdreg s18  }
0xb2: {  	[dreg:$0x4] =	wrdreg s4  }
0xb3: {  	[dreg:$0x5] =	wrdreg s24  }
0xb4: {  	[dreg:$0x6] =	wrdreg $0x9  }
0xb5: {  	_ =	task.clear_ibuf [dreg:s9], $0x7FFFF;
	_ =	strace $0x90000046  }
0xb6: {  	s29 =	simm.s32 $0x9;
	_ =	strace $0x80000048  }
0xb7: {  	_ =	swait.ge [sflag:s29], $0x1  }
0xb8: {  	[sflag:s29] =	ssyncadd.s32 $0xFFFFFFFF  }
0xb9: {  	_ =	strace $0x90000048  }
0xba: {  	_ =	sfence  }
0xbb: {  	s30 =	sld [smem:$0x0];
	_ =	sdelay $0x2  }
0xbc: {  	s31 =	sshll.u32 s1, $0xD;
	s1 =	sshrl.u32 s1, $0x2  }
0xbd: {  	s3 =	sand.u32 $0x4000, s31;
	s1 =	sadd.s32 s1, s30  }
0xbe: {  	s0 =	sor.u32 s3, s0;
	s1 =	sshll.u32 s1, $0x11  }
0xbf: {  	s0 =	sor.u32 s1, s0  }
0xc0: {  	s0 =	sadd.s32 $0x8F2B, s0  }
0xc1: {  	[sflag:s0] =	ssyncadd.remote.s32 $0x1  }
0xc2: {  	_ =	sfence.sel $0xFFFF  }
0xc3: {  	[dreg:$0x0] =	wrdreg $0xFFFFFFFF;
	(pc) =	sbr.abs _section_cstart, $3  }
0xc4: {  	[dreg:$0x1] =	wrdreg $0xFFFFFFFF  }
0xc5: {  	_ =	task.clear_ibuf [dreg:s9], $0x2FFFF;
	_ =	strace $0x9FFFFFFF  }
0xc6: {  	(tm) =	ssettm $0x7FFFFFFF  }
0xc7: {  	_ =	shalt  }
tec
execute0_lowered:
.L_overlay_start_1:
0x0: {  	(tag) =	ssettag $0x1  }
0x1: {  	s0 =	rddreg [dreg:$0x0]  }
0x2: {  	s1 =	rddreg [dreg:$0x2];
	s4 =	srdreg.scid  }
0x3: {  	s5 =	rddreg [dreg:$0x3];
	s2 =	stileid.u32;
	s11 =	simm.s32 $0x1C080  }
0x4: {  	s12 =	simm.s32 $0x0;
	s6 =	sand.u32 $0x1, s4;
	s8 =	sshll.u32 s2, $0x5  }
0x5: {  	s4 =	simm.s32 $0x0;
	s7 =	sshll.u32 s6, $0x9;
	s6 =	ssub.s32 $0x2, s6  }
0x6: {  	[smem:$0x7FF] =	sst s4;
	s7 =	sor.u32 s8, s7;
	s9 =	sshrl.u32 s6, $0x1  }
.Ltmp0:
0x7: {  	_ =	strace $0x80000047;
	s8 =	sshrl.u32 s7, $0x3;
	(pc) =	sbr.rel .LBB2_1-.Ltmp0, $4  }
0x8: {  	v3 =	vlaneseq.u32;
	s29 =	ssub.s32 s6, s9;
	s30 =	sor.u32 $0x10, s7;
	s10 =	sor.u32 $0x1, s7  }
0x9: {  	s31 =	sshll.u32 s7, $0x5;
	v0 =	vor.u32 s7, v3;
	s7 =	sor.u32 $0x11, s7;
	s9 =	simm.s32 $0x1E080  }
0xa: {  	s5 =	sadd.s32 s8, s5;
	s6 =	sadd.s32 s1, s31;
	v1 =	vor.u32 s30, v3;
	v2 =	vadd.s32 s10, v3;
	v3 =	vadd.s32 s7, v3;
	s7 =	smax.u32 s29, $0x1  }
0xb: {  	v4 =	vimm.f32 $0.0e+00;
	v5 =	vimm.s32 $0x1FFF;
	v6 =	vimm.s32 $0x0;
	s8 =	simm.s32 $0x4;
	s10 =	simm.s32 $0x5;
	s5 =	sadd.s32 $0xC00, s5  }
.LBB2_24:
0xc: {  	s12 =	sadd.s32 $0x1, s12  }
0xd: {  	p0 =	sne.s32 s12, s7  }
.Ltmp1:
0xe: {  	_ = 	snop;
	(pc) =	sbr.rel @!p0 .LBB2_25-.Ltmp1, $4  }
0xf: {  	[hbm4b:s6+s4] =	stream.linear.scatter [tilespmem:s11], [sflag:$0x5], $0x2000, $0x38;
	[tilespmem:$0x1E100] =	vst v63  }
0x10: {  	_ =	swait.ge [sflag:s10], $0x2000  }
0x11: {  	[sflag:s10] =	ssyncset.done $0x0  }
0x12: {  	[sflag:s10] =	ssyncadd.s32 $0xFFFFE000  }
.LBB2_1:
0x13: {  	s1 =	rddreg [dreg:$0x1];
	s31 =	sand.u32 $0x1800, s4;
	s13 =	sand.u32 $0x380, s4  }
0x14: {  	[tilespmem:s4], [sflag:$0x4] =	stream.linear.gather [hbm4b:s1+s4], $0x4000, $0x38;
	[tilespmem:$0x1E100] =	vst v63  }
0x15: {  	s13 =	sor.u32 s13, s31  }
0x16: {  	s1 =	sadd.s32 $0x1C080, s13;
	[tilespmem:s13+$0x1C080] =	vst v4  }
0x17: {  	[tilespmem:s1+$0x10] =	vst v4  }
0x18: {  	[tilespmem:s1+$0x20] =	vst v4  }
0x19: {  	[tilespmem:s1+$0x30] =	vst v4  }
0x1a: {  	[tilespmem:s1+$0x40] =	vst v4  }
0x1b: {  	[tilespmem:s1+$0x50] =	vst v4  }
0x1c: {  	[tilespmem:s1+$0x60] =	vst v4  }
0x1d: {  	[tilespmem:s1+$0x70] =	vst v4  }
0x1e: {  	[tilespmem:s1+$0x400] =	vst v4  }
0x1f: {  	[tilespmem:s1+$0x410] =	vst v4  }
0x20: {  	[tilespmem:s1+$0x420] =	vst v4  }
0x21: {  	[tilespmem:s1+$0x430] =	vst v4  }
0x22: {  	[tilespmem:s1+$0x440] =	vst v4  }
0x23: {  	s14 =	simm.s32 $0x100;
	s13 =	simm.s32 $0x80;
	[tilespmem:s1+$0x450] =	vst v4  }
0x24: {  	s15 =	sand.u32 $0x1800, s14;
	s14 =	simm.s32 $0x200;
	s16 =	sand.u32 $0x380, s13;
	[tilespmem:s1+$0x460] =	vst v4  }
.LBB2_2:
0x25: {  	p0 =	sne.s32 s14, $0x1F00;
	s15 =	sor.u32 s16, s15;
	[tilespmem:s1+$0x470] =	vst v4  }
0x26: {  	s1 =	sadd.s32 $0x1C080, s15;
	[tilespmem:s15+$0x1C080] =	vst v4  }
0x27: {  	[tilespmem:s1+$0x10] =	vst v4  }
0x28: {  	[tilespmem:s1+$0x20] =	vst v4  }
0x29: {  	[tilespmem:s1+$0x30] =	vst v4  }
0x2a: {  	[tilespmem:s1+$0x40] =	vst v4  }
0x2b: {  	[tilespmem:s1+$0x50] =	vst v4  }
0x2c: {  	[tilespmem:s1+$0x60] =	vst v4  }
0x2d: {  	[tilespmem:s1+$0x70] =	vst v4  }
0x2e: {  	[tilespmem:s1+$0x400] =	vst v4  }
0x2f: {  	[tilespmem:s1+$0x410] =	vst v4  }
.Ltmp2:
0x30: {  	[tilespmem:s1+$0x420] =	vst v4;
	(pc) =	sbr.rel @p0 .LBB2_2-.Ltmp2, $4  }
0x31: {  	[tilespmem:s1+$0x430] =	vst v4  }
0x32: {  	[tilespmem:s1+$0x440] =	vst v4  }
0x33: {  	s13 =	sadd.s32 $0x80, s13;
	[tilespmem:s1+$0x450] =	vst v4  }
0x34: {  	s15 =	sand.u32 $0x1800, s14;
	s16 =	sand.u32 $0x380, s13;
	s14 =	sadd.s32 $0x100, s14;
	[tilespmem:s1+$0x460] =	vst v4  }
0x35: {  	s13 =	sor.u32 s16, s15;
	[tilespmem:s1+$0x470] =	vst v4  }
0x36: {  	s22 =	sadd.s32 $0x1C080, s13;
	[tilespmem:s13+$0x1C080] =	vst v4  }
0x37: {  	[tilespmem:s22+$0x10] =	vst v4  }
0x38: {  	[tilespmem:s22+$0x20] =	vst v4  }
0x39: {  	[tilespmem:s22+$0x30] =	vst v4  }
0x3a: {  	[tilespmem:s22+$0x40] =	vst v4  }
0x3b: {  	[tilespmem:s22+$0x50] =	vst v4  }
0x3c: {  	[tilespmem:s22+$0x60] =	vst v4  }
0x3d: {  	[tilespmem:s22+$0x70] =	vst v4  }
0x3e: {  	[tilespmem:s22+$0x400] =	vst v4  }
0x3f: {  	[tilespmem:s22+$0x410] =	vst v4  }
0x40: {  	[tilespmem:s22+$0x420] =	vst v4  }
0x41: {  	[tilespmem:s22+$0x430] =	vst v4  }
0x42: {  	[tilespmem:s22+$0x440] =	vst v4  }
0x43: {  	[tilespmem:s22+$0x450] =	vst v4  }
0x44: {  	[tilespmem:s22+$0x460] =	vst v4  }
0x45: {  	[tilespmem:s22+$0x470] =	vst v4  }
0x46: {  	_ =	swait.ge [sflag:s8], $0x4000  }
0x47: {  	[sflag:s8] =	ssyncset.done $0x0  }
0x48: {  	[sflag:s8] =	ssyncadd.s32 $0xFFFFC000  }
0x49: {  	v7 =	vld.idx.msk [tilespmem:v5+s4+$0x0], $0xffff;
	_ =	sdelay $0x4  }
0x4a: {  	vm0 =	vlt.s32 v7, v0  }
0x4b: {  	vm5 =	vlt.s32 v7, v3;
	v8 =	vsel vm0, $0x2000, v6  }
0x4c: {  	v10 =	vsel vm5, $0x2000, v6;
	v9 =	vor.u32 $0xFFF, v8  }
0x4d: {  	v11 =	vor.u32 $0xFFF, v10;
	_ =	sdelay $0x3  }
0x4e: {  	v9 =	vld.idx.msk [tilespmem:v9+s4+$0x0], $0xffff  }
0x4f: {  	v11 =	vld.idx.msk [tilespmem:v11+s4+$0x0], $0xffff;
	_ =	sdelay $0x3  }
0x50: {  	v48 =	vor.u32 $0x1000, v8;
	vm6 =	vlt.s32 v9, v0  }
0x51: {  	v49 =	vor.u32 $0x1000, v10;
	vm7 =	vlt.s32 v11, v3;
	v8 =	vsel vm6, v48, v8  }
0x52: {  	v9 =	vsel vm7, v49, v10;
	v50 =	vor.u32 $0x7FF, v8  }
0x53: {  	v10 =	vor.u32 $0x7FF, v9;
	_ =	sdelay $0x1  }
0x54: {  	vm8 =	vlt.s32 v7, v1  }
0x55: {  	v12 =	vsel vm8, $0x2000, v6  }
0x56: {  	v13 =	vor.u32 $0xFFF, v12;
	v11 =	vld.idx.msk [tilespmem:v50+s4+$0x0], $0xffff  }
0x57: {  	v10 =	vld.idx.msk [tilespmem:v10+s4+$0x0], $0xffff;
	_ =	sdelay $0x3  }
0x58: {  	v13 =	vld.idx.msk [tilespmem:v13+s4+$0x0], $0xffff;
	v51 =	vor.u32 $0x800, v8;
	vm9 =	vlt.s32 v11, v0  }
0x59: {  	v52 =	vor.u32 $0x800, v9;
	vm10 =	vlt.s32 v10, v3;
	v8 =	vsel vm9, v51, v8  }
0x5a: {  	v9 =	vsel vm10, v52, v9;
	v11 =	vor.u32 $0x3FF, v8  }
0x5b: {  	v10 =	vor.u32 $0x3FF, v9;
	_ =	sdelay $0x1  }
0x5c: {  	v54 =	vor.u32 $0x1000, v12;
	vm12 =	vlt.s32 v13, v1  }
0x5d: {  	vm11 =	vlt.s32 v7, v2;
	v12 =	vsel vm12, v54, v12  }
0x5e: {  	v53 =	vsel vm11, $0x2000, v6;
	v13 =	vor.u32 $0x7FF, v12;
	v7 =	vld.idx.msk [tilespmem:v11+s4+$0x0], $0xffff  }
0x5f: {  	v14 =	vor.u32 $0xFFF, v53;
	v10 =	vld.idx.msk [tilespmem:v10+s4+$0x0], $0xffff;
	_ =	sdelay $0x3  }
0x60: {  	v13 =	vld.idx.msk [tilespmem:v13+s4+$0x0], $0xffff;
	vm13 =	vlt.s32 v7, v0;
	v7 =	vor.u32 $0x400, v8  }
0x61: {  	v55 =	vor.u32 $0x400, v9;
	vm14 =	vlt.s32 v10, v3;
	v7 =	vsel vm13, v7, v8;
	v8 =	vld.idx.msk [tilespmem:v14+s4+$0x0], $0xffff  }
0x62: {  	v9 =	vsel vm14, v55, v9;
	v56 =	vadd.s32 $0x1FF, v7  }
0x63: {  	v10 =	vadd.s32 $0x1FF, v9;
	_ =	sdelay $0x1  }
0x64: {  	v57 =	vor.u32 $0x800, v12;
	vm4 =	vlt.s32 v13, v1  }
0x65: {  	v12 =	vsel vm4, v57, v12;
	vm15 =	vlt.s32 v8, v2;
	v8 =	vor.u32 $0x1000, v53  }
0x66: {  	v13 =	vor.u32 $0x3FF, v12;
	v14 =	vld.idx.msk [tilespmem:v56+s4+$0x0], $0xffff;
	v8 =	vsel vm15, v8, v53  }
0x67: {  	v10 =	vld.idx.msk [tilespmem:v10+s4+$0x0], $0xffff;
	v11 =	vor.u32 $0x7FF, v8;
	_ =	sdelay $0x3  }
0x68: {  	v13 =	vld.idx.msk [tilespmem:v13+s4+$0x0], $0xffff;
	v58 =	vadd.s32 $0x200, v7;
	vm5 =	vlt.s32 v14, v0  }
0x69: {  	v59 =	vadd.s32 $0x200, v9;
	vm6 =	vlt.s32 v10, v3;
	v7 =	vsel vm5, v58, v7;
	v11 =	vld.idx.msk [tilespmem:v11+s4+$0x0], $0xffff  }
0x6a: {  	v9 =	vsel vm6, v59, v9;
	v14 =	vadd.s32 $0xFF, v7  }
0x6b: {  	v10 =	vadd.s32 $0xFF, v9;
	_ =	sdelay $0x1  }
0x6c: {  	v61 =	vor.u32 $0x400, v12;
	vm8 =	vlt.s32 v13, v1  }
0x6d: {  	v12 =	vsel vm8, v61, v12;
	v60 =	vor.u32 $0x800, v8;
	vm7 =	vlt.s32 v11, v2  }
0x6e: {  	v13 =	vadd.s32 $0x1FF, v12;
	v14 =	vld.idx.msk [tilespmem:v14+s4+$0x0], $0xffff;
	v8 =	vsel vm7, v60, v8  }
0x6f: {  	v10 =	vld.idx.msk [tilespmem:v10+s4+$0x0], $0xffff;
	v11 =	vor.u32 $0x3FF, v8;
	_ =	sdelay $0x3  }
0x70: {  	v13 =	vld.idx.msk [tilespmem:v13+s4+$0x0], $0xffff;
	v62 =	vadd.s32 $0x100, v7;
	vm9 =	vlt.s32 v14, v0  }
0x71: {  	v63 =	vadd.s32 $0x100, v9;
	vm10 =	vlt.s32 v10, v3;
	v7 =	vsel vm9, v62, v7;
	v11 =	vld.idx.msk [tilespmem:v11+s4+$0x0], $0xffff  }
0x72: {  	v9 =	vsel vm10, v63, v9;
	v14 =	vadd.s32 $0x7F, v7  }
0x73: {  	v10 =	vadd.s32 $0x7F, v9;
	_ =	sdelay $0x1  }
0x74: {  	v17 =	vadd.s32 $0x200, v12;
	vm12 =	vlt.s32 v13, v1  }
0x75: {  	v12 =	vsel vm12, v17, v12;
	v16 =	vor.u32 $0x400, v8;
	vm11 =	vlt.s32 v11, v2  }
0x76: {  	v13 =	vadd.s32 $0xFF, v12;
	v14 =	vld.idx.msk [tilespmem:v14+s4+$0x0], $0xffff;
	v8 =	vsel vm11, v16, v8  }
0x77: {  	v10 =	vld.idx.msk [tilespmem:v10+s4+$0x0], $0xffff;
	v11 =	vadd.s32 $0x1FF, v8;
	_ =	sdelay $0x3  }
0x78: {  	v13 =	vld.idx.msk [tilespmem:v13+s4+$0x0], $0xffff;
	v18 =	vadd.s32 $0x80, v7;
	vm13 =	vlt.s32 v14, v0  }
0x79: {  	v19 =	vadd.s32 $0x80, v9;
	vm14 =	vlt.s32 v10, v3;
	v7 =	vsel vm13, v18, v7;
	v11 =	vld.idx.msk [tilespmem:v11+s4+$0x0], $0xffff  }
0x7a: {  	v9 =	vsel vm14, v19, v9;
	v14 =	vadd.s32 $0x3F, v7  }
0x7b: {  	v10 =	vadd.s32 $0x3F, v9;
	_ =	sdelay $0x1  }
0x7c: {  	v21 =	vadd.s32 $0x100, v12;
	vm4 =	vlt.s32 v13, v1  }
0x7d: {  	v12 =	vsel vm4, v21, v12;
	v20 =	vadd.s32 $0x200, v8;
	vm15 =	vlt.s32 v11, v2  }
0x7e: {  	v13 =	vadd.s32 $0x7F, v12;
	v14 =	vld.idx.msk [tilespmem:v14+s4+$0x0], $0xffff;
	v8 =	vsel vm15, v20, v8  }
0x7f: {  	v10 =	vld.idx.msk [tilespmem:v10+s4+$0x0], $0xffff;
	v11 =	vadd.s32 $0xFF, v8;
	_ =	sdelay $0x3  }
0x80: {  	v13 =	vld.idx.msk [tilespmem:v13+s4+$0x0], $0xffff;
	v22 =	vadd.s32 $0x40, v7;
	vm5 =	vlt.s32 v14, v0  }
0x81: {  	v23 =	vadd.s32 $0x40, v9;
	vm6 =	vlt.s32 v10, v3;
	v7 =	vsel vm5, v22, v7;
	v11 =	vld.idx.msk [tilespmem:v11+s4+$0x0], $0xffff  }
0x82: {  	v9 =	vsel vm6, v23, v9;
	v14 =	vadd.s32 $0x1F, v7  }
0x83: {  	v10 =	vadd.s32 $0x1F, v9;
	_ =	sdelay $0x1  }
0x84: {  	v25 =	vadd.s32 $0x80, v12;
	vm8 =	vlt.s32 v13, v1  }
0x85: {  	v12 =	vsel vm8, v25, v12;
	v24 =	vadd.s32 $0x100, v8;
	vm7 =	vlt.s32 v11, v2  }
0x86: {  	v13 =	vadd.s32 $0x3F, v12;
	v14 =	vld.idx.msk [tilespmem:v14+s4+$0x0], $0xffff;
	v8 =	vsel vm7, v24, v8  }
0x87: {  	v10 =	vld.idx.msk [tilespmem:v10+s4+$0x0], $0xffff;
	v11 =	vadd.s32 $0x7F, v8;
	_ =	sdelay $0x3  }
0x88: {  	v13 =	vld.idx.msk [tilespmem:v13+s4+$0x0], $0xffff;
	v26 =	vadd.s32 $0x20, v7;
	vm9 =	vlt.s32 v14, v0  }
0x89: {  	v27 =	vadd.s32 $0x20, v9;
	vm10 =	vlt.s32 v10, v3;
	v7 =	vsel vm9, v26, v7;
	v11 =	vld.idx.msk [tilespmem:v11+s4+$0x0], $0xffff  }
0x8a: {  	v9 =	vsel vm10, v27, v9;
	v14 =	vadd.s32 $0xF, v7  }
0x8b: {  	v10 =	vadd.s32 $0xF, v9;
	_ =	sdelay $0x1  }
0x8c: {  	v29 =	vadd.s32 $0x40, v12;
	vm12 =	vlt.s32 v13, v1  }
0x8d: {  	v12 =	vsel vm12, v29, v12;
	v28 =	vadd.s32 $0x80, v8;
	vm11 =	vlt.s32 v11, v2  }
0x8e: {  	v13 =	vadd.s32 $0x1F, v12;
	v14 =	vld.idx.msk [tilespmem:v14+s4+$0x0], $0xffff;
	v8 =	vsel vm11, v28, v8  }
0x8f: {  	v10 =	vld.idx.msk [tilespmem:v10+s4+$0x0], $0xffff;
	v11 =	vadd.s32 $0x3F, v8;
	_ =	sdelay $0x3  }
0x90: {  	v13 =	vld.idx.msk [tilespmem:v13+s4+$0x0], $0xffff;
	v30 =	vadd.s32 $0x10, v7;
	vm13 =	vlt.s32 v14, v0  }
0x91: {  	v31 =	vadd.s32 $0x10, v9;
	vm14 =	vlt.s32 v10, v3;
	v7 =	vsel vm13, v30, v7;
	v11 =	vld.idx.msk [tilespmem:v11+s4+$0x0], $0xffff  }
0x92: {  	v9 =	vsel vm14, v31, v9;
	v14 =	vadd.s32 $0x7, v7  }
0x93: {  	v10 =	vadd.s32 $0x7, v9;
	_ =	sdelay $0x1  }
0x94: {  	v33 =	vadd.s32 $0x20, v12;
	vm4 =	vlt.s32 v13, v1  }
0x95: {  	v12 =	vsel vm4, v33, v12;
	v32 =	vadd.s32 $0x40, v8;
	vm15 =	vlt.s32 v11, v2  }
0x96: {  	v13 =	vadd.s32 $0xF, v12;
	v14 =	vld.idx.msk [tilespmem:v14+s4+$0x0], $0xffff;
	v8 =	vsel vm15, v32, v8  }
0x97: {  	v10 =	vld.idx.msk [tilespmem:v10+s4+$0x0], $0xffff;
	v11 =	vadd.s32 $0x1F, v8;
	_ =	sdelay $0x3  }
0x98: {  	v13 =	vld.idx.msk [tilespmem:v13+s4+$0x0], $0xffff;
	v34 =	vadd.s32 $0x8, v7;
	vm5 =	vlt.s32 v14, v0  }
0x99: {  	v35 =	vadd.s32 $0x8, v9;
	vm6 =	vlt.s32 v10, v3;
	v7 =	vsel vm5, v34, v7;
	v11 =	vld.idx.msk [tilespmem:v11+s4+$0x0], $0xffff  }
0x9a: {  	v9 =	vsel vm6, v35, v9;
	v14 =	vadd.s32 $0x3, v7  }
0x9b: {  	v10 =	vadd.s32 $0x3, v9;
	_ =	sdelay $0x1  }
0x9c: {  	v37 =	vadd.s32 $0x10, v12;
	vm8 =	vlt.s32 v13, v1  }
0x9d: {  	v12 =	vsel vm8, v37, v12;
	v36 =	vadd.s32 $0x20, v8;
	vm7 =	vlt.s32 v11, v2  }
0x9e: {  	v13 =	vadd.s32 $0x7, v12;
	v14 =	vld.idx.msk [tilespmem:v14+s4+$0x0], $0xffff;
	v8 =	vsel vm7, v36, v8  }
0x9f: {  	v10 =	vld.idx.msk [tilespmem:v10+s4+$0x0], $0xffff;
	v11 =	vadd.s32 $0xF, v8;
	_ =	sdelay $0x3  }
0xa0: {  	v13 =	vld.idx.msk [tilespmem:v13+s4+$0x0], $0xffff;
	v38 =	vadd.s32 $0x4, v7;
	vm9 =	vlt.s32 v14, v0  }
0xa1: {  	v39 =	vadd.s32 $0x4, v9;
	vm10 =	vlt.s32 v10, v3;
	v7 =	vsel vm9, v38, v7;
	v11 =	vld.idx.msk [tilespmem:v11+s4+$0x0], $0xffff  }
0xa2: {  	v9 =	vsel vm10, v39, v9;
	v14 =	vadd.s32 $0x1, v7  }
0xa3: {  	v10 =	vadd.s32 $0x1, v9;
	_ =	sdelay $0x1  }
0xa4: {  	v41 =	vadd.s32 $0x8, v12;
	vm12 =	vlt.s32 v13, v1  }
0xa5: {  	v12 =	vsel vm12, v41, v12;
	v40 =	vadd.s32 $0x10, v8;
	vm11 =	vlt.s32 v11, v2  }
0xa6: {  	v13 =	vadd.s32 $0x3, v12;
	v14 =	vld.idx.msk [tilespmem:v14+s4+$0x0], $0xffff;
	v8 =	vsel vm11, v40, v8  }
0xa7: {  	v10 =	vld.idx.msk [tilespmem:v10+s4+$0x0], $0xffff;
	v11 =	vadd.s32 $0x7, v8;
	_ =	sdelay $0x3  }
0xa8: {  	v44 =	vld.idx.msk [tilespmem:v13+s4+$0x0], $0xffff;
	v42 =	vadd.s32 $0x2, v7;
	vm13 =	vlt.s32 v14, v0  }
0xa9: {  	v43 =	vadd.s32 $0x2, v9;
	vm14 =	vlt.s32 v10, v3;
	v7 =	vsel vm13, v42, v7;
	v11 =	vld.idx.msk [tilespmem:v11+s4+$0x0], $0xffff  }
0xaa: {  	v9 =	vsel vm14, v43, v9;
	_ =	sdelay $0x2  }
0xab: {  	v49 =	vadd.s32 $0x4, v12;
	vm4 =	vlt.s32 v44, v1  }
0xac: {  	v46 =	vadd.s32 $0x8, v8;
	v10 =	vsel vm4, v49, v12;
	v45 =	vld.idx.msk [tilespmem:v7+s4+$0x0], $0xffff;
	vm15 =	vlt.s32 v11, v2  }
0xad: {  	v12 =	vadd.s32 $0x1, v10;
	v47 =	vld.idx.msk [tilespmem:v9+s4+$0x0], $0xffff;
	v8 =	vsel vm15, v46, v8  }
0xae: {  	v48 =	vadd.s32 $0x3, v8;
	_ =	sdelay $0x2  }
0xaf: {  	vm5 =	vlt.s32 v45, v0  }
0xb0: {  	v12 =	vld.idx.msk [tilespmem:v12+s4+$0x0], $0xffff;
	vm6 =	vlt.s32 v47, v3;
	v13 =	vsel vm5, $0x1, v6  }
0xb1: {  	v51 =	vsel vm6, $0x1, v6;
	v7 =	vadd.s32 v13, v7;
	v50 =	vld.idx.msk [tilespmem:v48+s4+$0x0], $0xffff  }
0xb2: {  	v9 =	vadd.s32 v51, v9;
	_ =	sdelay $0x2  }
0xb3: {  	v55 =	vadd.s32 $0x2, v10  }
0xb4: {  	v53 =	vadd.s32 $0x4, v8;
	vm8 =	vlt.s32 v12, v1;
	v52 =	vld.idx.msk [tilespmem:v7+s4+$0x0], $0xffff;
	vm7 =	vlt.s32 v50, v2  }
0xb5: {  	v10 =	vsel vm8, v55, v10;
	v11 =	vsel vm7, v53, v8;
	v8 =	vld.idx.msk [tilespmem:v9+s4+$0x0], $0xffff;
	_ =	sdelay $0x1  }
0xb6: {  	v54 =	vadd.s32 $0x1, v11;
	_ =	sdelay $0x1  }
0xb7: {  	vm9 =	vlt.s32 v52, v0  }
0xb8: {  	v58 =	vld.idx.msk [tilespmem:v10+s4+$0x0], $0xffff;
	v56 =	vsel vm9, $0x1, v6;
	vm10 =	vlt.s32 v8, v3  }
0xb9: {  	v8 =	vadd.s32 v56, v7;
	v7 =	vsel vm10, $0x1, v6  }
0xba: {  	v57 =	vld.idx.msk [tilespmem:v54+s4+$0x0], $0xffff;
	v7 =	vadd.s32 v7, v9;
	(v2sf) =	vpush v8, $0x0  }
0xbb: {  	(v2sf) =	vpush v7, $0xF;
	_ =	sdelay $0x1  }
0xbc: {  	vm12 =	vlt.s32 v58, v1  }
0xbd: {  	v9 =	vsel vm12, $0x1, v6  }
0xbe: {  	v59 =	vadd.s32 $0x2, v11;
	v9 =	vadd.s32 v9, v10;
	vm11 =	vlt.s32 v57, v2  }
0xbf: {  	v11 =	vsel vm11, v59, v11;
	_ =	sdelay $0x3  }
0xc0: {  	v61 =	vld.idx.msk [tilespmem:v9+s4+$0x0], $0xffff  }
0xc1: {  	v60 =	vld.idx.msk [tilespmem:v11+s4+$0x0], $0xffff;
	_ =	sdelay $0x3  }
0xc2: {  	vm14 =	vlt.s32 v61, v1;
	s1 =	spop (v2sf)  }
0xc3: {  	v62 =	vsel vm14, $0x1, v6;
	vm13 =	vlt.s32 v60, v2;
	s15 =	spop (v2sf)  }
0xc4: {  	v9 =	vadd.s32 v62, v9;
	v10 =	vsel vm13, $0x1, v6;
	s14 =	sadd.s32 $0x7F, s15  }
0xc5: {  	(v2sf) =	vpush v9, $0x0;
	s13 =	sshrl.u32 s1, $0x7;
	v10 =	vadd.s32 v10, v11;
	s14 =	sshrl.u32 s14, $0x7  }
0xc6: {  	(v2sf) =	vpush v8, $0x1;
	p0 =	sle.u32 s14, s13  }
0xc7: {  	(v2sf) =	vpush v9, $0x1;
	s16 =	sshll.u32 @!p0 s1, $0x5  }
0xc8: {  	s16 =	sand.u32 @!p0 $0x1FFFF000, s16  }
0xc9: {  	(v2sf) =	vpush v8, $0x2;
	s17 =	simm.s32 @!p0 $0x0;
	s18 =	simm.s32 @!p0 $0x4080;
	s16 =	sadd.s32 @!p0 s0, s16  }
0xca: {  	(v2sf) =	vpush v9, $0x2;
	v63 =	vld.idx.msk [tilespmem:v10+s4+$0x0], $0xffff;
	[tilespmem:s18], [sflag:$0x1] =	stream.linear.gather @!p0 [hbm4b:s16+s17], $0x8000, $0x38  }
0xcb: {  	(v2sf) =	vpush v8, $0x3;
	s16 =	sadd.s32 $0x1, s13  }
0xcc: {  	(v2sf) =	vpush v9, $0x3;
	p0 =	sge.u32 s16, s14  }
0xcd: {  	(v2sf) =	vpush v8, $0x4;
	s16 =	sshll.u32 @!p0 s16, $0xC  }
0xce: {  	(v2sf) =	vpush v9, $0x4;
	s16 =	sand.u32 @!p0 $0x1FFFF000, s16  }
0xcf: {  	(v2sf) =	vpush v8, $0x5;
	s17 =	simm.s32 @!p0 $0x0;
	s18 =	simm.s32 @!p0 $0xC080;
	s16 =	sadd.s32 @!p0 s0, s16  }
0xd0: {  	(v2sf) =	vpush v9, $0x5;
	[tilespmem:s18], [sflag:$0x2] =	stream.linear.gather @!p0 [hbm4b:s16+s17], $0x8000, $0x38;
	[tilespmem:$0x1E100] =	vst v63  }
0xd1: {  	(v2sf) =	vpush v8, $0x6;
	s16 =	sadd.s32 $0x2, s13  }
0xd2: {  	(v2sf) =	vpush v9, $0x6;
	p0 =	sge.u32 s16, s14  }
0xd3: {  	[smem:$0x0] =	sst s1;
	(v2sf) =	vpush v8, $0x7;
	s16 =	sshll.u32 @!p0 s16, $0xC  }
0xd4: {  	(v2sf) =	vpush v9, $0x7;
	s17 =	simm.s32 @!p0 $0x0;
	s18 =	simm.s32 @!p0 $0x14080;
	s23 =	spop (v2sf)  }
0xd5: {  	(v2sf) =	vpush v8, $0x8;
	s16 =	sand.u32 @!p0 $0x1FFFF000, s16;
	s24 =	spop (v2sf);
	[smem:$0x10] =	sst s23  }
0xd6: {  	(v2sf) =	vpush v9, $0x8;
	s16 =	sadd.s32 @!p0 s0, s16;
	s25 =	spop (v2sf);
	[smem:$0x1] =	sst s24  }
0xd7: {  	(v2sf) =	vpush v8, $0x9;
	[tilespmem:s18], [sflag:$0x3] =	stream.linear.gather @!p0 [hbm4b:s16+s17], $0x8000, $0x38;
	[tilespmem:$0x1E100] =	vst v63  }
0xd8: {  	s26 =	spop (v2sf);
	(v2sf) =	vpush v9, $0x9;
	[smem:$0x11] =	sst s25  }
0xd9: {  	s28 =	spop (v2sf);
	(v2sf) =	vpush v8, $0xA;
	[smem:$0x2] =	sst s26  }
0xda: {  	s29 =	spop (v2sf);
	(v2sf) =	vpush v9, $0xA;
	[smem:$0x12] =	sst s28  }
0xdb: {  	s30 =	spop (v2sf);
	[smem:$0x3] =	sst s29  }
0xdc: {  	(v2sf) =	vpush v8, $0xB;
	s31 =	spop (v2sf);
	[smem:$0x13] =	sst s30  }
0xdd: {  	(v2sf) =	vpush v9, $0xB;
	s2 =	spop (v2sf);
	[smem:$0x4] =	sst s31  }
0xde: {  	(v2sf) =	vpush v8, $0xC;
	s3 =	spop (v2sf);
	[smem:$0x14] =	sst s2  }
0xdf: {  	(v2sf) =	vpush v9, $0xC;
	s18 =	spop (v2sf);
	[smem:$0x5] =	sst s3  }
0xe0: {  	(v2sf) =	vpush v8, $0xD;
	s19 =	spop (v2sf);
	[smem:$0x15] =	sst s18  }
0xe1: {  	(v2sf) =	vpush v9, $0xD;
	s20 =	spop (v2sf);
	[smem:$0x6] =	sst s19  }
0xe2: {  	s2 =	ssub.s32 s14, s13;
	(v2sf) =	vpush v8, $0xE;
	s21 =	spop (v2sf);
	[smem:$0x16] =	sst s20  }
0xe3: {  	vm15 =	vlt.s32 v63, v2;
	(v2sf) =	vpush v9, $0xE;
	s20 =	sadd.s32 $0x2, s2;
	s22 =	spop (v2sf);
	[smem:$0x7] =	sst s21  }
0xe4: {  	v11 =	vsel vm15, $0x1, v6;
	s21 =	smulhi.u32 $0x55555556, s20;
	s23 =	spop (v2sf);
	(v2sf) =	vpush v8, $0xF  }
0xe5: {  	v7 =	vsub.s32 v7, v9;
	s16 =	sshra.s32 s20, $0x1F;
	[smem:$0x17] =	sst s22;
	v8 =	vsub.s32 v11, v8;
	s24 =	spop (v2sf);
	(v2sf) =	vpush v9, $0xF  }
0xe6: {  	v7 =	vcvt.s32.f32 v7;
	s16 =	smul.u32 $0x55555556, s16;
	v8 =	vadd.s32 v10, v8;
	s25 =	spop (v2sf)  }
0xe7: {  	[smem:$0x8] =	sst s23;
	v8 =	vcvt.s32.f32 v8;
	s26 =	spop (v2sf)  }
0xe8: {  	[tilespmem:$0x1E090] =	vst v7;
	[smem:$0x18] =	sst s24;
	s28 =	spop (v2sf)  }
0xe9: {  	s1 =	sadd.s32 s16, s21;
	[smem:$0x9] =	sst s25;
	[tilespmem:$0x1E080] =	vst v8;
	s29 =	spop (v2sf)  }
0xea: {  	[hbm4b:s5+s4] =	stream.linear.scatter [tilespmem:s9], [sflag:$0x5], $0x20, $0x38;
	[tilespmem:$0x1E100] =	vst v63  }
0xeb: {  	s25 =	sshrl.u32 s1, $0x1F;
	[smem:$0x19] =	sst s26;
	s30 =	spop (v2sf)  }
0xec: {  	s1 =	sadd.s32 s25, s1;
	[smem:$0xA] =	sst s28;
	s31 =	spop (v2sf)  }
0xed: {  	s28 =	smul.u32 $0xFFFFFFFD, s1;
	s3 =	spop (v2sf)  }
0xee: {  	[smem:$0x1A] =	sst s29;
	s19 =	spop (v2sf)  }
0xef: {  	p6 =	slt.s32 s2, $0xFFFFFFFF;
	[smem:$0xB] =	sst s30;
	s22 =	spop (v2sf)  }
0xf0: {  	s16 =	simm.s32 $0x1;
	[smem:$0x1B] =	sst s31;
	s23 =	spop (v2sf)  }
0xf1: {  	s29 =	ssub.s32 $0xFFFFFFFE, s2;
	[smem:$0xC] =	sst s3;
	s24 =	spop (v2sf)  }
0xf2: {  	p1 =	sne.s32 s28, s29;
	[smem:$0x1C] =	sst s19;
	s26 =	spop (v2sf)  }
0xf3: {  	p0 =	por !p6, !p1;
	[smem:$0x1D] =	sst s23;
	s30 =	spop (v2sf)  }
0xf4: {  	p0 =	por !p0, !p0;
	[smem:$0x1E] =	sst s26;
	s31 =	spop (v2sf)  }
0xf5: {  	s16 =	simm.s32 @!p0 $0x0;
	[smem:$0x1F] =	sst s31  }
0xf6: {  	[smem:$0x20] =	sst s15;
	s15 =	ssub.s32 s1, s16  }
0xf7: {  	[smem:$0xD] =	sst s22;
	p0 =	slt.s32 s15, $0x1  }
.Ltmp3:
0xf8: {  	[smem:$0xE] =	sst s24;
	(pc) =	sbr.rel @p0 .LBB2_24-.Ltmp3, $4  }
0xf9: {  	[smem:$0xF] =	sst s30  }
0xfa: {  	_ =	swait.ge [sflag:s10], $0x20  }
0xfb: {  	[sflag:s10] =	ssyncset.done $0x0  }
0xfc: {  	[sflag:s10] =	ssyncadd.s32 $0xFFFFFFE0  }
.Ltmp4:
0xfd: {  	(pc) =	sbr.rel .LBB2_5-.Ltmp4, $4  }
0xfe: {  	_ = 	snop  }
0xff: {  	s16 =	sshll.u32 s13, $0x7  }
0x100: {  	s22 =	simm.s32 $0x0;
	s17 =	ssub.s32 $0x0, s16;
	s18 =	sadd.s32 $0x80, s16  }
0x101: {  	s19 =	sxor.u32 $0xFFFFFF80, s16;
	s20 =	sadd.s32 $0x100, s16;
	s21 =	ssub.s32 $0xFFFFFF00, s16  }
.LBB2_23:
0x102: {  	s1 =	sadd.s32 $0x5, s23  }
0x103: {  	p0 =	sge.u32 s1, s14  }
0x104: {  	s1 =	sshll.u32 @!p0 s1, $0xC  }
0x105: {  	s22 =	sadd.s32 $0x1, s22;
	s1 =	sand.u32 @!p0 $0x1FFFF000, s1  }
0x106: {  	s2 =	simm.s32 @!p0 $0x0;
	s3 =	simm.s32 @!p0 $0x14080;
	s1 =	sadd.s32 @!p0 s0, s1  }
0x107: {  	[tilespmem:s3], [sflag:$0x3] =	stream.linear.gather @!p0 [hbm4b:s1+s2], $0x8000, $0x38;
	[tilespmem:$0x1E100] =	vst v63  }
0x108: {  	p0 =	sne.s32 s22, s15  }
.Ltmp5:
0x109: {  	_ = 	snop;
	(pc) =	sbr.rel @!p0 .LBB2_24-.Ltmp5, $3  }
0x10a: {  	_ =	sdelay $0x1  }
0x10b: {  	s16 =	sadd.s32 $0x180, s16;
	s17 =	sadd.s32 $0xFFFFFE80, s17;
	s18 =	sadd.s32 $0x180, s18  }
0x10c: {  	s19 =	sadd.s32 $0xFFFFFE80, s19;
	s20 =	sadd.s32 $0x180, s20;
	s21 =	sadd.s32 $0xFFFFFE80, s21  }
.LBB2_5:
0x10d: {  	s1 =	smul.u32 $0x3, s22;
	_ =	sdelay $0x1  }
0x10e: {  	s23 =	sadd.s32 s13, s1  }
.Ltmp6:
0x10f: {  	p0 =	sge.u32 s23, s14;
	(pc) =	sbr.rel .LBB2_6-.Ltmp6, $4  }
0x110: {  	s1 =	simm.s32 @!p0 $0x1  }
0x111: {  	_ =	swait.ge @!p0 [sflag:s1], $0x8000  }
0x112: {  	s24 =	sshll.u32 s23, $0x7;
	[sflag:s1] =	ssyncset.done @!p0 $0x0  }
0x113: {  	s26 =	simm.s32 $0x0;
	s25 =	sadd.s32 $0x80, s24;
	[sflag:s1] =	ssyncadd.s32 @!p0 $0xFFFF8000  }
.LBB2_9:
0x114: {  	s1 =	sshll.u32 s26, $0x8;
	s2 =	sshll.u32 s26, $0x7  }
0x115: {  	s1 =	sand.u32 $0x1800, s1;
	s2 =	sand.u32 $0x380, s2  }
0x116: {  	v28 =	vld [tilespmem:s29+$0x44D0];
	s1 =	sor.u32 s2, s1  }
0x117: {  	v29 =	vld [tilespmem:s29+$0x44E0];
	s2 =	sadd.s32 $0x1C080, s1  }
0x118: {  	[tilespmem:s1+$0x1C080] =	vst.add.f32.msk $0xffff, v22;
	s30 =	sor.u32 $0x10, s2  }
0x119: {  	s31 =	sor.u32 $0x20, s2;
	[tilespmem:s30+$0x0] =	vst.add.f32.msk $0xffff, v21  }
0x11a: {  	s3 =	sor.u32 $0x30, s2;
	[tilespmem:s31+$0x0] =	vst.add.f32.msk $0xffff, v18  }
0x11b: {  	s28 =	sor.u32 $0x40, s2;
	[tilespmem:s3+$0x0] =	vst.add.f32.msk $0xffff, v12  }
0x11c: {  	s29 =	sor.u32 $0x50, s2;
	[tilespmem:s28+$0x0] =	vst.add.f32.msk $0xffff, v13  }
0x11d: {  	s30 =	sor.u32 $0x60, s2;
	[tilespmem:s29+$0x0] =	vst.add.f32.msk $0xffff, v14  }
0x11e: {  	v8 =	vadd.f32 v26, v8;
	s31 =	sor.u32 $0x70, s2;
	[tilespmem:s30+$0x0] =	vst.add.f32.msk $0xffff, v15  }
0x11f: {  	v60 =	vadd.f32 v24, v19;
	[tilespmem:s31+$0x0] =	vst.add.f32.msk $0xffff, v9  }
0x120: {  	v61 =	vadd.f32 v23, v16;
	[tilespmem:s2+$0x400] =	vst.add.f32.msk $0xffff, v8  }
0x121: {  	v62 =	vadd.f32 v27, v20;
	[tilespmem:s2+$0x410] =	vst.add.f32.msk $0xffff, v60  }
0x122: {  	v63 =	vadd.f32 v28, v17;
	[tilespmem:s2+$0x420] =	vst.add.f32.msk $0xffff, v61  }
0x123: {  	v8 =	vadd.f32 v25, v10;
	[tilespmem:s2+$0x440] =	vst.add.f32.msk $0xffff, v62  }
0x124: {  	[tilespmem:s2+$0x450] =	vst.add.f32.msk $0xffff, v63  }
0x125: {  	[tilespmem:s2+$0x430] =	vst.add.f32.msk $0xffff, v8;
	v8 =	vadd.f32 v29, v11  }
0x126: {  	[tilespmem:s2+$0x470] =	vst.add.f32.msk $0xffff, v7  }
0x127: {  	[tilespmem:s2+$0x460] =	vst.add.f32.msk $0xffff, v8  }
.LBB2_10:
0x128: {  	s26 =	sadd.s32 $0x1, s26  }
0x129: {  	p0 =	sne.s32 s26, $0x20  }
.Ltmp7:
0x12a: {  	_ = 	snop;
	(pc) =	sbr.rel @!p0 .LBB2_11-.Ltmp7, $1  }
0x12b: {  	_ =	sdelay $0x3  }
.LBB2_6:
0x12c: {  	s29 =	sld [smem:s26+$0x0]  }
0x12d: {  	s30 =	sld [smem:s26+$0x1];
	_ =	sdelay $0x1  }
0x12e: {  	s1 =	smov.u32 s24  }
0x12f: {  	s28 =	smov.u32 s25;
	p0 =	sgt.s32 s29, s24;
	p1 =	slt.s32 s30, s25  }
0x130: {  	s1 =	smov.u32 @p0 s29;
	s28 =	smov.u32 @p1 s30  }
0x131: {  	p0 =	sge.s32 s1, s28  }
.Ltmp8:
0x132: {  	_ = 	snop;
	(pc) =	sbr.rel @p0 .LBB2_10-.Ltmp8, $1  }
0x133: {  	_ =	sdelay $0x3  }
0x134: {  	p0 =	sgt.s32 s29, s16;
	s30 =	smov.u32 s16  }
0x135: {  	s30 =	smov.u32 @p0 s29  }
0x136: {  	s29 =	sadd.s32 s30, s17  }
0x137: {  	s31 =	sshll.u32 s30, $0x7;
	s2 =	sshll.u32 s29, $0x8  }
0x138: {  	s30 =	sand.u32 $0x380, s31;
	s29 =	sand.u32 $0xFFFFF800, s2  }
0x139: {  	s29 =	sor.u32 s30, s29  }
0x13a: {  	v7 =	vld [tilespmem:s29+$0x44F0]  }
0x13b: {  	v9 =	vld [tilespmem:s29+$0x4080]  }
0x13c: {  	v10 =	vld [tilespmem:s29+$0x4090]  }
0x13d: {  	v11 =	vld [tilespmem:s29+$0x40A0]  }
0x13e: {  	v12 =	vld [tilespmem:s29+$0x40B0]  }
0x13f: {  	v13 =	vld [tilespmem:s29+$0x40C0]  }
0x140: {  	v14 =	vld [tilespmem:s29+$0x40D0]  }
0x141: {  	v15 =	vld [tilespmem:s29+$0x40E0]  }
0x142: {  	v8 =	vimm.f32 $0.0e+00;
	s30 =	sadd.s32 $0x1, s1;
	v16 =	vld [tilespmem:s29+$0x40F0]  }
0x143: {  	p0 =	slt.s32 s30, s28;
	v7 =	vadd.f32 v7, v8  }
.Ltmp9:
0x144: {  	v26 =	vld [tilespmem:s29+$0x4480];
	v22 =	vadd.f32 v9, v8;
	v21 =	vadd.f32 v10, v8;
	(pc) =	sbr.rel @!p0 .LBB2_9-.Ltmp9, $4  }
0x145: {  	v19 =	vimm.f32 $0.0e+00;
	v24 =	vld [tilespmem:s29+$0x4490];
	v18 =	vadd.f32 v11, v8;
	v12 =	vadd.f32 v12, v8  }
0x146: {  	v20 =	vimm.f32 $0.0e+00;
	v23 =	vld [tilespmem:s29+$0x44A0];
	v13 =	vadd.f32 v13, v8;
	v14 =	vadd.f32 v14, v8  }
0x147: {  	v17 =	vimm.f32 $0.0e+00;
	v25 =	vld [tilespmem:s29+$0x44B0];
	v15 =	vadd.f32 v15, v8;
	v9 =	vadd.f32 v16, v8  }
0x148: {  	s31 =	sadd.s32 $0x80, s31;
	s1 =	sadd.s32 $0x100, s2;
	v27 =	vld [tilespmem:s29+$0x44C0];
	v16 =	vimm.f32 $0.0e+00;
	v10 =	vimm.f32 $0.0e+00;
	v11 =	vimm.f32 $0.0e+00  }
.LBB2_8:
0x149: {  	s2 =	sand.u32 $0xFFFFF800, s1;
	s3 =	sand.u32 $0x380, s31;
	s30 =	sadd.s32 $0x1, s30;
	v8 =	vadd.f32 v26, v8;
	v26 =	vld [tilespmem:s29+$0x44D0]  }
0x14a: {  	v19 =	vadd.f32 v24, v19;
	p0 =	slt.s32 s30, s28;
	v24 =	vld [tilespmem:s29+$0x44E0];
	s29 =	sor.u32 s3, s2  }
0x14b: {  	v16 =	vadd.f32 v23, v16;
	v28 =	vld [tilespmem:s29+$0x44F0]  }
0x14c: {  	v10 =	vadd.f32 v25, v10;
	v23 =	vld [tilespmem:s29+$0x4080]  }
0x14d: {  	v20 =	vadd.f32 v27, v20;
	v25 =	vld [tilespmem:s29+$0x4090]  }
0x14e: {  	v27 =	vld [tilespmem:s29+$0x40A0];
	v17 =	vadd.f32 v26, v17  }
0x14f: {  	v26 =	vld [tilespmem:s29+$0x40B0];
	v11 =	vadd.f32 v24, v11  }
0x150: {  	v24 =	vld [tilespmem:s29+$0x40C0];
	v7 =	vadd.f32 v28, v7  }
0x151: {  	v22 =	vadd.f32 v23, v22;
	v23 =	vld [tilespmem:s29+$0x40D0]  }
0x152: {  	v21 =	vadd.f32 v25, v21;
	v25 =	vld [tilespmem:s29+$0x40E0]  }
0x153: {  	v18 =	vadd.f32 v27, v18;
	v27 =	vld [tilespmem:s29+$0x40F0]  }
.Ltmp10:
0x154: {  	v12 =	vadd.f32 v26, v12;
	v26 =	vld [tilespmem:s29+$0x4480];
	(pc) =	sbr.rel @p0 .LBB2_8-.Ltmp10, $4  }
0x155: {  	v13 =	vadd.f32 v24, v13;
	v24 =	vld [tilespmem:s29+$0x4490]  }
0x156: {  	v14 =	vadd.f32 v23, v14;
	v23 =	vld [tilespmem:s29+$0x44A0]  }
0x157: {  	v15 =	vadd.f32 v25, v15;
	v25 =	vld [tilespmem:s29+$0x44B0]  }
0x158: {  	s31 =	sadd.s32 $0x80, s31;
	s1 =	sadd.s32 $0x100, s1;
	v9 =	vadd.f32 v27, v9;
	v27 =	vld [tilespmem:s29+$0x44C0]  }
.Ltmp11:
0x159: {  	_ = 	snop;
	(pc) =	sbr.rel .LBB2_9-.Ltmp11, $1  }
0x15a: {  	_ =	sdelay $0x3  }
.LBB2_11:
0x15b: {  	s1 =	sadd.s32 $0x3, s23  }
0x15c: {  	p0 =	sge.u32 s1, s14  }
0x15d: {  	s1 =	sshll.u32 @!p0 s1, $0xC  }
0x15e: {  	s31 =	sadd.s32 $0x1, s23;
	s1 =	sand.u32 @!p0 $0x1FFFF000, s1  }
0x15f: {  	s2 =	simm.s32 @!p0 $0x0;
	s3 =	simm.s32 @!p0 $0x4080;
	s1 =	sadd.s32 @!p0 s0, s1  }
0x160: {  	[tilespmem:s3], [sflag:$0x1] =	stream.linear.gather @!p0 [hbm4b:s1+s2], $0x8000, $0x38;
	[tilespmem:$0x1E100] =	vst v63  }
.Ltmp12:
0x161: {  	p0 =	sge.u32 s31, s14;
	(pc) =	sbr.rel .LBB2_12-.Ltmp12, $4  }
0x162: {  	s2 =	simm.s32 @!p0 $0x2  }
0x163: {  	_ =	swait.ge @!p0 [sflag:s2], $0x8000  }
0x164: {  	s24 =	sshll.u32 s31, $0x7;
	[sflag:s2] =	ssyncset.done @!p0 $0x0  }
0x165: {  	s26 =	simm.s32 $0x0;
	s25 =	sadd.s32 $0x80, s24;
	[sflag:s2] =	ssyncadd.s32 @!p0 $0xFFFF8000  }
.LBB2_15:
0x166: {  	s1 =	sshll.u32 s26, $0x8;
	s2 =	sshll.u32 s26, $0x7  }
0x167: {  	s1 =	sand.u32 $0x1800, s1;
	s2 =	sand.u32 $0x380, s2  }
0x168: {  	v28 =	vld [tilespmem:s29+$0xC4D0];
	s1 =	sor.u32 s2, s1  }
0x169: {  	v29 =	vld [tilespmem:s29+$0xC4E0];
	s2 =	sadd.s32 $0x1C080, s1  }
0x16a: {  	[tilespmem:s1+$0x1C080] =	vst.add.f32.msk $0xffff, v22;
	s30 =	sor.u32 $0x10, s2  }
0x16b: {  	s31 =	sor.u32 $0x20, s2;
	[tilespmem:s30+$0x0] =	vst.add.f32.msk $0xffff, v21  }
0x16c: {  	s3 =	sor.u32 $0x30, s2;
	[tilespmem:s31+$0x0] =	vst.add.f32.msk $0xffff, v18  }
0x16d: {  	s28 =	sor.u32 $0x40, s2;
	[tilespmem:s3+$0x0] =	vst.add.f32.msk $0xffff, v12  }
0x16e: {  	s29 =	sor.u32 $0x50, s2;
	[tilespmem:s28+$0x0] =	vst.add.f32.msk $0xffff, v13  }
0x16f: {  	s30 =	sor.u32 $0x60, s2;
	[tilespmem:s29+$0x0] =	vst.add.f32.msk $0xffff, v14  }
0x170: {  	v8 =	vadd.f32 v26, v8;
	s31 =	sor.u32 $0x70, s2;
	[tilespmem:s30+$0x0] =	vst.add.f32.msk $0xffff, v15  }
0x171: {  	v60 =	vadd.f32 v24, v19;
	[tilespmem:s31+$0x0] =	vst.add.f32.msk $0xffff, v9  }
0x172: {  	v61 =	vadd.f32 v23, v16;
	[tilespmem:s2+$0x400] =	vst.add.f32.msk $0xffff, v8  }
0x173: {  	v62 =	vadd.f32 v27, v20;
	[tilespmem:s2+$0x410] =	vst.add.f32.msk $0xffff, v60  }
0x174: {  	v63 =	vadd.f32 v28, v17;
	[tilespmem:s2+$0x420] =	vst.add.f32.msk $0xffff, v61  }
0x175: {  	v8 =	vadd.f32 v25, v10;
	[tilespmem:s2+$0x440] =	vst.add.f32.msk $0xffff, v62  }
0x176: {  	[tilespmem:s2+$0x450] =	vst.add.f32.msk $0xffff, v63  }
0x177: {  	[tilespmem:s2+$0x430] =	vst.add.f32.msk $0xffff, v8;
	v8 =	vadd.f32 v29, v11  }
0x178: {  	[tilespmem:s2+$0x470] =	vst.add.f32.msk $0xffff, v7  }
0x179: {  	[tilespmem:s2+$0x460] =	vst.add.f32.msk $0xffff, v8  }
.LBB2_16:
0x17a: {  	s26 =	sadd.s32 $0x1, s26  }
0x17b: {  	p0 =	sne.s32 s26, $0x20  }
.Ltmp13:
0x17c: {  	_ = 	snop;
	(pc) =	sbr.rel @!p0 .LBB2_17-.Ltmp13, $1  }
0x17d: {  	_ =	sdelay $0x3  }
.LBB2_12:
0x17e: {  	s29 =	sld [smem:s26+$0x0]  }
0x17f: {  	s2 =	sld [smem:s26+$0x1];
	_ =	sdelay $0x1  }
0x180: {  	s1 =	smov.u32 s24  }
0x181: {  	s28 =	smov.u32 s25;
	p0 =	sgt.s32 s29, s24;
	p1 =	slt.s32 s2, s25  }
0x182: {  	s1 =	smov.u32 @p0 s29;
	s28 =	smov.u32 @p1 s2  }
0x183: {  	p0 =	sge.s32 s1, s28  }
.Ltmp14:
0x184: {  	_ = 	snop;
	(pc) =	sbr.rel @p0 .LBB2_16-.Ltmp14, $1  }
0x185: {  	_ =	sdelay $0x3  }
0x186: {  	p0 =	sgt.s32 s29, s18;
	s2 =	smov.u32 s18  }
0x187: {  	s2 =	smov.u32 @p0 s29  }
0x188: {  	s3 =	sadd.s32 s2, s19  }
0x189: {  	s2 =	sshll.u32 s2, $0x7;
	s3 =	sshll.u32 s3, $0x8  }
0x18a: {  	s30 =	sand.u32 $0x380, s2;
	s29 =	sand.u32 $0xFFFFF800, s3  }
0x18b: {  	s29 =	sor.u32 s30, s29  }
0x18c: {  	v7 =	vld [tilespmem:s29+$0xC4F0]  }
0x18d: {  	v9 =	vld [tilespmem:s29+$0xC080]  }
0x18e: {  	v10 =	vld [tilespmem:s29+$0xC090]  }
0x18f: {  	v11 =	vld [tilespmem:s29+$0xC0A0]  }
0x190: {  	v12 =	vld [tilespmem:s29+$0xC0B0]  }
0x191: {  	v13 =	vld [tilespmem:s29+$0xC0C0]  }
0x192: {  	v14 =	vld [tilespmem:s29+$0xC0D0]  }
0x193: {  	v15 =	vld [tilespmem:s29+$0xC0E0]  }
0x194: {  	v8 =	vimm.f32 $0.0e+00;
	s30 =	sadd.s32 $0x1, s1;
	v16 =	vld [tilespmem:s29+$0xC0F0]  }
0x195: {  	p0 =	slt.s32 s30, s28;
	v7 =	vadd.f32 v7, v8  }
.Ltmp15:
0x196: {  	v26 =	vld [tilespmem:s29+$0xC480];
	v22 =	vadd.f32 v9, v8;
	v21 =	vadd.f32 v10, v8;
	(pc) =	sbr.rel @!p0 .LBB2_15-.Ltmp15, $4  }
0x197: {  	v19 =	vimm.f32 $0.0e+00;
	v24 =	vld [tilespmem:s29+$0xC490];
	v18 =	vadd.f32 v11, v8;
	v12 =	vadd.f32 v12, v8  }
0x198: {  	v20 =	vimm.f32 $0.0e+00;
	v23 =	vld [tilespmem:s29+$0xC4A0];
	v13 =	vadd.f32 v13, v8;
	v14 =	vadd.f32 v14, v8  }
0x199: {  	v17 =	vimm.f32 $0.0e+00;
	v25 =	vld [tilespmem:s29+$0xC4B0];
	v15 =	vadd.f32 v15, v8;
	v9 =	vadd.f32 v16, v8  }
0x19a: {  	s31 =	sadd.s32 $0x80, s2;
	s1 =	sadd.s32 $0x100, s3;
	v27 =	vld [tilespmem:s29+$0xC4C0];
	v16 =	vimm.f32 $0.0e+00;
	v10 =	vimm.f32 $0.0e+00;
	v11 =	vimm.f32 $0.0e+00  }
.LBB2_14:
0x19b: {  	s2 =	sand.u32 $0xFFFFF800, s1;
	s3 =	sand.u32 $0x380, s31;
	s30 =	sadd.s32 $0x1, s30;
	v8 =	vadd.f32 v26, v8;
	v26 =	vld [tilespmem:s29+$0xC4D0]  }
0x19c: {  	v19 =	vadd.f32 v24, v19;
	p0 =	slt.s32 s30, s28;
	v24 =	vld [tilespmem:s29+$0xC4E0];
	s29 =	sor.u32 s3, s2  }
0x19d: {  	v16 =	vadd.f32 v23, v16;
	v28 =	vld [tilespmem:s29+$0xC4F0]  }
0x19e: {  	v10 =	vadd.f32 v25, v10;
	v23 =	vld [tilespmem:s29+$0xC080]  }
0x19f: {  	v20 =	vadd.f32 v27, v20;
	v25 =	vld [tilespmem:s29+$0xC090]  }
0x1a0: {  	v27 =	vld [tilespmem:s29+$0xC0A0];
	v17 =	vadd.f32 v26, v17  }
0x1a1: {  	v26 =	vld [tilespmem:s29+$0xC0B0];
	v11 =	vadd.f32 v24, v11  }
0x1a2: {  	v24 =	vld [tilespmem:s29+$0xC0C0];
	v7 =	vadd.f32 v28, v7  }
0x1a3: {  	v22 =	vadd.f32 v23, v22;
	v23 =	vld [tilespmem:s29+$0xC0D0]  }
0x1a4: {  	v21 =	vadd.f32 v25, v21;
	v25 =	vld [tilespmem:s29+$0xC0E0]  }
0x1a5: {  	v18 =	vadd.f32 v27, v18;
	v27 =	vld [tilespmem:s29+$0xC0F0]  }
.Ltmp16:
0x1a6: {  	v12 =	vadd.f32 v26, v12;
	v26 =	vld [tilespmem:s29+$0xC480];
	(pc) =	sbr.rel @p0 .LBB2_14-.Ltmp16, $4  }
0x1a7: {  	v13 =	vadd.f32 v24, v13;
	v24 =	vld [tilespmem:s29+$0xC490]  }
0x1a8: {  	v14 =	vadd.f32 v23, v14;
	v23 =	vld [tilespmem:s29+$0xC4A0]  }
0x1a9: {  	v15 =	vadd.f32 v25, v15;
	v25 =	vld [tilespmem:s29+$0xC4B0]  }
0x1aa: {  	s31 =	sadd.s32 $0x80, s31;
	s1 =	sadd.s32 $0x100, s1;
	v9 =	vadd.f32 v27, v9;
	v27 =	vld [tilespmem:s29+$0xC4C0]  }
.Ltmp17:
0x1ab: {  	_ = 	snop;
	(pc) =	sbr.rel .LBB2_15-.Ltmp17, $1  }
0x1ac: {  	_ =	sdelay $0x3  }
.LBB2_17:
0x1ad: {  	s1 =	sadd.s32 $0x4, s23  }
0x1ae: {  	p0 =	sge.u32 s1, s14  }
0x1af: {  	s1 =	sshll.u32 @!p0 s1, $0xC  }
0x1b0: {  	s31 =	sadd.s32 $0x2, s23;
	s1 =	sand.u32 @!p0 $0x1FFFF000, s1  }
0x1b1: {  	s2 =	simm.s32 @!p0 $0x0;
	s3 =	simm.s32 @!p0 $0xC080;
	s1 =	sadd.s32 @!p0 s0, s1  }
0x1b2: {  	[tilespmem:s3], [sflag:$0x2] =	stream.linear.gather @!p0 [hbm4b:s1+s2], $0x8000, $0x38;
	[tilespmem:$0x1E100] =	vst v63  }
.Ltmp18:
0x1b3: {  	p0 =	sge.u32 s31, s14;
	(pc) =	sbr.rel .LBB2_18-.Ltmp18, $4  }
0x1b4: {  	s2 =	simm.s32 @!p0 $0x3  }
0x1b5: {  	_ =	swait.ge @!p0 [sflag:s2], $0x8000  }
0x1b6: {  	s24 =	sshll.u32 s31, $0x7;
	[sflag:s2] =	ssyncset.done @!p0 $0x0  }
0x1b7: {  	s26 =	simm.s32 $0x0;
	s25 =	sadd.s32 $0x80, s24;
	[sflag:s2] =	ssyncadd.s32 @!p0 $0xFFFF8000  }
.LBB2_21:
0x1b8: {  	s1 =	sshll.u32 s26, $0x8;
	s2 =	sshll.u32 s26, $0x7  }
0x1b9: {  	s1 =	sand.u32 $0x1800, s1;
	s2 =	sand.u32 $0x380, s2  }
0x1ba: {  	v28 =	vld [tilespmem:s29+$0x450];
	s1 =	sor.u32 s2, s1  }
0x1bb: {  	v29 =	vld [tilespmem:s29+$0x460];
	s2 =	sadd.s32 $0x1C080, s1  }
0x1bc: {  	[tilespmem:s1+$0x1C080] =	vst.add.f32.msk $0xffff, v21;
	s30 =	sor.u32 $0x10, s2  }
0x1bd: {  	s31 =	sor.u32 $0x20, s2;
	[tilespmem:s30+$0x0] =	vst.add.f32.msk $0xffff, v22  }
0x1be: {  	s3 =	sor.u32 $0x30, s2;
	[tilespmem:s31+$0x0] =	vst.add.f32.msk $0xffff, v18  }
0x1bf: {  	s28 =	sor.u32 $0x40, s2;
	[tilespmem:s3+$0x0] =	vst.add.f32.msk $0xffff, v12  }
0x1c0: {  	s29 =	sor.u32 $0x50, s2;
	[tilespmem:s28+$0x0] =	vst.add.f32.msk $0xffff, v13  }
0x1c1: {  	s30 =	sor.u32 $0x60, s2;
	[tilespmem:s29+$0x0] =	vst.add.f32.msk $0xffff, v14  }
0x1c2: {  	v8 =	vadd.f32 v26, v8;
	s31 =	sor.u32 $0x70, s2;
	[tilespmem:s30+$0x0] =	vst.add.f32.msk $0xffff, v15  }
0x1c3: {  	v60 =	vadd.f32 v24, v19;
	[tilespmem:s31+$0x0] =	vst.add.f32.msk $0xffff, v9  }
0x1c4: {  	v61 =	vadd.f32 v23, v16;
	[tilespmem:s2+$0x400] =	vst.add.f32.msk $0xffff, v8  }
0x1c5: {  	v62 =	vadd.f32 v27, v20;
	[tilespmem:s2+$0x410] =	vst.add.f32.msk $0xffff, v60  }
0x1c6: {  	v63 =	vadd.f32 v28, v17;
	[tilespmem:s2+$0x420] =	vst.add.f32.msk $0xffff, v61  }
0x1c7: {  	v8 =	vadd.f32 v25, v10;
	[tilespmem:s2+$0x440] =	vst.add.f32.msk $0xffff, v62  }
0x1c8: {  	[tilespmem:s2+$0x450] =	vst.add.f32.msk $0xffff, v63  }
0x1c9: {  	[tilespmem:s2+$0x430] =	vst.add.f32.msk $0xffff, v8;
	v8 =	vadd.f32 v29, v11  }
0x1ca: {  	[tilespmem:s2+$0x470] =	vst.add.f32.msk $0xffff, v7  }
0x1cb: {  	[tilespmem:s2+$0x460] =	vst.add.f32.msk $0xffff, v8  }
.LBB2_22:
0x1cc: {  	s26 =	sadd.s32 $0x1, s26  }
0x1cd: {  	p0 =	sne.s32 s26, $0x20  }
.Ltmp19:
0x1ce: {  	_ = 	snop;
	(pc) =	sbr.rel @!p0 .LBB2_23-.Ltmp19, $1  }
0x1cf: {  	_ =	sdelay $0x3  }
.LBB2_18:
0x1d0: {  	s29 =	sld [smem:s26+$0x0]  }
0x1d1: {  	s2 =	sld [smem:s26+$0x1];
	_ =	sdelay $0x1  }
0x1d2: {  	s1 =	smov.u32 s24  }
0x1d3: {  	s28 =	smov.u32 s25;
	p0 =	sgt.s32 s29, s24;
	p1 =	slt.s32 s2, s25  }
0x1d4: {  	s1 =	smov.u32 @p0 s29;
	s28 =	smov.u32 @p1 s2  }
0x1d5: {  	p0 =	sge.s32 s1, s28  }
.Ltmp20:
0x1d6: {  	_ = 	snop;
	(pc) =	sbr.rel @p0 .LBB2_22-.Ltmp20, $1  }
0x1d7: {  	_ =	sdelay $0x3  }
0x1d8: {  	p0 =	sgt.s32 s29, s20;
	s2 =	smov.u32 s20  }
0x1d9: {  	s2 =	smov.u32 @p0 s29  }
0x1da: {  	s3 =	sadd.s32 s2, s21  }
0x1db: {  	s2 =	sshll.u32 s2, $0x7;
	s3 =	sshll.u32 s3, $0x8  }
0x1dc: {  	s30 =	sand.u32 $0x380, s2;
	s29 =	sand.u32 $0xFFFFF800, s3  }
0x1dd: {  	s30 =	sor.u32 s30, s29  }
0x1de: {  	s29 =	sadd.s32 $0x14080, s30;
	v7 =	vld [tilespmem:s30+$0x14080]  }
0x1df: {  	v9 =	vld [tilespmem:s29+$0x470]  }
0x1e0: {  	v10 =	vld [tilespmem:s29+$0x10]  }
0x1e1: {  	v11 =	vld [tilespmem:s29+$0x20]  }
0x1e2: {  	v12 =	vld [tilespmem:s29+$0x30]  }
0x1e3: {  	v13 =	vld [tilespmem:s29+$0x40]  }
0x1e4: {  	v14 =	vld [tilespmem:s29+$0x50]  }
0x1e5: {  	v15 =	vld [tilespmem:s29+$0x60]  }
0x1e6: {  	v8 =	vimm.f32 $0.0e+00;
	s30 =	sadd.s32 $0x1, s1;
	v16 =	vld [tilespmem:s29+$0x70]  }
0x1e7: {  	p0 =	slt.s32 s30, s28;
	v21 =	vadd.f32 v7, v8  }
.Ltmp21:
0x1e8: {  	v26 =	vld [tilespmem:s29+$0x400];
	v7 =	vadd.f32 v9, v8;
	v22 =	vadd.f32 v10, v8;
	(pc) =	sbr.rel @!p0 .LBB2_21-.Ltmp21, $4  }
0x1e9: {  	v19 =	vimm.f32 $0.0e+00;
	v24 =	vld [tilespmem:s29+$0x410];
	v18 =	vadd.f32 v11, v8;
	v12 =	vadd.f32 v12, v8  }
0x1ea: {  	v20 =	vimm.f32 $0.0e+00;
	v23 =	vld [tilespmem:s29+$0x420];
	v13 =	vadd.f32 v13, v8;
	v14 =	vadd.f32 v14, v8  }
0x1eb: {  	v17 =	vimm.f32 $0.0e+00;
	v25 =	vld [tilespmem:s29+$0x430];
	v15 =	vadd.f32 v15, v8;
	v9 =	vadd.f32 v16, v8  }
0x1ec: {  	s31 =	sadd.s32 $0x80, s2;
	s1 =	sadd.s32 $0x100, s3;
	v27 =	vld [tilespmem:s29+$0x440];
	v16 =	vimm.f32 $0.0e+00;
	v10 =	vimm.f32 $0.0e+00;
	v11 =	vimm.f32 $0.0e+00  }
.LBB2_20:
0x1ed: {  	s2 =	sand.u32 $0xFFFFF800, s1;
	s3 =	sand.u32 $0x380, s31;
	s30 =	sadd.s32 $0x1, s30;
	v8 =	vadd.f32 v26, v8;
	v26 =	vld [tilespmem:s29+$0x450]  }
0x1ee: {  	v19 =	vadd.f32 v24, v19;
	s2 =	sor.u32 s3, s2;
	p0 =	slt.s32 s30, s28;
	v24 =	vld [tilespmem:s29+$0x460]  }
0x1ef: {  	v16 =	vadd.f32 v23, v16;
	s29 =	sadd.s32 $0x14080, s2;
	v28 =	vld [tilespmem:s2+$0x14080]  }
0x1f0: {  	v10 =	vadd.f32 v25, v10;
	v23 =	vld [tilespmem:s29+$0x470]  }
0x1f1: {  	v20 =	vadd.f32 v27, v20;
	v25 =	vld [tilespmem:s29+$0x10]  }
0x1f2: {  	v27 =	vld [tilespmem:s29+$0x20];
	v17 =	vadd.f32 v26, v17  }
0x1f3: {  	v26 =	vld [tilespmem:s29+$0x30];
	v11 =	vadd.f32 v24, v11  }
0x1f4: {  	v21 =	vadd.f32 v28, v21;
	v24 =	vld [tilespmem:s29+$0x40]  }
0x1f5: {  	v28 =	vld [tilespmem:s29+$0x50];
	v7 =	vadd.f32 v23, v7  }
0x1f6: {  	v22 =	vadd.f32 v25, v22;
	v25 =	vld [tilespmem:s29+$0x60]  }
0x1f7: {  	v18 =	vadd.f32 v27, v18;
	v27 =	vld [tilespmem:s29+$0x70]  }
.Ltmp22:
0x1f8: {  	v12 =	vadd.f32 v26, v12;
	v26 =	vld [tilespmem:s29+$0x400];
	(pc) =	sbr.rel @p0 .LBB2_20-.Ltmp22, $4  }
0x1f9: {  	v13 =	vadd.f32 v24, v13;
	v24 =	vld [tilespmem:s29+$0x410]  }
0x1fa: {  	v14 =	vadd.f32 v28, v14;
	v23 =	vld [tilespmem:s29+$0x420]  }
0x1fb: {  	v15 =	vadd.f32 v25, v15;
	v25 =	vld [tilespmem:s29+$0x430]  }
0x1fc: {  	s31 =	sadd.s32 $0x80, s31;
	s1 =	sadd.s32 $0x100, s1;
	v9 =	vadd.f32 v27, v9;
	v27 =	vld [tilespmem:s29+$0x440]  }
.Ltmp23:
0x1fd: {  	_ = 	snop;
	(pc) =	sbr.rel .LBB2_21-.Ltmp23, $1  }
0x1fe: {  	_ =	sdelay $0x3  }
.LBB2_25:
0x1ff: {  	_ =	sfence.sel $0x180000  }
0x200: {  	[bflag:$0x0] =	sbarrier.arrive $0xFFFF  }
0x201: {  	_ =	strace $0x90000047  }
0x202: {  	s0 =	stileid.u32;
	[bflag:$0x2] =	sbarrier.arrive $0xFFFF  }
0x203: {  	p0 =	sne.s32 s0, $0x0;
	s0 =	rddreg [dreg:$0x4]  }
0x204: {  	s0 =	sadd.s32 @!p0 $0x100000, s0  }
0x205: {  	[sflag:s0] =	ssyncadd.tile.s32 @!p0 $0x1;
	_ =	shalt  }
.Lfunc_end2:
_tile_overlayer_lowered:
.L_overlay_start_2:
0x206: {  	(tag) =	ssettag $0x2  }
0x207: {  	s0 =	rddreg [dreg:$0x0];
	s2 =	stileid.u32  }
0x208: {  	s1 =	rddreg [dreg:$0x1];
	p0 =	sne.s32 s2, $0x0  }
0x209: {  	s3 =	rddreg [dreg:$0x2];
	[bflag:$0x3] =	sbarrier.arrive $0xFFFF;
	s2 =	simm.s32 @!p0 $0x1C05  }
0x20a: {  	[timem:s3], [sflag:s2] =	dma.local @!p0 [hbm:s0], s1  }
0x20b: {  	s0 =	simm.s32 @!p0 $0x5  }
0x20c: {  	_ =	swait.ge @!p0 [sflag:s0], s1  }
0x20d: {  	s1 =	ssub.s32 @!p0 $0x0, s1;
	[sflag:s0] =	ssyncset.done @!p0 $0x0  }
0x20e: {  	[sflag:s0] =	ssyncadd.s32 @!p0 s1  }
0x20f: {  	[bflag:$0x3] =	sbarrier.arrive $0xFFFF  }
0x210: {  	_ =	shalt  }

</sc_bundles>
